<compile_context>
chip_gen: v7x
topology: tpu7x:2x2x1
jax: 0.10.2.dev20260603
libtpu: 0.0.44.dev20260713+nightly
codegen_flags: <defaults>
</compile_context>

<pallas_src>
import functools

import jax
import jax.numpy as jnp
from jax import lax
from jax.experimental import pallas as pl
from jax.experimental.pallas import tpu as pltpu
from jax.experimental.pallas import tpu_sc as plsc

_ITEM_NUM = 1000000
_EMBED_DIM = 64
_BATCH = 16384
_HIST = 50

_NC = 2
_NS = 16
_NW = _NC * _NS
_B = _BATCH * _HIST
_BPW = _B // _NW
_C = 128
_NCHUNK = _BPW // _C
_NBUF = 4
_NTB = 2
_BB = _BATCH // 128


def _sc_gather(table, idx):
    mesh = plsc.VectorSubcoreMesh(core_axis_name="c", subcore_axis_name="s")

    @functools.partial(
        pl.kernel,
        out_type=jax.ShapeDtypeStruct((_HIST, 8, _BB, 8, 128), jnp.float32),
        mesh=mesh,
        scratch_types=[
            pltpu.VMEM((_BPW,), jnp.int32),
            pltpu.VMEM((_NBUF, _C, _EMBED_DIM), jnp.float32),
            pltpu.VMEM((_NTB, 8, 8, 129), jnp.float32),
            pltpu.SemaphoreType.DMA,
            pltpu.SemaphoreType.DMA,
        ],
        compiler_params=pltpu.CompilerParams(
            use_tc_tiling_on_sc=False,
            needs_layout_passes=False,
            disable_bounds_checks=True,
        ),
    )
    def k(table_hbm, idx_hbm, out_hbm, idx_v, gbuf, tbuf, gsem, ssem):
        wid = lax.axis_index("s") * _NC + lax.axis_index("c")
        base = wid * _BPW
        pltpu.sync_copy(idx_hbm.at[pl.ds(base, _BPW)], idx_v)
        q0 = wid * _NCHUNK

        def gather(c, b):
            pltpu.async_copy(
                table_hbm.at[idx_v.at[pl.ds(c * _C, _C)]], gbuf.at[b], gsem
            )

        def scatter(c, b):
            q = q0 + c
            pltpu.async_copy(
                tbuf.at[b, :, :, pl.ds(0, 128)],
                out_hbm.at[q // _BB, :, q % _BB],
                ssem,
            )

        def drain_scatter(b):
            pltpu.make_async_copy(
                out_hbm.at[0, :, 0],
                tbuf.at[b, :, :, pl.ds(0, 128)],
                ssem,
            ).wait()

        def transpose(b, t):
            lanes = lax.iota(jnp.int32, 16)

            @plsc.parallel_loop(0, _C, step=1, unroll=8)
            def _(r):
                rcol = jnp.full((16,), 0, jnp.int32) + r
                for g in range(4):
                    vec = gbuf[b, r, pl.ds(g * 16, 16)]
                    jj = g * 16 + lanes
                    plsc.store_scatter(
                        tbuf.at[t], [jj // 8, jj % 8, rcol], vec
                    )

        for p in range(_NBUF - 1):
            gather(p, p)

        def body(c, carry):
            for u in range(_NBUF):
                cc = c * _NBUF + u
                t = u % _NTB

                pltpu.make_async_copy(
                    table_hbm.at[pl.ds(0, _C)], gbuf.at[u], gsem
                ).wait()
                @pl.when(cc >= _NTB)
                def _():
                    drain_scatter(t)

                transpose(u, t)
                scatter(cc, t)

                @pl.when(cc + _NBUF - 1 < _NCHUNK)
                def _():
                    gather(cc + _NBUF - 1, (u + _NBUF - 1) % _NBUF)
            return carry

        lax.fori_loop(0, _NCHUNK // _NBUF, body, 0)
        for t in range(_NTB):
            drain_scatter(t)

    return k(table, idx)


def kernel(data, ivectors):
    flat = data.T.reshape(-1).astype(jnp.int32)
    out5 = _sc_gather(ivectors, flat)
    out = out5.transpose(2, 4, 0, 1, 3).reshape(_BATCH, _HIST, _EMBED_DIM)
    return out

# --- scband reference (transcript-rebuilt; emitter-appended) ---
"""Pipeline reference for scband-item2-vec-5308579578064 (READ-ONLY COPY).

The authoritative reference and input builder live on the scoring server;
editing this copy changes nothing except your own understanding.
"""

import jax, jax.numpy as jnp
import numpy as np

ITEM_NUM = 1000000
EMBED_DIM = 64
BATCH = 16384
HIST = 50

def setup_inputs(seed: int = 0) -> dict:
    key = jax.random.key(seed)
    k_idx, k_iv = jax.random.split(key, 2)
    data = jax.random.randint(k_idx, (BATCH, HIST), 0, ITEM_NUM, dtype=jnp.int64 if jax.config.jax_enable_x64 else jnp.int32)
    bound = 0.5 / EMBED_DIM
    body = jax.random.uniform(k_iv, (ITEM_NUM - 1, EMBED_DIM), dtype=jnp.float32, minval=-bound, maxval=bound)
    ivectors = jnp.concatenate([jnp.zeros((1, EMBED_DIM), dtype=jnp.float32), body], axis=0)
    return {"data": data, "ivectors": ivectors}

def reference(data, ivectors):
    # Item2Vec.forward -> forward_i: embedding lookup into ivectors
    # padding_idx=0 row is zeros by construction (matches torch init)
    return jnp.take(ivectors, data, axis=0)

if __name__ == "__main__":
    import jax
    _d = setup_inputs()
    print(jax.jit(kernel)(*tuple(_d.values())))

</pallas_src>

<mosaic_0001>
#map = affine_map<(d0, d1) -> (0, 0)>
#map1 = affine_map<(d0, d1) -> (0)>
#map2 = affine_map<(d0, d1) -> (0, 0, 0, 0, 0)>
module attributes {stable_mosaic.version = 14 : i64} {
  func.func @k(%arg0: i32, %arg1: i32, %arg2: memref<1000000x64xf32, #tpu.memory_space<hbm>>, %arg3: memref<819200xi32, #tpu.memory_space<hbm>>, %arg4: memref<50x8x128x8x128xf32, #tpu.memory_space<hbm>>, %arg5: memref<25600xi32, #tpu.memory_space<vmem>>, %arg6: memref<4x128x64xf32, #tpu.memory_space<vmem>>, %arg7: memref<2x8x8x129xf32, #tpu.memory_space<vmem>>, %arg8: memref<!tpu.dma_semaphore, #tpu.memory_space<semaphore_mem>>, %arg9: memref<!tpu.dma_semaphore, #tpu.memory_space<semaphore_mem>>) attributes {dimension_semantics = [#tpu.dimension_semantics<core_parallel>, #tpu.dimension_semantics<subcore_parallel>], iteration_bounds = array<i64: 2, 16>, scalar_prefetch = 0 : i64, scratch_operands = 5 : i64, tpu.core_type = #tpu.core_type<sc_vector_subcore>, window_params = [{transform_indices = #map}, {transform_indices = #map1}, {transform_indices = #map2}]} {
    %mul3A = arith.constant 2 : i32
    %mul3A_0 = arith.muli %arg1, %mul3A : i32
    %add3A = arith.addi %mul3A_0, %arg0 : i32
    %mul3A_1 = arith.constant 25600 : i32
    %mul3A_2 = arith.muli %add3A, %mul3A_1 : i32
    "tpu.region"() ({
      %run_scoped3A = tpu.sem_alloc : memref<!tpu.dma_semaphore, #tpu.memory_space<semaphore_mem>>
      %dma_start3A_84 = tpu.memref_slice %arg3[%mul3A_2] : memref<819200xi32, #tpu.memory_space<hbm>> -> memref<25600xi32, #tpu.memory_space<hbm>>
      %dma_start3A_85 = tpu.memref_slice %arg3[%mul3A_2] : memref<819200xi32, #tpu.memory_space<hbm>> -> memref<25600xi32, #tpu.memory_space<hbm>>
      tpu.enqueue_dma source(%dma_start3A_85 : memref<25600xi32, #tpu.memory_space<hbm>>) target(%arg5 : memref<25600xi32, #tpu.memory_space<vmem>>) target_semaphore(%run_scoped3A : memref<!tpu.dma_semaphore, #tpu.memory_space<semaphore_mem>>)
      %dma_wait3A_86 = tpu.memref_slice %arg3[%mul3A_2] : memref<819200xi32, #tpu.memory_space<hbm>> -> memref<25600xi32, #tpu.memory_space<hbm>>
      %dma_wait3A_87 = tpu.memref_slice %arg3[%mul3A_2] : memref<819200xi32, #tpu.memory_space<hbm>> -> memref<25600xi32, #tpu.memory_space<hbm>>
      tpu.wait_dma2 semaphore(%run_scoped3A : memref<!tpu.dma_semaphore, #tpu.memory_space<semaphore_mem>>) src(%dma_wait3A_87 : memref<25600xi32, #tpu.memory_space<hbm>>) dst(%arg5 : memref<25600xi32, #tpu.memory_space<vmem>>)
      tpu.yield
    }) : () -> ()
    %mul3A_3 = arith.constant 200 : i32
    %mul3A_4 = arith.muli %add3A, %mul3A_3 : i32
    %dma_start3A = arith.constant 0 : i32
    %dma_start3A_5 = arith.constant 0 : i32
    %dma_start3A_6 = arith.constant 0 : i32
    %dma_start3A_7 = tpu.memref_slice %arg6[%dma_start3A, %dma_start3A_5, %dma_start3A_6] : memref<4x128x64xf32, #tpu.memory_space<vmem>> -> memref<1x128x64xf32, #tpu.memory_space<vmem>>
    %dma_start3A_8 = tpu.memref_squeeze %dma_start3A_7 : memref<1x128x64xf32, #tpu.memory_space<vmem>> -> memref<128x64xf32, #tpu.memory_space<vmem>>
    %dma_start3A_9 = arith.constant 0 : i32
    %dma_start3A_10 = tpu.memref_slice %arg5[%dma_start3A_9] : memref<25600xi32, #tpu.memory_space<vmem>> -> memref<128xi32, #tpu.memory_space<vmem>>
    %dma_start3A_11 = arith.constant 0 : i32
    %dma_start3A_12 = arith.constant 0 : i32
    %dma_start3A_13 = tpu.memref_slice %arg2[%dma_start3A_11, %dma_start3A_12] : memref<1000000x64xf32, #tpu.memory_space<hbm>> -> memref<1000000x64xf32, #tpu.memory_space<hbm>>
    tpu.enqueue_indirect_dma source(%dma_start3A_13 : memref<1000000x64xf32, #tpu.memory_space<hbm>>) target(%dma_start3A_8 : memref<128x64xf32, #tpu.memory_space<vmem>>) offsets(%dma_start3A_10 : memref<128xi32, #tpu.memory_space<vmem>>) semaphore(%arg8 : memref<!tpu.dma_semaphore, #tpu.memory_space<semaphore_mem>>)
    %dma_start3A_14 = arith.constant 1 : i32
    %dma_start3A_15 = arith.constant 0 : i32
    %dma_start3A_16 = arith.constant 0 : i32
    %dma_start3A_17 = tpu.memref_slice %arg6[%dma_start3A_14, %dma_start3A_15, %dma_start3A_16] : memref<4x128x64xf32, #tpu.memory_space<vmem>> -> memref<1x128x64xf32, #tpu.memory_space<vmem>>
    %dma_start3A_18 = tpu.memref_squeeze %dma_start3A_17 : memref<1x128x64xf32, #tpu.memory_space<vmem>> -> memref<128x64xf32, #tpu.memory_space<vmem>>
    %dma_start3A_19 = arith.constant 128 : i32
    %dma_start3A_20 = tpu.memref_slice %arg5[%dma_start3A_19] : memref<25600xi32, #tpu.memory_space<vmem>> -> memref<128xi32, #tpu.memory_space<vmem>>
    %dma_start3A_21 = arith.constant 0 : i32
    %dma_start3A_22 = arith.constant 0 : i32
    %dma_start3A_23 = tpu.memref_slice %arg2[%dma_start3A_21, %dma_start3A_22] : memref<1000000x64xf32, #tpu.memory_space<hbm>> -> memref<1000000x64xf32, #tpu.memory_space<hbm>>
    tpu.enqueue_indirect_dma source(%dma_start3A_23 : memref<1000000x64xf32, #tpu.memory_space<hbm>>) target(%dma_start3A_18 : memref<128x64xf32, #tpu.memory_space<vmem>>) offsets(%dma_start3A_20 : memref<128xi32, #tpu.memory_space<vmem>>) semaphore(%arg8 : memref<!tpu.dma_semaphore, #tpu.memory_space<semaphore_mem>>)
    %dma_start3A_24 = arith.constant 2 : i32
    %dma_start3A_25 = arith.constant 0 : i32
    %dma_start3A_26 = arith.constant 0 : i32
    %dma_start3A_27 = tpu.memref_slice %arg6[%dma_start3A_24, %dma_start3A_25, %dma_start3A_26] : memref<4x128x64xf32, #tpu.memory_space<vmem>> -> memref<1x128x64xf32, #tpu.memory_space<vmem>>
    %dma_start3A_28 = tpu.memref_squeeze %dma_start3A_27 : memref<1x128x64xf32, #tpu.memory_space<vmem>> -> memref<128x64xf32, #tpu.memory_space<vmem>>
    %dma_start3A_29 = arith.constant 256 : i32
    %dma_start3A_30 = tpu.memref_slice %arg5[%dma_start3A_29] : memref<25600xi32, #tpu.memory_space<vmem>> -> memref<128xi32, #tpu.memory_space<vmem>>
    %dma_start3A_31 = arith.constant 0 : i32
    %dma_start3A_32 = arith.constant 0 : i32
    %dma_start3A_33 = tpu.memref_slice %arg2[%dma_start3A_31, %dma_start3A_32] : memref<1000000x64xf32, #tpu.memory_space<hbm>> -> memref<1000000x64xf32, #tpu.memory_space<hbm>>
    tpu.enqueue_indirect_dma source(%dma_start3A_33 : memref<1000000x64xf32, #tpu.memory_space<hbm>>) target(%dma_start3A_28 : memref<128x64xf32, #tpu.memory_space<vmem>>) offsets(%dma_start3A_30 : memref<128xi32, #tpu.memory_space<vmem>>) semaphore(%arg8 : memref<!tpu.dma_semaphore, #tpu.memory_space<semaphore_mem>>)
    %scan3A = arith.constant 0 : i32
    %scan3A_34 = arith.constant 0 : i32
    %scan3A_35 = arith.constant 50 : i32
    %scan3A_36 = arith.addi %scan3A_34, %scan3A_35 : i32
    %scan3A_37 = arith.constant 1 : i32
    scf.for %scan3A_84 = %scan3A_34 to %scan3A_36 step %scan3A_37  : i32 {
      %mul3A_85 = arith.constant 4 : i32
      %mul3A_86 = arith.muli %scan3A_84, %mul3A_85 : i32
      %add3A_87 = arith.constant 0 : i32
      %add3A_88 = arith.addi %mul3A_86, %add3A_87 : i32
      %dma_wait3A_89 = arith.constant 0 : i32
      %dma_wait3A_90 = arith.constant 0 : i32
      %dma_wait3A_91 = arith.constant 0 : i32
      %dma_wait3A_92 = tpu.memref_slice %arg6[%dma_wait3A_89, %dma_wait3A_90, %dma_wait3A_91] : memref<4x128x64xf32, #tpu.memory_space<vmem>> -> memref<1x128x64xf32, #tpu.memory_space<vmem>>
      %dma_wait3A_93 = tpu.memref_squeeze %dma_wait3A_92 : memref<1x128x64xf32, #tpu.memory_space<vmem>> -> memref<128x64xf32, #tpu.memory_space<vmem>>
      %dma_wait3A_94 = arith.constant 0 : i32
      %dma_wait3A_95 = arith.constant 0 : i32
      %dma_wait3A_96 = tpu.memref_slice %arg2[%dma_wait3A_94, %dma_wait3A_95] : memref<1000000x64xf32, #tpu.memory_space<hbm>> -> memref<128x64xf32, #tpu.memory_space<hbm>>
      %dma_wait3A_97 = arith.constant 0 : i32
      %dma_wait3A_98 = arith.constant 0 : i32
      %dma_wait3A_99 = tpu.memref_slice %arg6[%dma_wait3A_89, %dma_wait3A_97, %dma_wait3A_98] : memref<4x128x64xf32, #tpu.memory_space<vmem>> -> memref<1x128x64xf32, #tpu.memory_space<vmem>>
      %dma_wait3A_100 = tpu.memref_squeeze %dma_wait3A_99 : memref<1x128x64xf32, #tpu.memory_space<vmem>> -> memref<128x64xf32, #tpu.memory_space<vmem>>
      %dma_wait3A_101 = arith.constant 0 : i32
      %dma_wait3A_102 = arith.constant 0 : i32
      %dma_wait3A_103 = tpu.memref_slice %arg2[%dma_wait3A_101, %dma_wait3A_102] : memref<1000000x64xf32, #tpu.memory_space<hbm>> -> memref<128x64xf32, #tpu.memory_space<hbm>>
      tpu.wait_dma2 semaphore(%arg8 : memref<!tpu.dma_semaphore, #tpu.memory_space<semaphore_mem>>) src(%dma_wait3A_103 : memref<128x64xf32, #tpu.memory_space<hbm>>) dst(%dma_wait3A_100 : memref<128x64xf32, #tpu.memory_space<vmem>>)
      %ge3A = arith.constant 2 : i32
      %ge3A_104 = arith.cmpi sge, %add3A_88, %ge3A : i32
      %convert_element_type3A = arith.extui %ge3A_104 : i1 to i32
      %cond3A = arith.constant 0 : i32
      %cond3A_105 = arith.cmpi ne, %convert_element_type3A, %cond3A : i32
      scf.if %cond3A_105 {
        %dma_wait3A_466 = arith.constant 0 : i32
        %dma_wait3A_467 = arith.constant 0 : i32
        %dma_wait3A_468 = arith.constant 0 : i32
        %dma_wait3A_469 = arith.constant 0 : i32
        %dma_wait3A_470 = arith.constant 0 : i32
        %dma_wait3A_471 = arith.constant 0 : i32
        %dma_wait3A_472 = tpu.memref_slice %arg7[%dma_wait3A_468, %dma_wait3A_469, %dma_wait3A_470, %dma_wait3A_471] : memref<2x8x8x129xf32, #tpu.memory_space<vmem>> -> memref<1x8x8x128xf32, #tpu.memory_space<vmem>>
        %dma_wait3A_473 = tpu.memref_squeeze %dma_wait3A_472 : memref<1x8x8x128xf32, #tpu.memory_space<vmem>> -> memref<8x8x128xf32, #tpu.memory_space<vmem>>
        %dma_wait3A_474 = arith.constant 0 : i32
        %dma_wait3A_475 = arith.constant 0 : i32
        %dma_wait3A_476 = arith.constant 0 : i32
        %dma_wait3A_477 = tpu.memref_slice %arg4[%dma_wait3A_466, %dma_wait3A_474, %dma_wait3A_467, %dma_wait3A_475, %dma_wait3A_476] : memref<50x8x128x8x128xf32, #tpu.memory_space<hbm>> -> memref<1x8x1x8x128xf32, #tpu.memory_space<hbm>>
        %dma_wait3A_478 = tpu.memref_squeeze %dma_wait3A_477 : memref<1x8x1x8x128xf32, #tpu.memory_space<hbm>> -> memref<8x8x128xf32, #tpu.memory_space<hbm>>
        %dma_wait3A_479 = arith.constant 0 : i32
        %dma_wait3A_480 = arith.constant 0 : i32
        %dma_wait3A_481 = arith.constant 0 : i32
        %dma_wait3A_482 = tpu.memref_slice %arg7[%dma_wait3A_468, %dma_wait3A_479, %dma_wait3A_480, %dma_wait3A_481] : memref<2x8x8x129xf32, #tpu.memory_space<vmem>> -> memref<1x8x8x128xf32, #tpu.memory_space<vmem>>
        %dma_wait3A_483 = tpu.memref_squeeze %dma_wait3A_482 : memref<1x8x8x128xf32, #tpu.memory_space<vmem>> -> memref<8x8x128xf32, #tpu.memory_space<vmem>>
        %dma_wait3A_484 = arith.constant 0 : i32
        %dma_wait3A_485 = arith.constant 0 : i32
        %dma_wait3A_486 = arith.constant 0 : i32
        %dma_wait3A_487 = tpu.memref_slice %arg4[%dma_wait3A_466, %dma_wait3A_484, %dma_wait3A_467, %dma_wait3A_485, %dma_wait3A_486] : memref<50x8x128x8x128xf32, #tpu.memory_space<hbm>> -> memref<1x8x1x8x128xf32, #tpu.memory_space<hbm>>
        %dma_wait3A_488 = tpu.memref_squeeze %dma_wait3A_487 : memref<1x8x1x8x128xf32, #tpu.memory_space<hbm>> -> memref<8x8x128xf32, #tpu.memory_space<hbm>>
        tpu.wait_dma2 semaphore(%arg9 : memref<!tpu.dma_semaphore, #tpu.memory_space<semaphore_mem>>) src(%dma_wait3A_488 : memref<8x8x128xf32, #tpu.memory_space<hbm>>) dst(%dma_wait3A_483 : memref<8x8x128xf32, #tpu.memory_space<vmem>>)
      } else {
      }
      %iota3A = tpu.iota {dimensions = array<i32: 0>} : vector<16xi32>
      %parallel_loop3A = arith.constant 0 : i32
      %parallel_loop3A_106 = arith.constant 128 : i32
      %parallel_loop3A_107 = arith.constant 1 : i32
      scf.for %parallel_loop3A_466 = %parallel_loop3A to %parallel_loop3A_106 step %parallel_loop3A_107  : i32 {
        %parallel_loop3A_467 = arith.constant 0 : i32
        %parallel_loop3A_468 = vector.broadcast %parallel_loop3A_467 : i32 to vector<16xi32>
        %parallel_loop3A_469 = vector.broadcast %parallel_loop3A_466 : i32 to vector<16xi32>
        %parallel_loop3A_470 = arith.addi %parallel_loop3A_468, %parallel_loop3A_469 : vector<16xi32>
        %parallel_loop3A_471 = arith.constant 0 : i32
        %parallel_loop3A_472 = arith.index_cast %parallel_loop3A_471 : i32 to index
        %parallel_loop3A_473 = arith.index_cast %parallel_loop3A_466 : i32 to index
        %parallel_loop3A_474 = arith.constant 0 : index
        %parallel_loop3A_475 = tpu.vector_load %arg6[%parallel_loop3A_472, %parallel_loop3A_473, %parallel_loop3A_474] {strides = array<i32>} : memref<4x128x64xf32, #tpu.memory_space<vmem>>, vector<16xf32>,
        %parallel_loop3A_476 = arith.constant 0 : i32
        %parallel_loop3A_477 = vector.broadcast %parallel_loop3A_476 : i32 to vector<16xi32>
        %parallel_loop3A_478 = arith.addi %parallel_loop3A_477, %iota3A : vector<16xi32>
        %parallel_loop3A_479 = arith.constant 8 : i32
        %parallel_loop3A_480 = vector.broadcast %parallel_loop3A_479 : i32 to vector<16xi32>
        %parallel_loop3A_481 = arith.divsi %parallel_loop3A_478, %parallel_loop3A_480 : vector<16xi32>
        %parallel_loop3A_482 = arith.constant 0 : i32
        %parallel_loop3A_483 = vector.broadcast %parallel_loop3A_482 : i32 to vector<16xi32>
        %parallel_loop3A_484 = arith.cmpi sgt, %parallel_loop3A_478, %parallel_loop3A_483 : vector<16xi32>
        %parallel_loop3A_485 = arith.extui %parallel_loop3A_484 : vector<16xi1> to vector<16xi32>
        %parallel_loop3A_486 = arith.constant 0 : i32
        %parallel_loop3A_487 = vector.broadcast %parallel_loop3A_486 : i32 to vector<16xi32>
        %parallel_loop3A_488 = arith.cmpi slt, %parallel_loop3A_478, %parallel_loop3A_487 : vector<16xi32>
        %parallel_loop3A_489 = arith.extui %parallel_loop3A_488 : vector<16xi1> to vector<16xi32>
        %parallel_loop3A_490 = arith.subi %parallel_loop3A_485, %parallel_loop3A_489 : vector<16xi32>
        %parallel_loop3A_491 = arith.constant 0 : i32
        %parallel_loop3A_492 = arith.cmpi sgt, %parallel_loop3A_479, %parallel_loop3A_491 : i32
        %parallel_loop3A_493 = arith.extui %parallel_loop3A_492 : i1 to i32
        %parallel_loop3A_494 = arith.constant 0 : i32
        %parallel_loop3A_495 = arith.cmpi slt, %parallel_loop3A_479, %parallel_loop3A_494 : i32
        %parallel_loop3A_496 = arith.extui %parallel_loop3A_495 : i1 to i32
        %parallel_loop3A_497 = arith.subi %parallel_loop3A_493, %parallel_loop3A_496 : i32
        %parallel_loop3A_498 = vector.broadcast %parallel_loop3A_497 : i32 to vector<16xi32>
        %parallel_loop3A_499 = arith.cmpi ne, %parallel_loop3A_490, %parallel_loop3A_498 : vector<16xi32>
        %parallel_loop3A_500 = vector.broadcast %parallel_loop3A_479 : i32 to vector<16xi32>
        %parallel_loop3A_501 = arith.remsi %parallel_loop3A_478, %parallel_loop3A_500 : vector<16xi32>
        %parallel_loop3A_502 = arith.constant 0 : i32
        %parallel_loop3A_503 = vector.broadcast %parallel_loop3A_502 : i32 to vector<16xi32>
        %parallel_loop3A_504 = arith.cmpi ne, %parallel_loop3A_501, %parallel_loop3A_503 : vector<16xi32>
        %parallel_loop3A_505 = arith.andi %parallel_loop3A_499, %parallel_loop3A_504 : vector<16xi1>
        %parallel_loop3A_506 = arith.constant 1 : i32
        %parallel_loop3A_507 = vector.broadcast %parallel_loop3A_506 : i32 to vector<16xi32>
        %parallel_loop3A_508 = arith.subi %parallel_loop3A_481, %parallel_loop3A_507 : vector<16xi32>
        %parallel_loop3A_509 = arith.select %parallel_loop3A_505, %parallel_loop3A_508, %parallel_loop3A_481 : vector<16xi1>, vector<16xi32>
        %parallel_loop3A_510 = arith.constant 8 : i32
        %parallel_loop3A_511 = arith.constant 0 : i32
        %parallel_loop3A_512 = arith.cmpi eq, %parallel_loop3A_510, %parallel_loop3A_511 : i32
        %parallel_loop3A_513 = arith.constant 1 : i32
        %parallel_loop3A_514 = arith.select %parallel_loop3A_512, %parallel_loop3A_513, %parallel_loop3A_510 : i32
        %parallel_loop3A_515 = vector.broadcast %parallel_loop3A_514 : i32 to vector<16xi32>
        %parallel_loop3A_516 = arith.remsi %parallel_loop3A_478, %parallel_loop3A_515 : vector<16xi32>
        %parallel_loop3A_517 = arith.constant 0 : i32
        %parallel_loop3A_518 = vector.broadcast %parallel_loop3A_517 : i32 to vector<16xi32>
        %parallel_loop3A_519 = arith.cmpi ne, %parallel_loop3A_516, %parallel_loop3A_518 : vector<16xi32>
        %parallel_loop3A_520 = arith.constant 0 : i32
        %parallel_loop3A_521 = vector.broadcast %parallel_loop3A_520 : i32 to vector<16xi32>
        %parallel_loop3A_522 = arith.cmpi slt, %parallel_loop3A_516, %parallel_loop3A_521 : vector<16xi32>
        %parallel_loop3A_523 = arith.constant 0 : i32
        %parallel_loop3A_524 = arith.cmpi slt, %parallel_loop3A_514, %parallel_loop3A_523 : i32
        %parallel_loop3A_525 = vector.broadcast %parallel_loop3A_524 : i1 to vector<16xi1>
        %parallel_loop3A_526 = vector.broadcast %parallel_loop3A_525 : vector<16xi1> to vector<16xi1>
        %parallel_loop3A_527 = arith.xori %parallel_loop3A_522, %parallel_loop3A_526 : vector<16xi1>
        %parallel_loop3A_528 = arith.andi %parallel_loop3A_527, %parallel_loop3A_519 : vector<16xi1>
        %parallel_loop3A_529 = vector.broadcast %parallel_loop3A_514 : i32 to vector<16xi32>
        %parallel_loop3A_530 = arith.addi %parallel_loop3A_516, %parallel_loop3A_529 : vector<16xi32>
        %parallel_loop3A_531 = arith.select %parallel_loop3A_528, %parallel_loop3A_530, %parallel_loop3A_516 : vector<16xi1>, vector<16xi32>
        %parallel_loop3A_532 = arith.constant 0 : i32
        %parallel_loop3A_533 = arith.constant 0 : i32
        %parallel_loop3A_534 = arith.constant 0 : i32
        %parallel_loop3A_535 = arith.constant 0 : i32
        %parallel_loop3A_536 = tpu.memref_slice %arg7[%parallel_loop3A_532, %parallel_loop3A_533, %parallel_loop3A_534, %parallel_loop3A_535] : memref<2x8x8x129xf32, #tpu.memory_space<vmem>> -> memref<1x8x8x129xf32, #tpu.memory_space<vmem>>
        %parallel_loop3A_537 = tpu.memref_squeeze %parallel_loop3A_536 : memref<1x8x8x129xf32, #tpu.memory_space<vmem>> -> memref<8x8x129xf32, #tpu.memory_space<vmem>>
        tpu.vector_store_idx %parallel_loop3A_537[%parallel_loop3A_509, %parallel_loop3A_531, %parallel_loop3A_470], %parallel_loop3A_475 : memref<8x8x129xf32, #tpu.memory_space<vmem>>[vector<16xi32>, vector<16xi32>, vector<16xi32>], vector<16xf32>,
        %parallel_loop3A_538 = arith.constant 0 : i32
        %parallel_loop3A_539 = arith.index_cast %parallel_loop3A_538 : i32 to index
        %parallel_loop3A_540 = arith.index_cast %parallel_loop3A_466 : i32 to index
        %parallel_loop3A_541 = arith.constant 16 : index
        %parallel_loop3A_542 = tpu.vector_load %arg6[%parallel_loop3A_539, %parallel_loop3A_540, %parallel_loop3A_541] {strides = array<i32>} : memref<4x128x64xf32, #tpu.memory_space<vmem>>, vector<16xf32>,
        %parallel_loop3A_543 = arith.constant 16 : i32
        %parallel_loop3A_544 = vector.broadcast %parallel_loop3A_543 : i32 to vector<16xi32>
        %parallel_loop3A_545 = arith.addi %parallel_loop3A_544, %iota3A : vector<16xi32>
        %parallel_loop3A_546 = arith.constant 8 : i32
        %parallel_loop3A_547 = vector.broadcast %parallel_loop3A_546 : i32 to vector<16xi32>
        %parallel_loop3A_548 = arith.divsi %parallel_loop3A_545, %parallel_loop3A_547 : vector<16xi32>
        %parallel_loop3A_549 = arith.constant 0 : i32
        %parallel_loop3A_550 = vector.broadcast %parallel_loop3A_549 : i32 to vector<16xi32>
        %parallel_loop3A_551 = arith.cmpi sgt, %parallel_loop3A_545, %parallel_loop3A_550 : vector<16xi32>
        %parallel_loop3A_552 = arith.extui %parallel_loop3A_551 : vector<16xi1> to vector<16xi32>
        %parallel_loop3A_553 = arith.constant 0 : i32
        %parallel_loop3A_554 = vector.broadcast %parallel_loop3A_553 : i32 to vector<16xi32>
        %parallel_loop3A_555 = arith.cmpi slt, %parallel_loop3A_545, %parallel_loop3A_554 : vector<16xi32>
        %parallel_loop3A_556 = arith.extui %parallel_loop3A_555 : vector<16xi1> to vector<16xi32>
        %parallel_loop3A_557 = arith.subi %parallel_loop3A_552, %parallel_loop3A_556 : vector<16xi32>
        %parallel_loop3A_558 = arith.constant 0 : i32
        %parallel_loop3A_559 = arith.cmpi sgt, %parallel_loop3A_546, %parallel_loop3A_558 : i32
        %parallel_loop3A_560 = arith.extui %parallel_loop3A_559 : i1 to i32
        %parallel_loop3A_561 = arith.constant 0 : i32
        %parallel_loop3A_562 = arith.cmpi slt, %parallel_loop3A_546, %parallel_loop3A_561 : i32
        %parallel_loop3A_563 = arith.extui %parallel_loop3A_562 : i1 to i32
        %parallel_loop3A_564 = arith.subi %parallel_loop3A_560, %parallel_loop3A_563 : i32
        %parallel_loop3A_565 = vector.broadcast %parallel_loop3A_564 : i32 to vector<16xi32>
        %parallel_loop3A_566 = arith.cmpi ne, %parallel_loop3A_557, %parallel_loop3A_565 : vector<16xi32>
        %parallel_loop3A_567 = vector.broadcast %parallel_loop3A_546 : i32 to vector<16xi32>
        %parallel_loop3A_568 = arith.remsi %parallel_loop3A_545, %parallel_loop3A_567 : vector<16xi32>
        %parallel_loop3A_569 = arith.constant 0 : i32
        %parallel_loop3A_570 = vector.broadcast %parallel_loop3A_569 : i32 to vector<16xi32>
        %parallel_loop3A_571 = arith.cmpi ne, %parallel_loop3A_568, %parallel_loop3A_570 : vector<16xi32>
        %parallel_loop3A_572 = arith.andi %parallel_loop3A_566, %parallel_loop3A_571 : vector<16xi1>
        %parallel_loop3A_573 = arith.constant 1 : i32
        %parallel_loop3A_574 = vector.broadcast %parallel_loop3A_573 : i32 to vector<16xi32>
        %parallel_loop3A_575 = arith.subi %parallel_loop3A_548, %parallel_loop3A_574 : vector<16xi32>
        %parallel_loop3A_576 = arith.select %parallel_loop3A_572, %parallel_loop3A_575, %parallel_loop3A_548 : vector<16xi1>, vector<16xi32>
        %parallel_loop3A_577 = arith.constant 8 : i32
        %parallel_loop3A_578 = arith.constant 0 : i32
        %parallel_loop3A_579 = arith.cmpi eq, %parallel_loop3A_577, %parallel_loop3A_578 : i32
        %parallel_loop3A_580 = arith.constant 1 : i32
        %parallel_loop3A_581 = arith.select %parallel_loop3A_579, %parallel_loop3A_580, %parallel_loop3A_577 : i32
        %parallel_loop3A_582 = vector.broadcast %parallel_loop3A_581 : i32 to vector<16xi32>
        %parallel_loop3A_583 = arith.remsi %parallel_loop3A_545, %parallel_loop3A_582 : vector<16xi32>
        %parallel_loop3A_584 = arith.constant 0 : i32
        %parallel_loop3A_585 = vector.broadcast %parallel_loop3A_584 : i32 to vector<16xi32>
        %parallel_loop3A_586 = arith.cmpi ne, %parallel_loop3A_583, %parallel_loop3A_585 : vector<16xi32>
        %parallel_loop3A_587 = arith.constant 0 : i32
        %parallel_loop3A_588 = vector.broadcast %parallel_loop3A_587 : i32 to vector<16xi32>
        %parallel_loop3A_589 = arith.cmpi slt, %parallel_loop3A_583, %parallel_loop3A_588 : vector<16xi32>
        %parallel_loop3A_590 = arith.constant 0 : i32
        %parallel_loop3A_591 = arith.cmpi slt, %parallel_loop3A_581, %parallel_loop3A_590 : i32
        %parallel_loop3A_592 = vector.broadcast %parallel_loop3A_591 : i1 to vector<16xi1>
        %parallel_loop3A_593 = vector.broadcast %parallel_loop3A_592 : vector<16xi1> to vector<16xi1>
        %parallel_loop3A_594 = arith.xori %parallel_loop3A_589, %parallel_loop3A_593 : vector<16xi1>
        %parallel_loop3A_595 = arith.andi %parallel_loop3A_594, %parallel_loop3A_586 : vector<16xi1>
        %parallel_loop3A_596 = vector.broadcast %parallel_loop3A_581 : i32 to vector<16xi32>
        %parallel_loop3A_597 = arith.addi %parallel_loop3A_583, %parallel_loop3A_596 : vector<16xi32>
        %parallel_loop3A_598 = arith.select %parallel_loop3A_595, %parallel_loop3A_597, %parallel_loop3A_583 : vector<16xi1>, vector<16xi32>
        %parallel_loop3A_599 = arith.constant 0 : i32
        %parallel_loop3A_600 = arith.constant 0 : i32
        %parallel_loop3A_601 = arith.constant 0 : i32
        %parallel_loop3A_602 = arith.constant 0 : i32
        %parallel_loop3A_603 = tpu.memref_slice %arg7[%parallel_loop3A_599, %parallel_loop3A_600, %parallel_loop3A_601, %parallel_loop3A_602] : memref<2x8x8x129xf32, #tpu.memory_space<vmem>> -> memref<1x8x8x129xf32, #tpu.memory_space<vmem>>
        %parallel_loop3A_604 = tpu.memref_squeeze %parallel_loop3A_603 : memref<1x8x8x129xf32, #tpu.memory_space<vmem>> -> memref<8x8x129xf32, #tpu.memory_space<vmem>>
        tpu.vector_store_idx %parallel_loop3A_604[%parallel_loop3A_576, %parallel_loop3A_598, %parallel_loop3A_470], %parallel_loop3A_542 : memref<8x8x129xf32, #tpu.memory_space<vmem>>[vector<16xi32>, vector<16xi32>, vector<16xi32>], vector<16xf32>,
        %parallel_loop3A_605 = arith.constant 0 : i32
        %parallel_loop3A_606 = arith.index_cast %parallel_loop3A_605 : i32 to index
        %parallel_loop3A_607 = arith.index_cast %parallel_loop3A_466 : i32 to index
        %parallel_loop3A_608 = arith.constant 32 : index
        %parallel_loop3A_609 = tpu.vector_load %arg6[%parallel_loop3A_606, %parallel_loop3A_607, %parallel_loop3A_608] {strides = array<i32>} : memref<4x128x64xf32, #tpu.memory_space<vmem>>, vector<16xf32>,
        %parallel_loop3A_610 = arith.constant 32 : i32
        %parallel_loop3A_611 = vector.broadcast %parallel_loop3A_610 : i32 to vector<16xi32>
        %parallel_loop3A_612 = arith.addi %parallel_loop3A_611, %iota3A : vector<16xi32>
        %parallel_loop3A_613 = arith.constant 8 : i32
        %parallel_loop3A_614 = vector.broadcast %parallel_loop3A_613 : i32 to vector<16xi32>
        %parallel_loop3A_615 = arith.divsi %parallel_loop3A_612, %parallel_loop3A_614 : vector<16xi32>
        %parallel_loop3A_616 = arith.constant 0 : i32
        %parallel_loop3A_617 = vector.broadcast %parallel_loop3A_616 : i32 to vector<16xi32>
        %parallel_loop3A_618 = arith.cmpi sgt, %parallel_loop3A_612, %parallel_loop3A_617 : vector<16xi32>
        %parallel_loop3A_619 = arith.extui %parallel_loop3A_618 : vector<16xi1> to vector<16xi32>
        %parallel_loop3A_620 = arith.constant 0 : i32
        %parallel_loop3A_621 = vector.broadcast %parallel_loop3A_620 : i32 to vector<16xi32>
        %parallel_loop3A_622 = arith.cmpi slt, %parallel_loop3A_612, %parallel_loop3A_621 : vector<16xi32>
        %parallel_loop3A_623 = arith.extui %parallel_loop3A_622 : vector<16xi1> to vector<16xi32>
        %parallel_loop3A_624 = arith.subi %parallel_loop3A_619, %parallel_loop3A_623 : vector<16xi32>
        %parallel_loop3A_625 = arith.constant 0 : i32
        %parallel_loop3A_626 = arith.cmpi sgt, %parallel_loop3A_613, %parallel_loop3A_625 : i32
        %parallel_loop3A_627 = arith.extui %parallel_loop3A_626 : i1 to i32
        %parallel_loop3A_628 = arith.constant 0 : i32
        %parallel_loop3A_629 = arith.cmpi slt, %parallel_loop3A_613, %parallel_loop3A_628 : i32
        %parallel_loop3A_630 = arith.extui %parallel_loop3A_629 : i1 to i32
        %parallel_loop3A_631 = arith.subi %parallel_loop3A_627, %parallel_loop3A_630 : i32
        %parallel_loop3A_632 = vector.broadcast %parallel_loop3A_631 : i32 to vector<16xi32>
        %parallel_loop3A_633 = arith.cmpi ne, %parallel_loop3A_624, %parallel_loop3A_632 : vector<16xi32>
        %parallel_loop3A_634 = vector.broadcast %parallel_loop3A_613 : i32 to vector<16xi32>
        %parallel_loop3A_635 = arith.remsi %parallel_loop3A_612, %parallel_loop3A_634 : vector<16xi32>
        %parallel_loop3A_636 = arith.constant 0 : i32
        %parallel_loop3A_637 = vector.broadcast %parallel_loop3A_636 : i32 to vector<16xi32>
        %parallel_loop3A_638 = arith.cmpi ne, %parallel_loop3A_635, %parallel_loop3A_637 : vector<16xi32>
        %parallel_loop3A_639 = arith.andi %parallel_loop3A_633, %parallel_loop3A_638 : vector<16xi1>
        %parallel_loop3A_640 = arith.constant 1 : i32
        %parallel_loop3A_641 = vector.broadcast %parallel_loop3A_640 : i32 to vector<16xi32>
        %parallel_loop3A_642 = arith.subi %parallel_loop3A_615, %parallel_loop3A_641 : vector<16xi32>
        %parallel_loop3A_643 = arith.select %parallel_loop3A_639, %parallel_loop3A_642, %parallel_loop3A_615 : vector<16xi1>, vector<16xi32>
        %parallel_loop3A_644 = arith.constant 8 : i32
        %parallel_loop3A_645 = arith.constant 0 : i32
        %parallel_loop3A_646 = arith.cmpi eq, %parallel_loop3A_644, %parallel_loop3A_645 : i32
        %parallel_loop3A_647 = arith.constant 1 : i32
        %parallel_loop3A_648 = arith.select %parallel_loop3A_646, %parallel_loop3A_647, %parallel_loop3A_644 : i32
        %parallel_loop3A_649 = vector.broadcast %parallel_loop3A_648 : i32 to vector<16xi32>
        %parallel_loop3A_650 = arith.remsi %parallel_loop3A_612, %parallel_loop3A_649 : vector<16xi32>
        %parallel_loop3A_651 = arith.constant 0 : i32
        %parallel_loop3A_652 = vector.broadcast %parallel_loop3A_651 : i32 to vector<16xi32>
        %parallel_loop3A_653 = arith.cmpi ne, %parallel_loop3A_650, %parallel_loop3A_652 : vector<16xi32>
        %parallel_loop3A_654 = arith.constant 0 : i32
        %parallel_loop3A_655 = vector.broadcast %parallel_loop3A_654 : i32 to vector<16xi32>
        %parallel_loop3A_656 = arith.cmpi slt, %parallel_loop3A_650, %parallel_loop3A_655 : vector<16xi32>
        %parallel_loop3A_657 = arith.constant 0 : i32
        %parallel_loop3A_658 = arith.cmpi slt, %parallel_loop3A_648, %parallel_loop3A_657 : i32
        %parallel_loop3A_659 = vector.broadcast %parallel_loop3A_658 : i1 to vector<16xi1>
        %parallel_loop3A_660 = vector.broadcast %parallel_loop3A_659 : vector<16xi1> to vector<16xi1>
        %parallel_loop3A_661 = arith.xori %parallel_loop3A_656, %parallel_loop3A_660 : vector<16xi1>
        %parallel_loop3A_662 = arith.andi %parallel_loop3A_661, %parallel_loop3A_653 : vector<16xi1>
        %parallel_loop3A_663 = vector.broadcast %parallel_loop3A_648 : i32 to vector<16xi32>
        %parallel_loop3A_664 = arith.addi %parallel_loop3A_650, %parallel_loop3A_663 : vector<16xi32>
        %parallel_loop3A_665 = arith.select %parallel_loop3A_662, %parallel_loop3A_664, %parallel_loop3A_650 : vector<16xi1>, vector<16xi32>
        %parallel_loop3A_666 = arith.constant 0 : i32
        %parallel_loop3A_667 = arith.constant 0 : i32
        %parallel_loop3A_668 = arith.constant 0 : i32
        %parallel_loop3A_669 = arith.constant 0 : i32
        %parallel_loop3A_670 = tpu.memref_slice %arg7[%parallel_loop3A_666, %parallel_loop3A_667, %parallel_loop3A_668, %parallel_loop3A_669] : memref<2x8x8x129xf32, #tpu.memory_space<vmem>> -> memref<1x8x8x129xf32, #tpu.memory_space<vmem>>
        %parallel_loop3A_671 = tpu.memref_squeeze %parallel_loop3A_670 : memref<1x8x8x129xf32, #tpu.memory_space<vmem>> -> memref<8x8x129xf32, #tpu.memory_space<vmem>>
        tpu.vector_store_idx %parallel_loop3A_671[%parallel_loop3A_643, %parallel_loop3A_665, %parallel_loop3A_470], %parallel_loop3A_609 : memref<8x8x129xf32, #tpu.memory_space<vmem>>[vector<16xi32>, vector<16xi32>, vector<16xi32>], vector<16xf32>,
        %parallel_loop3A_672 = arith.constant 0 : i32
        %parallel_loop3A_673 = arith.index_cast %parallel_loop3A_672 : i32 to index
        %parallel_loop3A_674 = arith.index_cast %parallel_loop3A_466 : i32 to index
        %parallel_loop3A_675 = arith.constant 48 : index
        %parallel_loop3A_676 = tpu.vector_load %arg6[%parallel_loop3A_673, %parallel_loop3A_674, %parallel_loop3A_675] {strides = array<i32>} : memref<4x128x64xf32, #tpu.memory_space<vmem>>, vector<16xf32>,
        %parallel_loop3A_677 = arith.constant 48 : i32
        %parallel_loop3A_678 = vector.broadcast %parallel_loop3A_677 : i32 to vector<16xi32>
        %parallel_loop3A_679 = arith.addi %parallel_loop3A_678, %iota3A : vector<16xi32>
        %parallel_loop3A_680 = arith.constant 8 : i32
        %parallel_loop3A_681 = vector.broadcast %parallel_loop3A_680 : i32 to vector<16xi32>
        %parallel_loop3A_682 = arith.divsi %parallel_loop3A_679, %parallel_loop3A_681 : vector<16xi32>
        %parallel_loop3A_683 = arith.constant 0 : i32
        %parallel_loop3A_684 = vector.broadcast %parallel_loop3A_683 : i32 to vector<16xi32>
        %parallel_loop3A_685 = arith.cmpi sgt, %parallel_loop3A_679, %parallel_loop3A_684 : vector<16xi32>
        %parallel_loop3A_686 = arith.extui %parallel_loop3A_685 : vector<16xi1> to vector<16xi32>
        %parallel_loop3A_687 = arith.constant 0 : i32
        %parallel_loop3A_688 = vector.broadcast %parallel_loop3A_687 : i32 to vector<16xi32>
        %parallel_loop3A_689 = arith.cmpi slt, %parallel_loop3A_679, %parallel_loop3A_688 : vector<16xi32>
        %parallel_loop3A_690 = arith.extui %parallel_loop3A_689 : vector<16xi1> to vector<16xi32>
        %parallel_loop3A_691 = arith.subi %parallel_loop3A_686, %parallel_loop3A_690 : vector<16xi32>
        %parallel_loop3A_692 = arith.constant 0 : i32
        %parallel_loop3A_693 = arith.cmpi sgt, %parallel_loop3A_680, %parallel_loop3A_692 : i32
        %parallel_loop3A_694 = arith.extui %parallel_loop3A_693 : i1 to i32
        %parallel_loop3A_695 = arith.constant 0 : i32
        %parallel_loop3A_696 = arith.cmpi slt, %parallel_loop3A_680, %parallel_loop3A_695 : i32
        %parallel_loop3A_697 = arith.extui %parallel_loop3A_696 : i1 to i32
        %parallel_loop3A_698 = arith.subi %parallel_loop3A_694, %parallel_loop3A_697 : i32
        %parallel_loop3A_699 = vector.broadcast %parallel_loop3A_698 : i32 to vector<16xi32>
        %parallel_loop3A_700 = arith.cmpi ne, %parallel_loop3A_691, %parallel_loop3A_699 : vector<16xi32>
        %parallel_loop3A_701 = vector.broadcast %parallel_loop3A_680 : i32 to vector<16xi32>
        %parallel_loop3A_702 = arith.remsi %parallel_loop3A_679, %parallel_loop3A_701 : vector<16xi32>
        %parallel_loop3A_703 = arith.constant 0 : i32
        %parallel_loop3A_704 = vector.broadcast %parallel_loop3A_703 : i32 to vector<16xi32>
        %parallel_loop3A_705 = arith.cmpi ne, %parallel_loop3A_702, %parallel_loop3A_704 : vector<16xi32>
        %parallel_loop3A_706 = arith.andi %parallel_loop3A_700, %parallel_loop3A_705 : vector<16xi1>
        %parallel_loop3A_707 = arith.constant 1 : i32
        %parallel_loop3A_708 = vector.broadcast %parallel_loop3A_707 : i32 to vector<16xi32>
        %parallel_loop3A_709 = arith.subi %parallel_loop3A_682, %parallel_loop3A_708 : vector<16xi32>
        %parallel_loop3A_710 = arith.select %parallel_loop3A_706, %parallel_loop3A_709, %parallel_loop3A_682 : vector<16xi1>, vector<16xi32>
        %parallel_loop3A_711 = arith.constant 8 : i32
        %parallel_loop3A_712 = arith.constant 0 : i32
        %parallel_loop3A_713 = arith.cmpi eq, %parallel_loop3A_711, %parallel_loop3A_712 : i32
        %parallel_loop3A_714 = arith.constant 1 : i32
        %parallel_loop3A_715 = arith.select %parallel_loop3A_713, %parallel_loop3A_714, %parallel_loop3A_711 : i32
        %parallel_loop3A_716 = vector.broadcast %parallel_loop3A_715 : i32 to vector<16xi32>
        %parallel_loop3A_717 = arith.remsi %parallel_loop3A_679, %parallel_loop3A_716 : vector<16xi32>
        %parallel_loop3A_718 = arith.constant 0 : i32
        %parallel_loop3A_719 = vector.broadcast %parallel_loop3A_718 : i32 to vector<16xi32>
        %parallel_loop3A_720 = arith.cmpi ne, %parallel_loop3A_717, %parallel_loop3A_719 : vector<16xi32>
        %parallel_loop3A_721 = arith.constant 0 : i32
        %parallel_loop3A_722 = vector.broadcast %parallel_loop3A_721 : i32 to vector<16xi32>
        %parallel_loop3A_723 = arith.cmpi slt, %parallel_loop3A_717, %parallel_loop3A_722 : vector<16xi32>
        %parallel_loop3A_724 = arith.constant 0 : i32
        %parallel_loop3A_725 = arith.cmpi slt, %parallel_loop3A_715, %parallel_loop3A_724 : i32
        %parallel_loop3A_726 = vector.broadcast %parallel_loop3A_725 : i1 to vector<16xi1>
        %parallel_loop3A_727 = vector.broadcast %parallel_loop3A_726 : vector<16xi1> to vector<16xi1>
        %parallel_loop3A_728 = arith.xori %parallel_loop3A_723, %parallel_loop3A_727 : vector<16xi1>
        %parallel_loop3A_729 = arith.andi %parallel_loop3A_728, %parallel_loop3A_720 : vector<16xi1>
        %parallel_loop3A_730 = vector.broadcast %parallel_loop3A_715 : i32 to vector<16xi32>
        %parallel_loop3A_731 = arith.addi %parallel_loop3A_717, %parallel_loop3A_730 : vector<16xi32>
        %parallel_loop3A_732 = arith.select %parallel_loop3A_729, %parallel_loop3A_731, %parallel_loop3A_717 : vector<16xi1>, vector<16xi32>
        %parallel_loop3A_733 = arith.constant 0 : i32
        %parallel_loop3A_734 = arith.constant 0 : i32
        %parallel_loop3A_735 = arith.constant 0 : i32
        %parallel_loop3A_736 = arith.constant 0 : i32
        %parallel_loop3A_737 = tpu.memref_slice %arg7[%parallel_loop3A_733, %parallel_loop3A_734, %parallel_loop3A_735, %parallel_loop3A_736] : memref<2x8x8x129xf32, #tpu.memory_space<vmem>> -> memref<1x8x8x129xf32, #tpu.memory_space<vmem>>
        %parallel_loop3A_738 = tpu.memref_squeeze %parallel_loop3A_737 : memref<1x8x8x129xf32, #tpu.memory_space<vmem>> -> memref<8x8x129xf32, #tpu.memory_space<vmem>>
        tpu.vector_store_idx %parallel_loop3A_738[%parallel_loop3A_710, %parallel_loop3A_732, %parallel_loop3A_470], %parallel_loop3A_676 : memref<8x8x129xf32, #tpu.memory_space<vmem>>[vector<16xi32>, vector<16xi32>, vector<16xi32>], vector<16xf32>,
      } {sc.loop_unroll_factor = 8 : i64, sc.parallel_access}
      %add3A_108 = arith.addi %mul3A_4, %add3A_88 : i32
      %jit3A = arith.constant 128 : i32
      %div3A = arith.divsi %add3A_108, %jit3A : i32
      %sign3A = arith.constant 0 : i32
      %sign3A_109 = arith.cmpi sgt, %add3A_108, %sign3A : i32
      %sign3A_110 = arith.extui %sign3A_109 : i1 to i32
      %sign3A_111 = arith.constant 0 : i32
      %sign3A_112 = arith.cmpi slt, %add3A_108, %sign3A_111 : i32
      %sign3A_113 = arith.extui %sign3A_112 : i1 to i32
      %sign3A_114 = arith.subi %sign3A_110, %sign3A_113 : i32
      %sign3A_115 = arith.constant 0 : i32
      %sign3A_116 = arith.cmpi sgt, %jit3A, %sign3A_115 : i32
      %sign3A_117 = arith.extui %sign3A_116 : i1 to i32
      %sign3A_118 = arith.constant 0 : i32
      %sign3A_119 = arith.cmpi slt, %jit3A, %sign3A_118 : i32
      %sign3A_120 = arith.extui %sign3A_119 : i1 to i32
      %sign3A_121 = arith.subi %sign3A_117, %sign3A_120 : i32
      %ne3A = arith.cmpi ne, %sign3A_114, %sign3A_121 : i32
      %rem3A = arith.remsi %add3A_108, %jit3A : i32
      %ne3A_122 = arith.constant 0 : i32
      %ne3A_123 = arith.cmpi ne, %rem3A, %ne3A_122 : i32
      %and3A = arith.andi %ne3A, %ne3A_123 : i1
      %sub3A = arith.constant 1 : i32
      %sub3A_124 = arith.subi %div3A, %sub3A : i32
      %select_n3A = arith.select %and3A, %sub3A_124, %div3A : i32
      %jit3A_125 = arith.constant 128 : i32
      %eq3A = arith.constant 0 : i32
      %eq3A_126 = arith.cmpi eq, %jit3A_125, %eq3A : i32
      %jit3A_127 = arith.constant 1 : i32
      %select_n3A_128 = arith.select %eq3A_126, %jit3A_127, %jit3A_125 : i32
      %rem3A_129 = arith.remsi %add3A_108, %select_n3A_128 : i32
      %ne3A_130 = arith.constant 0 : i32
      %ne3A_131 = arith.cmpi ne, %rem3A_129, %ne3A_130 : i32
      %lt3A = arith.constant 0 : i32
      %lt3A_132 = arith.cmpi slt, %rem3A_129, %lt3A : i32
      %lt3A_133 = arith.constant 0 : i32
      %lt3A_134 = arith.cmpi slt, %select_n3A_128, %lt3A_133 : i32
      %ne3A_135 = arith.xori %lt3A_132, %lt3A_134 : i1
      %and3A_136 = arith.andi %ne3A_135, %ne3A_131 : i1
      %add3A_137 = arith.addi %rem3A_129, %select_n3A_128 : i32
      %select_n3A_138 = arith.select %and3A_136, %add3A_137, %rem3A_129 : i32
      %dma_start3A_139 = arith.constant 0 : i32
      %dma_start3A_140 = arith.constant 0 : i32
      %dma_start3A_141 = arith.constant 0 : i32
      %dma_start3A_142 = arith.constant 0 : i32
      %dma_start3A_143 = tpu.memref_slice %arg7[%dma_start3A_139, %dma_start3A_140, %dma_start3A_141, %dma_start3A_142] : memref<2x8x8x129xf32, #tpu.memory_space<vmem>> -> memref<1x8x8x128xf32, #tpu.memory_space<vmem>>
      %dma_start3A_144 = tpu.memref_squeeze %dma_start3A_143 : memref<1x8x8x128xf32, #tpu.memory_space<vmem>> -> memref<8x8x128xf32, #tpu.memory_space<vmem>>
      %dma_start3A_145 = arith.constant 0 : i32
      %dma_start3A_146 = arith.constant 0 : i32
      %dma_start3A_147 = arith.constant 0 : i32
      %dma_start3A_148 = tpu.memref_slice %arg4[%select_n3A, %dma_start3A_145, %select_n3A_138, %dma_start3A_146, %dma_start3A_147] : memref<50x8x128x8x128xf32, #tpu.memory_space<hbm>> -> memref<1x8x1x8x128xf32, #tpu.memory_space<hbm>>
      %dma_start3A_149 = tpu.memref_squeeze %dma_start3A_148 : memref<1x8x1x8x128xf32, #tpu.memory_space<hbm>> -> memref<8x8x128xf32, #tpu.memory_space<hbm>>
      %dma_start3A_150 = arith.constant 0 : i32
      %dma_start3A_151 = arith.constant 0 : i32
      %dma_start3A_152 = arith.constant 0 : i32
      %dma_start3A_153 = tpu.memref_slice %arg4[%select_n3A, %dma_start3A_150, %select_n3A_138, %dma_start3A_151, %dma_start3A_152] : memref<50x8x128x8x128xf32, #tpu.memory_space<hbm>> -> memref<1x8x1x8x128xf32, #tpu.memory_space<hbm>>
      %dma_start3A_154 = tpu.memref_squeeze %dma_start3A_153 : memref<1x8x1x8x128xf32, #tpu.memory_space<hbm>> -> memref<8x8x128xf32, #tpu.memory_space<hbm>>
      %dma_start3A_155 = arith.constant 0 : i32
      %dma_start3A_156 = arith.constant 0 : i32
      %dma_start3A_157 = arith.constant 0 : i32
      %dma_start3A_158 = tpu.memref_slice %arg7[%dma_start3A_139, %dma_start3A_155, %dma_start3A_156, %dma_start3A_157] : memref<2x8x8x129xf32, #tpu.memory_space<vmem>> -> memref<1x8x8x128xf32, #tpu.memory_space<vmem>>
      %dma_start3A_159 = tpu.memref_squeeze %dma_start3A_158 : memref<1x8x8x128xf32, #tpu.memory_space<vmem>> -> memref<8x8x128xf32, #tpu.memory_space<vmem>>
      tpu.enqueue_dma source(%dma_start3A_159 : memref<8x8x128xf32, #tpu.memory_space<vmem>>) target(%dma_start3A_154 : memref<8x8x128xf32, #tpu.memory_space<hbm>>) target_semaphore(%arg9 : memref<!tpu.dma_semaphore, #tpu.memory_space<semaphore_mem>>)
      %add3A_160 = arith.constant 4 : i32
      %add3A_161 = arith.addi %add3A_88, %add3A_160 : i32
      %sub3A_162 = arith.constant 1 : i32
      %sub3A_163 = arith.subi %add3A_161, %sub3A_162 : i32
      %lt3A_164 = arith.constant 200 : i32
      %lt3A_165 = arith.cmpi slt, %sub3A_163, %lt3A_164 : i32
      %convert_element_type3A_166 = arith.extui %lt3A_165 : i1 to i32
      %cond3A_167 = arith.constant 0 : i32
      %cond3A_168 = arith.cmpi ne, %convert_element_type3A_166, %cond3A_167 : i32
      scf.if %cond3A_168 {
        %add3A_466 = arith.constant 4 : i32
        %add3A_467 = arith.addi %add3A_88, %add3A_466 : i32
        %sub3A_468 = arith.constant 1 : i32
        %sub3A_469 = arith.subi %add3A_467, %sub3A_468 : i32
        %mul3A_470 = arith.constant 128 : i32
        %mul3A_471 = arith.muli %sub3A_469, %mul3A_470 : i32
        %dma_start3A_472 = arith.constant 3 : i32
        %dma_start3A_473 = arith.constant 0 : i32
        %dma_start3A_474 = arith.constant 0 : i32
        %dma_start3A_475 = tpu.memref_slice %arg6[%dma_start3A_472, %dma_start3A_473, %dma_start3A_474] : memref<4x128x64xf32, #tpu.memory_space<vmem>> -> memref<1x128x64xf32, #tpu.memory_space<vmem>>
        %dma_start3A_476 = tpu.memref_squeeze %dma_start3A_475 : memref<1x128x64xf32, #tpu.memory_space<vmem>> -> memref<128x64xf32, #tpu.memory_space<vmem>>
        %dma_start3A_477 = tpu.memref_slice %arg5[%mul3A_471] : memref<25600xi32, #tpu.memory_space<vmem>> -> memref<128xi32, #tpu.memory_space<vmem>>
        %dma_start3A_478 = arith.constant 0 : i32
        %dma_start3A_479 = arith.constant 0 : i32
        %dma_start3A_480 = tpu.memref_slice %arg2[%dma_start3A_478, %dma_start3A_479] : memref<1000000x64xf32, #tpu.memory_space<hbm>> -> memref<1000000x64xf32, #tpu.memory_space<hbm>>
        tpu.enqueue_indirect_dma source(%dma_start3A_480 : memref<1000000x64xf32, #tpu.memory_space<hbm>>) target(%dma_start3A_476 : memref<128x64xf32, #tpu.memory_space<vmem>>) offsets(%dma_start3A_477 : memref<128xi32, #tpu.memory_space<vmem>>) semaphore(%arg8 : memref<!tpu.dma_semaphore, #tpu.memory_space<semaphore_mem>>)
      } else {
      }
      %mul3A_169 = arith.constant 4 : i32
      %mul3A_170 = arith.muli %scan3A_84, %mul3A_169 : i32
      %add3A_171 = arith.constant 1 : i32
      %add3A_172 = arith.addi %mul3A_170, %add3A_171 : i32
      %dma_wait3A_173 = arith.constant 1 : i32
      %dma_wait3A_174 = arith.constant 0 : i32
      %dma_wait3A_175 = arith.constant 0 : i32
      %dma_wait3A_176 = tpu.memref_slice %arg6[%dma_wait3A_173, %dma_wait3A_174, %dma_wait3A_175] : memref<4x128x64xf32, #tpu.memory_space<vmem>> -> memref<1x128x64xf32, #tpu.memory_space<vmem>>
      %dma_wait3A_177 = tpu.memref_squeeze %dma_wait3A_176 : memref<1x128x64xf32, #tpu.memory_space<vmem>> -> memref<128x64xf32, #tpu.memory_space<vmem>>
      %dma_wait3A_178 = arith.constant 0 : i32
      %dma_wait3A_179 = arith.constant 0 : i32
      %dma_wait3A_180 = tpu.memref_slice %arg2[%dma_wait3A_178, %dma_wait3A_179] : memref<1000000x64xf32, #tpu.memory_space<hbm>> -> memref<128x64xf32, #tpu.memory_space<hbm>>
      %dma_wait3A_181 = arith.constant 0 : i32
      %dma_wait3A_182 = arith.constant 0 : i32
      %dma_wait3A_183 = tpu.memref_slice %arg6[%dma_wait3A_173, %dma_wait3A_181, %dma_wait3A_182] : memref<4x128x64xf32, #tpu.memory_space<vmem>> -> memref<1x128x64xf32, #tpu.memory_space<vmem>>
      %dma_wait3A_184 = tpu.memref_squeeze %dma_wait3A_183 : memref<1x128x64xf32, #tpu.memory_space<vmem>> -> memref<128x64xf32, #tpu.memory_space<vmem>>
      %dma_wait3A_185 = arith.constant 0 : i32
      %dma_wait3A_186 = arith.constant 0 : i32
      %dma_wait3A_187 = tpu.memref_slice %arg2[%dma_wait3A_185, %dma_wait3A_186] : memref<1000000x64xf32, #tpu.memory_space<hbm>> -> memref<128x64xf32, #tpu.memory_space<hbm>>
      tpu.wait_dma2 semaphore(%arg8 : memref<!tpu.dma_semaphore, #tpu.memory_space<semaphore_mem>>) src(%dma_wait3A_187 : memref<128x64xf32, #tpu.memory_space<hbm>>) dst(%dma_wait3A_184 : memref<128x64xf32, #tpu.memory_space<vmem>>)
      %ge3A_188 = arith.constant 2 : i32
      %ge3A_189 = arith.cmpi sge, %add3A_172, %ge3A_188 : i32
      %convert_element_type3A_190 = arith.extui %ge3A_189 : i1 to i32
      %cond3A_191 = arith.constant 0 : i32
      %cond3A_192 = arith.cmpi ne, %convert_element_type3A_190, %cond3A_191 : i32
      scf.if %cond3A_192 {
        %dma_wait3A_466 = arith.constant 0 : i32
        %dma_wait3A_467 = arith.constant 0 : i32
        %dma_wait3A_468 = arith.constant 1 : i32
        %dma_wait3A_469 = arith.constant 0 : i32
        %dma_wait3A_470 = arith.constant 0 : i32
        %dma_wait3A_471 = arith.constant 0 : i32
        %dma_wait3A_472 = tpu.memref_slice %arg7[%dma_wait3A_468, %dma_wait3A_469, %dma_wait3A_470, %dma_wait3A_471] : memref<2x8x8x129xf32, #tpu.memory_space<vmem>> -> memref<1x8x8x128xf32, #tpu.memory_space<vmem>>
        %dma_wait3A_473 = tpu.memref_squeeze %dma_wait3A_472 : memref<1x8x8x128xf32, #tpu.memory_space<vmem>> -> memref<8x8x128xf32, #tpu.memory_space<vmem>>
        %dma_wait3A_474 = arith.constant 0 : i32
        %dma_wait3A_475 = arith.constant 0 : i32
        %dma_wait3A_476 = arith.constant 0 : i32
        %dma_wait3A_477 = tpu.memref_slice %arg4[%dma_wait3A_466, %dma_wait3A_474, %dma_wait3A_467, %dma_wait3A_475, %dma_wait3A_476] : memref<50x8x128x8x128xf32, #tpu.memory_space<hbm>> -> memref<1x8x1x8x128xf32, #tpu.memory_space<hbm>>
        %dma_wait3A_478 = tpu.memref_squeeze %dma_wait3A_477 : memref<1x8x1x8x128xf32, #tpu.memory_space<hbm>> -> memref<8x8x128xf32, #tpu.memory_space<hbm>>
        %dma_wait3A_479 = arith.constant 0 : i32
        %dma_wait3A_480 = arith.constant 0 : i32
        %dma_wait3A_481 = arith.constant 0 : i32
        %dma_wait3A_482 = tpu.memref_slice %arg7[%dma_wait3A_468, %dma_wait3A_479, %dma_wait3A_480, %dma_wait3A_481] : memref<2x8x8x129xf32, #tpu.memory_space<vmem>> -> memref<1x8x8x128xf32, #tpu.memory_space<vmem>>
        %dma_wait3A_483 = tpu.memref_squeeze %dma_wait3A_482 : memref<1x8x8x128xf32, #tpu.memory_space<vmem>> -> memref<8x8x128xf32, #tpu.memory_space<vmem>>
        %dma_wait3A_484 = arith.constant 0 : i32
        %dma_wait3A_485 = arith.constant 0 : i32
        %dma_wait3A_486 = arith.constant 0 : i32
        %dma_wait3A_487 = tpu.memref_slice %arg4[%dma_wait3A_466, %dma_wait3A_484, %dma_wait3A_467, %dma_wait3A_485, %dma_wait3A_486] : memref<50x8x128x8x128xf32, #tpu.memory_space<hbm>> -> memref<1x8x1x8x128xf32, #tpu.memory_space<hbm>>
        %dma_wait3A_488 = tpu.memref_squeeze %dma_wait3A_487 : memref<1x8x1x8x128xf32, #tpu.memory_space<hbm>> -> memref<8x8x128xf32, #tpu.memory_space<hbm>>
        tpu.wait_dma2 semaphore(%arg9 : memref<!tpu.dma_semaphore, #tpu.memory_space<semaphore_mem>>) src(%dma_wait3A_488 : memref<8x8x128xf32, #tpu.memory_space<hbm>>) dst(%dma_wait3A_483 : memref<8x8x128xf32, #tpu.memory_space<vmem>>)
      } else {
      }
      %iota3A_193 = tpu.iota {dimensions = array<i32: 0>} : vector<16xi32>
      %parallel_loop3A_194 = arith.constant 0 : i32
      %parallel_loop3A_195 = arith.constant 128 : i32
      %parallel_loop3A_196 = arith.constant 1 : i32
      scf.for %parallel_loop3A_466 = %parallel_loop3A_194 to %parallel_loop3A_195 step %parallel_loop3A_196  : i32 {
        %parallel_loop3A_467 = arith.constant 0 : i32
        %parallel_loop3A_468 = vector.broadcast %parallel_loop3A_467 : i32 to vector<16xi32>
        %parallel_loop3A_469 = vector.broadcast %parallel_loop3A_466 : i32 to vector<16xi32>
        %parallel_loop3A_470 = arith.addi %parallel_loop3A_468, %parallel_loop3A_469 : vector<16xi32>
        %parallel_loop3A_471 = arith.constant 1 : i32
        %parallel_loop3A_472 = arith.index_cast %parallel_loop3A_471 : i32 to index
        %parallel_loop3A_473 = arith.index_cast %parallel_loop3A_466 : i32 to index
        %parallel_loop3A_474 = arith.constant 0 : index
        %parallel_loop3A_475 = tpu.vector_load %arg6[%parallel_loop3A_472, %parallel_loop3A_473, %parallel_loop3A_474] {strides = array<i32>} : memref<4x128x64xf32, #tpu.memory_space<vmem>>, vector<16xf32>,
        %parallel_loop3A_476 = arith.constant 0 : i32
        %parallel_loop3A_477 = vector.broadcast %parallel_loop3A_476 : i32 to vector<16xi32>
        %parallel_loop3A_478 = arith.addi %parallel_loop3A_477, %iota3A_193 : vector<16xi32>
        %parallel_loop3A_479 = arith.constant 8 : i32
        %parallel_loop3A_480 = vector.broadcast %parallel_loop3A_479 : i32 to vector<16xi32>
        %parallel_loop3A_481 = arith.divsi %parallel_loop3A_478, %parallel_loop3A_480 : vector<16xi32>
        %parallel_loop3A_482 = arith.constant 0 : i32
        %parallel_loop3A_483 = vector.broadcast %parallel_loop3A_482 : i32 to vector<16xi32>
        %parallel_loop3A_484 = arith.cmpi sgt, %parallel_loop3A_478, %parallel_loop3A_483 : vector<16xi32>
        %parallel_loop3A_485 = arith.extui %parallel_loop3A_484 : vector<16xi1> to vector<16xi32>
        %parallel_loop3A_486 = arith.constant 0 : i32
        %parallel_loop3A_487 = vector.broadcast %parallel_loop3A_486 : i32 to vector<16xi32>
        %parallel_loop3A_488 = arith.cmpi slt, %parallel_loop3A_478, %parallel_loop3A_487 : vector<16xi32>
        %parallel_loop3A_489 = arith.extui %parallel_loop3A_488 : vector<16xi1> to vector<16xi32>
        %parallel_loop3A_490 = arith.subi %parallel_loop3A_485, %parallel_loop3A_489 : vector<16xi32>
        %parallel_loop3A_491 = arith.constant 0 : i32
        %parallel_loop3A_492 = arith.cmpi sgt, %parallel_loop3A_479, %parallel_loop3A_491 : i32
        %parallel_loop3A_493 = arith.extui %parallel_loop3A_492 : i1 to i32
        %parallel_loop3A_494 = arith.constant 0 : i32
        %parallel_loop3A_495 = arith.cmpi slt, %parallel_loop3A_479, %parallel_loop3A_494 : i32
        %parallel_loop3A_496 = arith.extui %parallel_loop3A_495 : i1 to i32
        %parallel_loop3A_497 = arith.subi %parallel_loop3A_493, %parallel_loop3A_496 : i32
        %parallel_loop3A_498 = vector.broadcast %parallel_loop3A_497 : i32 to vector<16xi32>
        %parallel_loop3A_499 = arith.cmpi ne, %parallel_loop3A_490, %parallel_loop3A_498 : vector<16xi32>
        %parallel_loop3A_500 = vector.broadcast %parallel_loop3A_479 : i32 to vector<16xi32>
        %parallel_loop3A_501 = arith.remsi %parallel_loop3A_478, %parallel_loop3A_500 : vector<16xi32>
        %parallel_loop3A_502 = arith.constant 0 : i32
        %parallel_loop3A_503 = vector.broadcast %parallel_loop3A_502 : i32 to vector<16xi32>
        %parallel_loop3A_504 = arith.cmpi ne, %parallel_loop3A_501, %parallel_loop3A_503 : vector<16xi32>
        %parallel_loop3A_505 = arith.andi %parallel_loop3A_499, %parallel_loop3A_504 : vector<16xi1>
        %parallel_loop3A_506 = arith.constant 1 : i32
        %parallel_loop3A_507 = vector.broadcast %parallel_loop3A_506 : i32 to vector<16xi32>
        %parallel_loop3A_508 = arith.subi %parallel_loop3A_481, %parallel_loop3A_507 : vector<16xi32>
        %parallel_loop3A_509 = arith.select %parallel_loop3A_505, %parallel_loop3A_508, %parallel_loop3A_481 : vector<16xi1>, vector<16xi32>
        %parallel_loop3A_510 = arith.constant 8 : i32
        %parallel_loop3A_511 = arith.constant 0 : i32
        %parallel_loop3A_512 = arith.cmpi eq, %parallel_loop3A_510, %parallel_loop3A_511 : i32
        %parallel_loop3A_513 = arith.constant 1 : i32
        %parallel_loop3A_514 = arith.select %parallel_loop3A_512, %parallel_loop3A_513, %parallel_loop3A_510 : i32
        %parallel_loop3A_515 = vector.broadcast %parallel_loop3A_514 : i32 to vector<16xi32>
        %parallel_loop3A_516 = arith.remsi %parallel_loop3A_478, %parallel_loop3A_515 : vector<16xi32>
        %parallel_loop3A_517 = arith.constant 0 : i32
        %parallel_loop3A_518 = vector.broadcast %parallel_loop3A_517 : i32 to vector<16xi32>
        %parallel_loop3A_519 = arith.cmpi ne, %parallel_loop3A_516, %parallel_loop3A_518 : vector<16xi32>
        %parallel_loop3A_520 = arith.constant 0 : i32
        %parallel_loop3A_521 = vector.broadcast %parallel_loop3A_520 : i32 to vector<16xi32>
        %parallel_loop3A_522 = arith.cmpi slt, %parallel_loop3A_516, %parallel_loop3A_521 : vector<16xi32>
        %parallel_loop3A_523 = arith.constant 0 : i32
        %parallel_loop3A_524 = arith.cmpi slt, %parallel_loop3A_514, %parallel_loop3A_523 : i32
        %parallel_loop3A_525 = vector.broadcast %parallel_loop3A_524 : i1 to vector<16xi1>
        %parallel_loop3A_526 = vector.broadcast %parallel_loop3A_525 : vector<16xi1> to vector<16xi1>
        %parallel_loop3A_527 = arith.xori %parallel_loop3A_522, %parallel_loop3A_526 : vector<16xi1>
        %parallel_loop3A_528 = arith.andi %parallel_loop3A_527, %parallel_loop3A_519 : vector<16xi1>
        %parallel_loop3A_529 = vector.broadcast %parallel_loop3A_514 : i32 to vector<16xi32>
        %parallel_loop3A_530 = arith.addi %parallel_loop3A_516, %parallel_loop3A_529 : vector<16xi32>
        %parallel_loop3A_531 = arith.select %parallel_loop3A_528, %parallel_loop3A_530, %parallel_loop3A_516 : vector<16xi1>, vector<16xi32>
        %parallel_loop3A_532 = arith.constant 1 : i32
        %parallel_loop3A_533 = arith.constant 0 : i32
        %parallel_loop3A_534 = arith.constant 0 : i32
        %parallel_loop3A_535 = arith.constant 0 : i32
        %parallel_loop3A_536 = tpu.memref_slice %arg7[%parallel_loop3A_532, %parallel_loop3A_533, %parallel_loop3A_534, %parallel_loop3A_535] : memref<2x8x8x129xf32, #tpu.memory_space<vmem>> -> memref<1x8x8x129xf32, #tpu.memory_space<vmem>>
        %parallel_loop3A_537 = tpu.memref_squeeze %parallel_loop3A_536 : memref<1x8x8x129xf32, #tpu.memory_space<vmem>> -> memref<8x8x129xf32, #tpu.memory_space<vmem>>
        tpu.vector_store_idx %parallel_loop3A_537[%parallel_loop3A_509, %parallel_loop3A_531, %parallel_loop3A_470], %parallel_loop3A_475 : memref<8x8x129xf32, #tpu.memory_space<vmem>>[vector<16xi32>, vector<16xi32>, vector<16xi32>], vector<16xf32>,
        %parallel_loop3A_538 = arith.constant 1 : i32
        %parallel_loop3A_539 = arith.index_cast %parallel_loop3A_538 : i32 to index
        %parallel_loop3A_540 = arith.index_cast %parallel_loop3A_466 : i32 to index
        %parallel_loop3A_541 = arith.constant 16 : index
        %parallel_loop3A_542 = tpu.vector_load %arg6[%parallel_loop3A_539, %parallel_loop3A_540, %parallel_loop3A_541] {strides = array<i32>} : memref<4x128x64xf32, #tpu.memory_space<vmem>>, vector<16xf32>,
        %parallel_loop3A_543 = arith.constant 16 : i32
        %parallel_loop3A_544 = vector.broadcast %parallel_loop3A_543 : i32 to vector<16xi32>
        %parallel_loop3A_545 = arith.addi %parallel_loop3A_544, %iota3A_193 : vector<16xi32>
        %parallel_loop3A_546 = arith.constant 8 : i32
        %parallel_loop3A_547 = vector.broadcast %parallel_loop3A_546 : i32 to vector<16xi32>
        %parallel_loop3A_548 = arith.divsi %parallel_loop3A_545, %parallel_loop3A_547 : vector<16xi32>
        %parallel_loop3A_549 = arith.constant 0 : i32
        %parallel_loop3A_550 = vector.broadcast %parallel_loop3A_549 : i32 to vector<16xi32>
        %parallel_loop3A_551 = arith.cmpi sgt, %parallel_loop3A_545, %parallel_loop3A_550 : vector<16xi32>
        %parallel_loop3A_552 = arith.extui %parallel_loop3A_551 : vector<16xi1> to vector<16xi32>
        %parallel_loop3A_553 = arith.constant 0 : i32
        %parallel_loop3A_554 = vector.broadcast %parallel_loop3A_553 : i32 to vector<16xi32>
        %parallel_loop3A_555 = arith.cmpi slt, %parallel_loop3A_545, %parallel_loop3A_554 : vector<16xi32>
        %parallel_loop3A_556 = arith.extui %parallel_loop3A_555 : vector<16xi1> to vector<16xi32>
        %parallel_loop3A_557 = arith.subi %parallel_loop3A_552, %parallel_loop3A_556 : vector<16xi32>
        %parallel_loop3A_558 = arith.constant 0 : i32
        %parallel_loop3A_559 = arith.cmpi sgt, %parallel_loop3A_546, %parallel_loop3A_558 : i32
        %parallel_loop3A_560 = arith.extui %parallel_loop3A_559 : i1 to i32
        %parallel_loop3A_561 = arith.constant 0 : i32
        %parallel_loop3A_562 = arith.cmpi slt, %parallel_loop3A_546, %parallel_loop3A_561 : i32
        %parallel_loop3A_563 = arith.extui %parallel_loop3A_562 : i1 to i32
        %parallel_loop3A_564 = arith.subi %parallel_loop3A_560, %parallel_loop3A_563 : i32
        %parallel_loop3A_565 = vector.broadcast %parallel_loop3A_564 : i32 to vector<16xi32>
        %parallel_loop3A_566 = arith.cmpi ne, %parallel_loop3A_557, %parallel_loop3A_565 : vector<16xi32>
        %parallel_loop3A_567 = vector.broadcast %parallel_loop3A_546 : i32 to vector<16xi32>
        %parallel_loop3A_568 = arith.remsi %parallel_loop3A_545, %parallel_loop3A_567 : vector<16xi32>
        %parallel_loop3A_569 = arith.constant 0 : i32
        %parallel_loop3A_570 = vector.broadcast %parallel_loop3A_569 : i32 to vector<16xi32>
        %parallel_loop3A_571 = arith.cmpi ne, %parallel_loop3A_568, %parallel_loop3A_570 : vector<16xi32>
        %parallel_loop3A_572 = arith.andi %parallel_loop3A_566, %parallel_loop3A_571 : vector<16xi1>
        %parallel_loop3A_573 = arith.constant 1 : i32
        %parallel_loop3A_574 = vector.broadcast %parallel_loop3A_573 : i32 to vector<16xi32>
        %parallel_loop3A_575 = arith.subi %parallel_loop3A_548, %parallel_loop3A_574 : vector<16xi32>
        %parallel_loop3A_576 = arith.select %parallel_loop3A_572, %parallel_loop3A_575, %parallel_loop3A_548 : vector<16xi1>, vector<16xi32>
        %parallel_loop3A_577 = arith.constant 8 : i32
        %parallel_loop3A_578 = arith.constant 0 : i32
        %parallel_loop3A_579 = arith.cmpi eq, %parallel_loop3A_577, %parallel_loop3A_578 : i32
        %parallel_loop3A_580 = arith.constant 1 : i32
        %parallel_loop3A_581 = arith.select %parallel_loop3A_579, %parallel_loop3A_580, %parallel_loop3A_577 : i32
        %parallel_loop3A_582 = vector.broadcast %parallel_loop3A_581 : i32 to vector<16xi32>
        %parallel_loop3A_583 = arith.remsi %parallel_loop3A_545, %parallel_loop3A_582 : vector<16xi32>
        %parallel_loop3A_584 = arith.constant 0 : i32
        %parallel_loop3A_585 = vector.broadcast %parallel_loop3A_584 : i32 to vector<16xi32>
        %parallel_loop3A_586 = arith.cmpi ne, %parallel_loop3A_583, %parallel_loop3A_585 : vector<16xi32>
        %parallel_loop3A_587 = arith.constant 0 : i32
        %parallel_loop3A_588 = vector.broadcast %parallel_loop3A_587 : i32 to vector<16xi32>
        %parallel_loop3A_589 = arith.cmpi slt, %parallel_loop3A_583, %parallel_loop3A_588 : vector<16xi32>
        %parallel_loop3A_590 = arith.constant 0 : i32
        %parallel_loop3A_591 = arith.cmpi slt, %parallel_loop3A_581, %parallel_loop3A_590 : i32
        %parallel_loop3A_592 = vector.broadcast %parallel_loop3A_591 : i1 to vector<16xi1>
        %parallel_loop3A_593 = vector.broadcast %parallel_loop3A_592 : vector<16xi1> to vector<16xi1>
        %parallel_loop3A_594 = arith.xori %parallel_loop3A_589, %parallel_loop3A_593 : vector<16xi1>
        %parallel_loop3A_595 = arith.andi %parallel_loop3A_594, %parallel_loop3A_586 : vector<16xi1>
        %parallel_loop3A_596 = vector.broadcast %parallel_loop3A_581 : i32 to vector<16xi32>
        %parallel_loop3A_597 = arith.addi %parallel_loop3A_583, %parallel_loop3A_596 : vector<16xi32>
        %parallel_loop3A_598 = arith.select %parallel_loop3A_595, %parallel_loop3A_597, %parallel_loop3A_583 : vector<16xi1>, vector<16xi32>
        %parallel_loop3A_599 = arith.constant 1 : i32
        %parallel_loop3A_600 = arith.constant 0 : i32
        %parallel_loop3A_601 = arith.constant 0 : i32
        %parallel_loop3A_602 = arith.constant 0 : i32
        %parallel_loop3A_603 = tpu.memref_slice %arg7[%parallel_loop3A_599, %parallel_loop3A_600, %parallel_loop3A_601, %parallel_loop3A_602] : memref<2x8x8x129xf32, #tpu.memory_space<vmem>> -> memref<1x8x8x129xf32, #tpu.memory_space<vmem>>
        %parallel_loop3A_604 = tpu.memref_squeeze %parallel_loop3A_603 : memref<1x8x8x129xf32, #tpu.memory_space<vmem>> -> memref<8x8x129xf32, #tpu.memory_space<vmem>>
        tpu.vector_store_idx %parallel_loop3A_604[%parallel_loop3A_576, %parallel_loop3A_598, %parallel_loop3A_470], %parallel_loop3A_542 : memref<8x8x129xf32, #tpu.memory_space<vmem>>[vector<16xi32>, vector<16xi32>, vector<16xi32>], vector<16xf32>,
        %parallel_loop3A_605 = arith.constant 1 : i32
        %parallel_loop3A_606 = arith.index_cast %parallel_loop3A_605 : i32 to index
        %parallel_loop3A_607 = arith.index_cast %parallel_loop3A_466 : i32 to index
        %parallel_loop3A_608 = arith.constant 32 : index
        %parallel_loop3A_609 = tpu.vector_load %arg6[%parallel_loop3A_606, %parallel_loop3A_607, %parallel_loop3A_608] {strides = array<i32>} : memref<4x128x64xf32, #tpu.memory_space<vmem>>, vector<16xf32>,
        %parallel_loop3A_610 = arith.constant 32 : i32
        %parallel_loop3A_611 = vector.broadcast %parallel_loop3A_610 : i32 to vector<16xi32>
        %parallel_loop3A_612 = arith.addi %parallel_loop3A_611, %iota3A_193 : vector<16xi32>
        %parallel_loop3A_613 = arith.constant 8 : i32
        %parallel_loop3A_614 = vector.broadcast %parallel_loop3A_613 : i32 to vector<16xi32>
        %parallel_loop3A_615 = arith.divsi %parallel_loop3A_612, %parallel_loop3A_614 : vector<16xi32>
        %parallel_loop3A_616 = arith.constant 0 : i32
        %parallel_loop3A_617 = vector.broadcast %parallel_loop3A_616 : i32 to vector<16xi32>
        %parallel_loop3A_618 = arith.cmpi sgt, %parallel_loop3A_612, %parallel_loop3A_617 : vector<16xi32>
        %parallel_loop3A_619 = arith.extui %parallel_loop3A_618 : vector<16xi1> to vector<16xi32>
        %parallel_loop3A_620 = arith.constant 0 : i32
        %parallel_loop3A_621 = vector.broadcast %parallel_loop3A_620 : i32 to vector<16xi32>
        %parallel_loop3A_622 = arith.cmpi slt, %parallel_loop3A_612, %parallel_loop3A_621 : vector<16xi32>
        %parallel_loop3A_623 = arith.extui %parallel_loop3A_622 : vector<16xi1> to vector<16xi32>
        %parallel_loop3A_624 = arith.subi %parallel_loop3A_619, %parallel_loop3A_623 : vector<16xi32>
        %parallel_loop3A_625 = arith.constant 0 : i32
        %parallel_loop3A_626 = arith.cmpi sgt, %parallel_loop3A_613, %parallel_loop3A_625 : i32
        %parallel_loop3A_627 = arith.extui %parallel_loop3A_626 : i1 to i32
        %parallel_loop3A_628 = arith.constant 0 : i32
        %parallel_loop3A_629 = arith.cmpi slt, %parallel_loop3A_613, %parallel_loop3A_628 : i32
        %parallel_loop3A_630 = arith.extui %parallel_loop3A_629 : i1 to i32
        %parallel_loop3A_631 = arith.subi %parallel_loop3A_627, %parallel_loop3A_630 : i32
        %parallel_loop3A_632 = vector.broadcast %parallel_loop3A_631 : i32 to vector<16xi32>
        %parallel_loop3A_633 = arith.cmpi ne, %parallel_loop3A_624, %parallel_loop3A_632 : vector<16xi32>
        %parallel_loop3A_634 = vector.broadcast %parallel_loop3A_613 : i32 to vector<16xi32>
        %parallel_loop3A_635 = arith.remsi %parallel_loop3A_612, %parallel_loop3A_634 : vector<16xi32>
        %parallel_loop3A_636 = arith.constant 0 : i32
        %parallel_loop3A_637 = vector.broadcast %parallel_loop3A_636 : i32 to vector<16xi32>
        %parallel_loop3A_638 = arith.cmpi ne, %parallel_loop3A_635, %parallel_loop3A_637 : vector<16xi32>
        %parallel_loop3A_639 = arith.andi %parallel_loop3A_633, %parallel_loop3A_638 : vector<16xi1>
        %parallel_loop3A_640 = arith.constant 1 : i32
        %parallel_loop3A_641 = vector.broadcast %parallel_loop3A_640 : i32 to vector<16xi32>
        %parallel_loop3A_642 = arith.subi %parallel_loop3A_615, %parallel_loop3A_641 : vector<16xi32>
        %parallel_loop3A_643 = arith.select %parallel_loop3A_639, %parallel_loop3A_642, %parallel_loop3A_615 : vector<16xi1>, vector<16xi32>
        %parallel_loop3A_644 = arith.constant 8 : i32
        %parallel_loop3A_645 = arith.constant 0 : i32
        %parallel_loop3A_646 = arith.cmpi eq, %parallel_loop3A_644, %parallel_loop3A_645 : i32
        %parallel_loop3A_647 = arith.constant 1 : i32
        %parallel_loop3A_648 = arith.select %parallel_loop3A_646, %parallel_loop3A_647, %parallel_loop3A_644 : i32
        %parallel_loop3A_649 = vector.broadcast %parallel_loop3A_648 : i32 to vector<16xi32>
        %parallel_loop3A_650 = arith.remsi %parallel_loop3A_612, %parallel_loop3A_649 : vector<16xi32>
        %parallel_loop3A_651 = arith.constant 0 : i32
        %parallel_loop3A_652 = vector.broadcast %parallel_loop3A_651 : i32 to vector<16xi32>
        %parallel_loop3A_653 = arith.cmpi ne, %parallel_loop3A_650, %parallel_loop3A_652 : vector<16xi32>
        %parallel_loop3A_654 = arith.constant 0 : i32
        %parallel_loop3A_655 = vector.broadcast %parallel_loop3A_654 : i32 to vector<16xi32>
        %parallel_loop3A_656 = arith.cmpi slt, %parallel_loop3A_650, %parallel_loop3A_655 : vector<16xi32>
        %parallel_loop3A_657 = arith.constant 0 : i32
        %parallel_loop3A_658 = arith.cmpi slt, %parallel_loop3A_648, %parallel_loop3A_657 : i32
        %parallel_loop3A_659 = vector.broadcast %parallel_loop3A_658 : i1 to vector<16xi1>
        %parallel_loop3A_660 = vector.broadcast %parallel_loop3A_659 : vector<16xi1> to vector<16xi1>
        %parallel_loop3A_661 = arith.xori %parallel_loop3A_656, %parallel_loop3A_660 : vector<16xi1>
        %parallel_loop3A_662 = arith.andi %parallel_loop3A_661, %parallel_loop3A_653 : vector<16xi1>
        %parallel_loop3A_663 = vector.broadcast %parallel_loop3A_648 : i32 to vector<16xi32>
        %parallel_loop3A_664 = arith.addi %parallel_loop3A_650, %parallel_loop3A_663 : vector<16xi32>
        %parallel_loop3A_665 = arith.select %parallel_loop3A_662, %parallel_loop3A_664, %parallel_loop3A_650 : vector<16xi1>, vector<16xi32>
        %parallel_loop3A_666 = arith.constant 1 : i32
        %parallel_loop3A_667 = arith.constant 0 : i32
        %parallel_loop3A_668 = arith.constant 0 : i32
        %parallel_loop3A_669 = arith.constant 0 : i32
        %parallel_loop3A_670 = tpu.memref_slice %arg7[%parallel_loop3A_666, %parallel_loop3A_667, %parallel_loop3A_668, %parallel_loop3A_669] : memref<2x8x8x129xf32, #tpu.memory_space<vmem>> -> memref<1x8x8x129xf32, #tpu.memory_space<vmem>>
        %parallel_loop3A_671 = tpu.memref_squeeze %parallel_loop3A_670 : memref<1x8x8x129xf32, #tpu.memory_space<vmem>> -> memref<8x8x129xf32, #tpu.memory_space<vmem>>
        tpu.vector_store_idx %parallel_loop3A_671[%parallel_loop3A_643, %parallel_loop3A_665, %parallel_loop3A_470], %parallel_loop3A_609 : memref<8x8x129xf32, #tpu.memory_space<vmem>>[vector<16xi32>, vector<16xi32>, vector<16xi32>], vector<16xf32>,
        %parallel_loop3A_672 = arith.constant 1 : i32
        %parallel_loop3A_673 = arith.index_cast %parallel_loop3A_672 : i32 to index
        %parallel_loop3A_674 = arith.index_cast %parallel_loop3A_466 : i32 to index
        %parallel_loop3A_675 = arith.constant 48 : index
        %parallel_loop3A_676 = tpu.vector_load %arg6[%parallel_loop3A_673, %parallel_loop3A_674, %parallel_loop3A_675] {strides = array<i32>} : memref<4x128x64xf32, #tpu.memory_space<vmem>>, vector<16xf32>,
        %parallel_loop3A_677 = arith.constant 48 : i32
        %parallel_loop3A_678 = vector.broadcast %parallel_loop3A_677 : i32 to vector<16xi32>
        %parallel_loop3A_679 = arith.addi %parallel_loop3A_678, %iota3A_193 : vector<16xi32>
        %parallel_loop3A_680 = arith.constant 8 : i32
        %parallel_loop3A_681 = vector.broadcast %parallel_loop3A_680 : i32 to vector<16xi32>
        %parallel_loop3A_682 = arith.divsi %parallel_loop3A_679, %parallel_loop3A_681 : vector<16xi32>
        %parallel_loop3A_683 = arith.constant 0 : i32
        %parallel_loop3A_684 = vector.broadcast %parallel_loop3A_683 : i32 to vector<16xi32>
        %parallel_loop3A_685 = arith.cmpi sgt, %parallel_loop3A_679, %parallel_loop3A_684 : vector<16xi32>
        %parallel_loop3A_686 = arith.extui %parallel_loop3A_685 : vector<16xi1> to vector<16xi32>
        %parallel_loop3A_687 = arith.constant 0 : i32
        %parallel_loop3A_688 = vector.broadcast %parallel_loop3A_687 : i32 to vector<16xi32>
        %parallel_loop3A_689 = arith.cmpi slt, %parallel_loop3A_679, %parallel_loop3A_688 : vector<16xi32>
        %parallel_loop3A_690 = arith.extui %parallel_loop3A_689 : vector<16xi1> to vector<16xi32>
        %parallel_loop3A_691 = arith.subi %parallel_loop3A_686, %parallel_loop3A_690 : vector<16xi32>
        %parallel_loop3A_692 = arith.constant 0 : i32
        %parallel_loop3A_693 = arith.cmpi sgt, %parallel_loop3A_680, %parallel_loop3A_692 : i32
        %parallel_loop3A_694 = arith.extui %parallel_loop3A_693 : i1 to i32
        %parallel_loop3A_695 = arith.constant 0 : i32
        %parallel_loop3A_696 = arith.cmpi slt, %parallel_loop3A_680, %parallel_loop3A_695 : i32
        %parallel_loop3A_697 = arith.extui %parallel_loop3A_696 : i1 to i32
        %parallel_loop3A_698 = arith.subi %parallel_loop3A_694, %parallel_loop3A_697 : i32
        %parallel_loop3A_699 = vector.broadcast %parallel_loop3A_698 : i32 to vector<16xi32>
        %parallel_loop3A_700 = arith.cmpi ne, %parallel_loop3A_691, %parallel_loop3A_699 : vector<16xi32>
        %parallel_loop3A_701 = vector.broadcast %parallel_loop3A_680 : i32 to vector<16xi32>
        %parallel_loop3A_702 = arith.remsi %parallel_loop3A_679, %parallel_loop3A_701 : vector<16xi32>
        %parallel_loop3A_703 = arith.constant 0 : i32
        %parallel_loop3A_704 = vector.broadcast %parallel_loop3A_703 : i32 to vector<16xi32>
        %parallel_loop3A_705 = arith.cmpi ne, %parallel_loop3A_702, %parallel_loop3A_704 : vector<16xi32>
        %parallel_loop3A_706 = arith.andi %parallel_loop3A_700, %parallel_loop3A_705 : vector<16xi1>
        %parallel_loop3A_707 = arith.constant 1 : i32
        %parallel_loop3A_708 = vector.broadcast %parallel_loop3A_707 : i32 to vector<16xi32>
        %parallel_loop3A_709 = arith.subi %parallel_loop3A_682, %parallel_loop3A_708 : vector<16xi32>
        %parallel_loop3A_710 = arith.select %parallel_loop3A_706, %parallel_loop3A_709, %parallel_loop3A_682 : vector<16xi1>, vector<16xi32>
        %parallel_loop3A_711 = arith.constant 8 : i32
        %parallel_loop3A_712 = arith.constant 0 : i32
        %parallel_loop3A_713 = arith.cmpi eq, %parallel_loop3A_711, %parallel_loop3A_712 : i32
        %parallel_loop3A_714 = arith.constant 1 : i32
        %parallel_loop3A_715 = arith.select %parallel_loop3A_713, %parallel_loop3A_714, %parallel_loop3A_711 : i32
        %parallel_loop3A_716 = vector.broadcast %parallel_loop3A_715 : i32 to vector<16xi32>
        %parallel_loop3A_717 = arith.remsi %parallel_loop3A_679, %parallel_loop3A_716 : vector<16xi32>
        %parallel_loop3A_718 = arith.constant 0 : i32
        %parallel_loop3A_719 = vector.broadcast %parallel_loop3A_718 : i32 to vector<16xi32>
        %parallel_loop3A_720 = arith.cmpi ne, %parallel_loop3A_717, %parallel_loop3A_719 : vector<16xi32>
        %parallel_loop3A_721 = arith.constant 0 : i32
        %parallel_loop3A_722 = vector.broadcast %parallel_loop3A_721 : i32 to vector<16xi32>
        %parallel_loop3A_723 = arith.cmpi slt, %parallel_loop3A_717, %parallel_loop3A_722 : vector<16xi32>
        %parallel_loop3A_724 = arith.constant 0 : i32
        %parallel_loop3A_725 = arith.cmpi slt, %parallel_loop3A_715, %parallel_loop3A_724 : i32
        %parallel_loop3A_726 = vector.broadcast %parallel_loop3A_725 : i1 to vector<16xi1>
        %parallel_loop3A_727 = vector.broadcast %parallel_loop3A_726 : vector<16xi1> to vector<16xi1>
        %parallel_loop3A_728 = arith.xori %parallel_loop3A_723, %parallel_loop3A_727 : vector<16xi1>
        %parallel_loop3A_729 = arith.andi %parallel_loop3A_728, %parallel_loop3A_720 : vector<16xi1>
        %parallel_loop3A_730 = vector.broadcast %parallel_loop3A_715 : i32 to vector<16xi32>
        %parallel_loop3A_731 = arith.addi %parallel_loop3A_717, %parallel_loop3A_730 : vector<16xi32>
        %parallel_loop3A_732 = arith.select %parallel_loop3A_729, %parallel_loop3A_731, %parallel_loop3A_717 : vector<16xi1>, vector<16xi32>
        %parallel_loop3A_733 = arith.constant 1 : i32
        %parallel_loop3A_734 = arith.constant 0 : i32
        %parallel_loop3A_735 = arith.constant 0 : i32
        %parallel_loop3A_736 = arith.constant 0 : i32
        %parallel_loop3A_737 = tpu.memref_slice %arg7[%parallel_loop3A_733, %parallel_loop3A_734, %parallel_loop3A_735, %parallel_loop3A_736] : memref<2x8x8x129xf32, #tpu.memory_space<vmem>> -> memref<1x8x8x129xf32, #tpu.memory_space<vmem>>
        %parallel_loop3A_738 = tpu.memref_squeeze %parallel_loop3A_737 : memref<1x8x8x129xf32, #tpu.memory_space<vmem>> -> memref<8x8x129xf32, #tpu.memory_space<vmem>>
        tpu.vector_store_idx %parallel_loop3A_738[%parallel_loop3A_710, %parallel_loop3A_732, %parallel_loop3A_470], %parallel_loop3A_676 : memref<8x8x129xf32, #tpu.memory_space<vmem>>[vector<16xi32>, vector<16xi32>, vector<16xi32>], vector<16xf32>,
      } {sc.loop_unroll_factor = 8 : i64, sc.parallel_access}
      %add3A_197 = arith.addi %mul3A_4, %add3A_172 : i32
      %jit3A_198 = arith.constant 128 : i32
      %div3A_199 = arith.divsi %add3A_197, %jit3A_198 : i32
      %sign3A_200 = arith.constant 0 : i32
      %sign3A_201 = arith.cmpi sgt, %add3A_197, %sign3A_200 : i32
      %sign3A_202 = arith.extui %sign3A_201 : i1 to i32
      %sign3A_203 = arith.constant 0 : i32
      %sign3A_204 = arith.cmpi slt, %add3A_197, %sign3A_203 : i32
      %sign3A_205 = arith.extui %sign3A_204 : i1 to i32
      %sign3A_206 = arith.subi %sign3A_202, %sign3A_205 : i32
      %sign3A_207 = arith.constant 0 : i32
      %sign3A_208 = arith.cmpi sgt, %jit3A_198, %sign3A_207 : i32
      %sign3A_209 = arith.extui %sign3A_208 : i1 to i32
      %sign3A_210 = arith.constant 0 : i32
      %sign3A_211 = arith.cmpi slt, %jit3A_198, %sign3A_210 : i32
      %sign3A_212 = arith.extui %sign3A_211 : i1 to i32
      %sign3A_213 = arith.subi %sign3A_209, %sign3A_212 : i32
      %ne3A_214 = arith.cmpi ne, %sign3A_206, %sign3A_213 : i32
      %rem3A_215 = arith.remsi %add3A_197, %jit3A_198 : i32
      %ne3A_216 = arith.constant 0 : i32
      %ne3A_217 = arith.cmpi ne, %rem3A_215, %ne3A_216 : i32
      %and3A_218 = arith.andi %ne3A_214, %ne3A_217 : i1
      %sub3A_219 = arith.constant 1 : i32
      %sub3A_220 = arith.subi %div3A_199, %sub3A_219 : i32
      %select_n3A_221 = arith.select %and3A_218, %sub3A_220, %div3A_199 : i32
      %jit3A_222 = arith.constant 128 : i32
      %eq3A_223 = arith.constant 0 : i32
      %eq3A_224 = arith.cmpi eq, %jit3A_222, %eq3A_223 : i32
      %jit3A_225 = arith.constant 1 : i32
      %select_n3A_226 = arith.select %eq3A_224, %jit3A_225, %jit3A_222 : i32
      %rem3A_227 = arith.remsi %add3A_197, %select_n3A_226 : i32
      %ne3A_228 = arith.constant 0 : i32
      %ne3A_229 = arith.cmpi ne, %rem3A_227, %ne3A_228 : i32
      %lt3A_230 = arith.constant 0 : i32
      %lt3A_231 = arith.cmpi slt, %rem3A_227, %lt3A_230 : i32
      %lt3A_232 = arith.constant 0 : i32
      %lt3A_233 = arith.cmpi slt, %select_n3A_226, %lt3A_232 : i32
      %ne3A_234 = arith.xori %lt3A_231, %lt3A_233 : i1
      %and3A_235 = arith.andi %ne3A_234, %ne3A_229 : i1
      %add3A_236 = arith.addi %rem3A_227, %select_n3A_226 : i32
      %select_n3A_237 = arith.select %and3A_235, %add3A_236, %rem3A_227 : i32
      %dma_start3A_238 = arith.constant 1 : i32
      %dma_start3A_239 = arith.constant 0 : i32
      %dma_start3A_240 = arith.constant 0 : i32
      %dma_start3A_241 = arith.constant 0 : i32
      %dma_start3A_242 = tpu.memref_slice %arg7[%dma_start3A_238, %dma_start3A_239, %dma_start3A_240, %dma_start3A_241] : memref<2x8x8x129xf32, #tpu.memory_space<vmem>> -> memref<1x8x8x128xf32, #tpu.memory_space<vmem>>
      %dma_start3A_243 = tpu.memref_squeeze %dma_start3A_242 : memref<1x8x8x128xf32, #tpu.memory_space<vmem>> -> memref<8x8x128xf32, #tpu.memory_space<vmem>>
      %dma_start3A_244 = arith.constant 0 : i32
      %dma_start3A_245 = arith.constant 0 : i32
      %dma_start3A_246 = arith.constant 0 : i32
      %dma_start3A_247 = tpu.memref_slice %arg4[%select_n3A_221, %dma_start3A_244, %select_n3A_237, %dma_start3A_245, %dma_start3A_246] : memref<50x8x128x8x128xf32, #tpu.memory_space<hbm>> -> memref<1x8x1x8x128xf32, #tpu.memory_space<hbm>>
      %dma_start3A_248 = tpu.memref_squeeze %dma_start3A_247 : memref<1x8x1x8x128xf32, #tpu.memory_space<hbm>> -> memref<8x8x128xf32, #tpu.memory_space<hbm>>
      %dma_start3A_249 = arith.constant 0 : i32
      %dma_start3A_250 = arith.constant 0 : i32
      %dma_start3A_251 = arith.constant 0 : i32
      %dma_start3A_252 = tpu.memref_slice %arg4[%select_n3A_221, %dma_start3A_249, %select_n3A_237, %dma_start3A_250, %dma_start3A_251] : memref<50x8x128x8x128xf32, #tpu.memory_space<hbm>> -> memref<1x8x1x8x128xf32, #tpu.memory_space<hbm>>
      %dma_start3A_253 = tpu.memref_squeeze %dma_start3A_252 : memref<1x8x1x8x128xf32, #tpu.memory_space<hbm>> -> memref<8x8x128xf32, #tpu.memory_space<hbm>>
      %dma_start3A_254 = arith.constant 0 : i32
      %dma_start3A_255 = arith.constant 0 : i32
      %dma_start3A_256 = arith.constant 0 : i32
      %dma_start3A_257 = tpu.memref_slice %arg7[%dma_start3A_238, %dma_start3A_254, %dma_start3A_255, %dma_start3A_256] : memref<2x8x8x129xf32, #tpu.memory_space<vmem>> -> memref<1x8x8x128xf32, #tpu.memory_space<vmem>>
      %dma_start3A_258 = tpu.memref_squeeze %dma_start3A_257 : memref<1x8x8x128xf32, #tpu.memory_space<vmem>> -> memref<8x8x128xf32, #tpu.memory_space<vmem>>
      tpu.enqueue_dma source(%dma_start3A_258 : memref<8x8x128xf32, #tpu.memory_space<vmem>>) target(%dma_start3A_253 : memref<8x8x128xf32, #tpu.memory_space<hbm>>) target_semaphore(%arg9 : memref<!tpu.dma_semaphore, #tpu.memory_space<semaphore_mem>>)
      %add3A_259 = arith.constant 4 : i32
      %add3A_260 = arith.addi %add3A_172, %add3A_259 : i32
      %sub3A_261 = arith.constant 1 : i32
      %sub3A_262 = arith.subi %add3A_260, %sub3A_261 : i32
      %lt3A_263 = arith.constant 200 : i32
      %lt3A_264 = arith.cmpi slt, %sub3A_262, %lt3A_263 : i32
      %convert_element_type3A_265 = arith.extui %lt3A_264 : i1 to i32
      %cond3A_266 = arith.constant 0 : i32
      %cond3A_267 = arith.cmpi ne, %convert_element_type3A_265, %cond3A_266 : i32
      scf.if %cond3A_267 {
        %add3A_466 = arith.constant 4 : i32
        %add3A_467 = arith.addi %add3A_172, %add3A_466 : i32
        %sub3A_468 = arith.constant 1 : i32
        %sub3A_469 = arith.subi %add3A_467, %sub3A_468 : i32
        %mul3A_470 = arith.constant 128 : i32
        %mul3A_471 = arith.muli %sub3A_469, %mul3A_470 : i32
        %dma_start3A_472 = arith.constant 0 : i32
        %dma_start3A_473 = arith.constant 0 : i32
        %dma_start3A_474 = arith.constant 0 : i32
        %dma_start3A_475 = tpu.memref_slice %arg6[%dma_start3A_472, %dma_start3A_473, %dma_start3A_474] : memref<4x128x64xf32, #tpu.memory_space<vmem>> -> memref<1x128x64xf32, #tpu.memory_space<vmem>>
        %dma_start3A_476 = tpu.memref_squeeze %dma_start3A_475 : memref<1x128x64xf32, #tpu.memory_space<vmem>> -> memref<128x64xf32, #tpu.memory_space<vmem>>
        %dma_start3A_477 = tpu.memref_slice %arg5[%mul3A_471] : memref<25600xi32, #tpu.memory_space<vmem>> -> memref<128xi32, #tpu.memory_space<vmem>>
        %dma_start3A_478 = arith.constant 0 : i32
        %dma_start3A_479 = arith.constant 0 : i32
        %dma_start3A_480 = tpu.memref_slice %arg2[%dma_start3A_478, %dma_start3A_479] : memref<1000000x64xf32, #tpu.memory_space<hbm>> -> memref<1000000x64xf32, #tpu.memory_space<hbm>>
        tpu.enqueue_indirect_dma source(%dma_start3A_480 : memref<1000000x64xf32, #tpu.memory_space<hbm>>) target(%dma_start3A_476 : memref<128x64xf32, #tpu.memory_space<vmem>>) offsets(%dma_start3A_477 : memref<128xi32, #tpu.memory_space<vmem>>) semaphore(%arg8 : memref<!tpu.dma_semaphore, #tpu.memory_space<semaphore_mem>>)
      } else {
      }
      %mul3A_268 = arith.constant 4 : i32
      %mul3A_269 = arith.muli %scan3A_84, %mul3A_268 : i32
      %add3A_270 = arith.constant 2 : i32
      %add3A_271 = arith.addi %mul3A_269, %add3A_270 : i32
      %dma_wait3A_272 = arith.constant 2 : i32
      %dma_wait3A_273 = arith.constant 0 : i32
      %dma_wait3A_274 = arith.constant 0 : i32
      %dma_wait3A_275 = tpu.memref_slice %arg6[%dma_wait3A_272, %dma_wait3A_273, %dma_wait3A_274] : memref<4x128x64xf32, #tpu.memory_space<vmem>> -> memref<1x128x64xf32, #tpu.memory_space<vmem>>
      %dma_wait3A_276 = tpu.memref_squeeze %dma_wait3A_275 : memref<1x128x64xf32, #tpu.memory_space<vmem>> -> memref<128x64xf32, #tpu.memory_space<vmem>>
      %dma_wait3A_277 = arith.constant 0 : i32
      %dma_wait3A_278 = arith.constant 0 : i32
      %dma_wait3A_279 = tpu.memref_slice %arg2[%dma_wait3A_277, %dma_wait3A_278] : memref<1000000x64xf32, #tpu.memory_space<hbm>> -> memref<128x64xf32, #tpu.memory_space<hbm>>
      %dma_wait3A_280 = arith.constant 0 : i32
      %dma_wait3A_281 = arith.constant 0 : i32
      %dma_wait3A_282 = tpu.memref_slice %arg6[%dma_wait3A_272, %dma_wait3A_280, %dma_wait3A_281] : memref<4x128x64xf32, #tpu.memory_space<vmem>> -> memref<1x128x64xf32, #tpu.memory_space<vmem>>
      %dma_wait3A_283 = tpu.memref_squeeze %dma_wait3A_282 : memref<1x128x64xf32, #tpu.memory_space<vmem>> -> memref<128x64xf32, #tpu.memory_space<vmem>>
      %dma_wait3A_284 = arith.constant 0 : i32
      %dma_wait3A_285 = arith.constant 0 : i32
      %dma_wait3A_286 = tpu.memref_slice %arg2[%dma_wait3A_284, %dma_wait3A_285] : memref<1000000x64xf32, #tpu.memory_space<hbm>> -> memref<128x64xf32, #tpu.memory_space<hbm>>
      tpu.wait_dma2 semaphore(%arg8 : memref<!tpu.dma_semaphore, #tpu.memory_space<semaphore_mem>>) src(%dma_wait3A_286 : memref<128x64xf32, #tpu.memory_space<hbm>>) dst(%dma_wait3A_283 : memref<128x64xf32, #tpu.memory_space<vmem>>)
      %ge3A_287 = arith.constant 2 : i32
      %ge3A_288 = arith.cmpi sge, %add3A_271, %ge3A_287 : i32
      %convert_element_type3A_289 = arith.extui %ge3A_288 : i1 to i32
      %cond3A_290 = arith.constant 0 : i32
      %cond3A_291 = arith.cmpi ne, %convert_element_type3A_289, %cond3A_290 : i32
      scf.if %cond3A_291 {
        %dma_wait3A_466 = arith.constant 0 : i32
        %dma_wait3A_467 = arith.constant 0 : i32
        %dma_wait3A_468 = arith.constant 0 : i32
        %dma_wait3A_469 = arith.constant 0 : i32
        %dma_wait3A_470 = arith.constant 0 : i32
        %dma_wait3A_471 = arith.constant 0 : i32
        %dma_wait3A_472 = tpu.memref_slice %arg7[%dma_wait3A_468, %dma_wait3A_469, %dma_wait3A_470, %dma_wait3A_471] : memref<2x8x8x129xf32, #tpu.memory_space<vmem>> -> memref<1x8x8x128xf32, #tpu.memory_space<vmem>>
        %dma_wait3A_473 = tpu.memref_squeeze %dma_wait3A_472 : memref<1x8x8x128xf32, #tpu.memory_space<vmem>> -> memref<8x8x128xf32, #tpu.memory_space<vmem>>
        %dma_wait3A_474 = arith.constant 0 : i32
        %dma_wait3A_475 = arith.constant 0 : i32
        %dma_wait3A_476 = arith.constant 0 : i32
        %dma_wait3A_477 = tpu.memref_slice %arg4[%dma_wait3A_466, %dma_wait3A_474, %dma_wait3A_467, %dma_wait3A_475, %dma_wait3A_476] : memref<50x8x128x8x128xf32, #tpu.memory_space<hbm>> -> memref<1x8x1x8x128xf32, #tpu.memory_space<hbm>>
        %dma_wait3A_478 = tpu.memref_squeeze %dma_wait3A_477 : memref<1x8x1x8x128xf32, #tpu.memory_space<hbm>> -> memref<8x8x128xf32, #tpu.memory_space<hbm>>
        %dma_wait3A_479 = arith.constant 0 : i32
        %dma_wait3A_480 = arith.constant 0 : i32
        %dma_wait3A_481 = arith.constant 0 : i32
        %dma_wait3A_482 = tpu.memref_slice %arg7[%dma_wait3A_468, %dma_wait3A_479, %dma_wait3A_480, %dma_wait3A_481] : memref<2x8x8x129xf32, #tpu.memory_space<vmem>> -> memref<1x8x8x128xf32, #tpu.memory_space<vmem>>
        %dma_wait3A_483 = tpu.memref_squeeze %dma_wait3A_482 : memref<1x8x8x128xf32, #tpu.memory_space<vmem>> -> memref<8x8x128xf32, #tpu.memory_space<vmem>>
        %dma_wait3A_484 = arith.constant 0 : i32
        %dma_wait3A_485 = arith.constant 0 : i32
        %dma_wait3A_486 = arith.constant 0 : i32
        %dma_wait3A_487 = tpu.memref_slice %arg4[%dma_wait3A_466, %dma_wait3A_484, %dma_wait3A_467, %dma_wait3A_485, %dma_wait3A_486] : memref<50x8x128x8x128xf32, #tpu.memory_space<hbm>> -> memref<1x8x1x8x128xf32, #tpu.memory_space<hbm>>
        %dma_wait3A_488 = tpu.memref_squeeze %dma_wait3A_487 : memref<1x8x1x8x128xf32, #tpu.memory_space<hbm>> -> memref<8x8x128xf32, #tpu.memory_space<hbm>>
        tpu.wait_dma2 semaphore(%arg9 : memref<!tpu.dma_semaphore, #tpu.memory_space<semaphore_mem>>) src(%dma_wait3A_488 : memref<8x8x128xf32, #tpu.memory_space<hbm>>) dst(%dma_wait3A_483 : memref<8x8x128xf32, #tpu.memory_space<vmem>>)
      } else {
      }
      %iota3A_292 = tpu.iota {dimensions = array<i32: 0>} : vector<16xi32>
      %parallel_loop3A_293 = arith.constant 0 : i32
      %parallel_loop3A_294 = arith.constant 128 : i32
      %parallel_loop3A_295 = arith.constant 1 : i32
      scf.for %parallel_loop3A_466 = %parallel_loop3A_293 to %parallel_loop3A_294 step %parallel_loop3A_295  : i32 {
        %parallel_loop3A_467 = arith.constant 0 : i32
        %parallel_loop3A_468 = vector.broadcast %parallel_loop3A_467 : i32 to vector<16xi32>
        %parallel_loop3A_469 = vector.broadcast %parallel_loop3A_466 : i32 to vector<16xi32>
        %parallel_loop3A_470 = arith.addi %parallel_loop3A_468, %parallel_loop3A_469 : vector<16xi32>
        %parallel_loop3A_471 = arith.constant 2 : i32
        %parallel_loop3A_472 = arith.index_cast %parallel_loop3A_471 : i32 to index
        %parallel_loop3A_473 = arith.index_cast %parallel_loop3A_466 : i32 to index
        %parallel_loop3A_474 = arith.constant 0 : index
        %parallel_loop3A_475 = tpu.vector_load %arg6[%parallel_loop3A_472, %parallel_loop3A_473, %parallel_loop3A_474] {strides = array<i32>} : memref<4x128x64xf32, #tpu.memory_space<vmem>>, vector<16xf32>,
        %parallel_loop3A_476 = arith.constant 0 : i32
        %parallel_loop3A_477 = vector.broadcast %parallel_loop3A_476 : i32 to vector<16xi32>
        %parallel_loop3A_478 = arith.addi %parallel_loop3A_477, %iota3A_292 : vector<16xi32>
        %parallel_loop3A_479 = arith.constant 8 : i32
        %parallel_loop3A_480 = vector.broadcast %parallel_loop3A_479 : i32 to vector<16xi32>
        %parallel_loop3A_481 = arith.divsi %parallel_loop3A_478, %parallel_loop3A_480 : vector<16xi32>
        %parallel_loop3A_482 = arith.constant 0 : i32
        %parallel_loop3A_483 = vector.broadcast %parallel_loop3A_482 : i32 to vector<16xi32>
        %parallel_loop3A_484 = arith.cmpi sgt, %parallel_loop3A_478, %parallel_loop3A_483 : vector<16xi32>
        %parallel_loop3A_485 = arith.extui %parallel_loop3A_484 : vector<16xi1> to vector<16xi32>
        %parallel_loop3A_486 = arith.constant 0 : i32
        %parallel_loop3A_487 = vector.broadcast %parallel_loop3A_486 : i32 to vector<16xi32>
        %parallel_loop3A_488 = arith.cmpi slt, %parallel_loop3A_478, %parallel_loop3A_487 : vector<16xi32>
        %parallel_loop3A_489 = arith.extui %parallel_loop3A_488 : vector<16xi1> to vector<16xi32>
        %parallel_loop3A_490 = arith.subi %parallel_loop3A_485, %parallel_loop3A_489 : vector<16xi32>
        %parallel_loop3A_491 = arith.constant 0 : i32
        %parallel_loop3A_492 = arith.cmpi sgt, %parallel_loop3A_479, %parallel_loop3A_491 : i32
        %parallel_loop3A_493 = arith.extui %parallel_loop3A_492 : i1 to i32
        %parallel_loop3A_494 = arith.constant 0 : i32
        %parallel_loop3A_495 = arith.cmpi slt, %parallel_loop3A_479, %parallel_loop3A_494 : i32
        %parallel_loop3A_496 = arith.extui %parallel_loop3A_495 : i1 to i32
        %parallel_loop3A_497 = arith.subi %parallel_loop3A_493, %parallel_loop3A_496 : i32
        %parallel_loop3A_498 = vector.broadcast %parallel_loop3A_497 : i32 to vector<16xi32>
        %parallel_loop3A_499 = arith.cmpi ne, %parallel_loop3A_490, %parallel_loop3A_498 : vector<16xi32>
        %parallel_loop3A_500 = vector.broadcast %parallel_loop3A_479 : i32 to vector<16xi32>
        %parallel_loop3A_501 = arith.remsi %parallel_loop3A_478, %parallel_loop3A_500 : vector<16xi32>
        %parallel_loop3A_502 = arith.constant 0 : i32
        %parallel_loop3A_503 = vector.broadcast %parallel_loop3A_502 : i32 to vector<16xi32>
        %parallel_loop3A_504 = arith.cmpi ne, %parallel_loop3A_501, %parallel_loop3A_503 : vector<16xi32>
        %parallel_loop3A_505 = arith.andi %parallel_loop3A_499, %parallel_loop3A_504 : vector<16xi1>
        %parallel_loop3A_506 = arith.constant 1 : i32
        %parallel_loop3A_507 = vector.broadcast %parallel_loop3A_506 : i32 to vector<16xi32>
        %parallel_loop3A_508 = arith.subi %parallel_loop3A_481, %parallel_loop3A_507 : vector<16xi32>
        %parallel_loop3A_509 = arith.select %parallel_loop3A_505, %parallel_loop3A_508, %parallel_loop3A_481 : vector<16xi1>, vector<16xi32>
        %parallel_loop3A_510 = arith.constant 8 : i32
        %parallel_loop3A_511 = arith.constant 0 : i32
        %parallel_loop3A_512 = arith.cmpi eq, %parallel_loop3A_510, %parallel_loop3A_511 : i32
        %parallel_loop3A_513 = arith.constant 1 : i32
        %parallel_loop3A_514 = arith.select %parallel_loop3A_512, %parallel_loop3A_513, %parallel_loop3A_510 : i32
        %parallel_loop3A_515 = vector.broadcast %parallel_loop3A_514 : i32 to vector<16xi32>
        %parallel_loop3A_516 = arith.remsi %parallel_loop3A_478, %parallel_loop3A_515 : vector<16xi32>
        %parallel_loop3A_517 = arith.constant 0 : i32
        %parallel_loop3A_518 = vector.broadcast %parallel_loop3A_517 : i32 to vector<16xi32>
        %parallel_loop3A_519 = arith.cmpi ne, %parallel_loop3A_516, %parallel_loop3A_518 : vector<16xi32>
        %parallel_loop3A_520 = arith.constant 0 : i32
        %parallel_loop3A_521 = vector.broadcast %parallel_loop3A_520 : i32 to vector<16xi32>
        %parallel_loop3A_522 = arith.cmpi slt, %parallel_loop3A_516, %parallel_loop3A_521 : vector<16xi32>
        %parallel_loop3A_523 = arith.constant 0 : i32
        %parallel_loop3A_524 = arith.cmpi slt, %parallel_loop3A_514, %parallel_loop3A_523 : i32
        %parallel_loop3A_525 = vector.broadcast %parallel_loop3A_524 : i1 to vector<16xi1>
        %parallel_loop3A_526 = vector.broadcast %parallel_loop3A_525 : vector<16xi1> to vector<16xi1>
        %parallel_loop3A_527 = arith.xori %parallel_loop3A_522, %parallel_loop3A_526 : vector<16xi1>
        %parallel_loop3A_528 = arith.andi %parallel_loop3A_527, %parallel_loop3A_519 : vector<16xi1>
        %parallel_loop3A_529 = vector.broadcast %parallel_loop3A_514 : i32 to vector<16xi32>
        %parallel_loop3A_530 = arith.addi %parallel_loop3A_516, %parallel_loop3A_529 : vector<16xi32>
        %parallel_loop3A_531 = arith.select %parallel_loop3A_528, %parallel_loop3A_530, %parallel_loop3A_516 : vector<16xi1>, vector<16xi32>
        %parallel_loop3A_532 = arith.constant 0 : i32
        %parallel_loop3A_533 = arith.constant 0 : i32
        %parallel_loop3A_534 = arith.constant 0 : i32
        %parallel_loop3A_535 = arith.constant 0 : i32
        %parallel_loop3A_536 = tpu.memref_slice %arg7[%parallel_loop3A_532, %parallel_loop3A_533, %parallel_loop3A_534, %parallel_loop3A_535] : memref<2x8x8x129xf32, #tpu.memory_space<vmem>> -> memref<1x8x8x129xf32, #tpu.memory_space<vmem>>
        %parallel_loop3A_537 = tpu.memref_squeeze %parallel_loop3A_536 : memref<1x8x8x129xf32, #tpu.memory_space<vmem>> -> memref<8x8x129xf32, #tpu.memory_space<vmem>>
        tpu.vector_store_idx %parallel_loop3A_537[%parallel_loop3A_509, %parallel_loop3A_531, %parallel_loop3A_470], %parallel_loop3A_475 : memref<8x8x129xf32, #tpu.memory_space<vmem>>[vector<16xi32>, vector<16xi32>, vector<16xi32>], vector<16xf32>,
        %parallel_loop3A_538 = arith.constant 2 : i32
        %parallel_loop3A_539 = arith.index_cast %parallel_loop3A_538 : i32 to index
        %parallel_loop3A_540 = arith.index_cast %parallel_loop3A_466 : i32 to index
        %parallel_loop3A_541 = arith.constant 16 : index
        %parallel_loop3A_542 = tpu.vector_load %arg6[%parallel_loop3A_539, %parallel_loop3A_540, %parallel_loop3A_541] {strides = array<i32>} : memref<4x128x64xf32, #tpu.memory_space<vmem>>, vector<16xf32>,
        %parallel_loop3A_543 = arith.constant 16 : i32
        %parallel_loop3A_544 = vector.broadcast %parallel_loop3A_543 : i32 to vector<16xi32>
        %parallel_loop3A_545 = arith.addi %parallel_loop3A_544, %iota3A_292 : vector<16xi32>
        %parallel_loop3A_546 = arith.constant 8 : i32
        %parallel_loop3A_547 = vector.broadcast %parallel_loop3A_546 : i32 to vector<16xi32>
        %parallel_loop3A_548 = arith.divsi %parallel_loop3A_545, %parallel_loop3A_547 : vector<16xi32>
        %parallel_loop3A_549 = arith.constant 0 : i32
        %parallel_loop3A_550 = vector.broadcast %parallel_loop3A_549 : i32 to vector<16xi32>
        %parallel_loop3A_551 = arith.cmpi sgt, %parallel_loop3A_545, %parallel_loop3A_550 : vector<16xi32>
        %parallel_loop3A_552 = arith.extui %parallel_loop3A_551 : vector<16xi1> to vector<16xi32>
        %parallel_loop3A_553 = arith.constant 0 : i32
        %parallel_loop3A_554 = vector.broadcast %parallel_loop3A_553 : i32 to vector<16xi32>
        %parallel_loop3A_555 = arith.cmpi slt, %parallel_loop3A_545, %parallel_loop3A_554 : vector<16xi32>
        %parallel_loop3A_556 = arith.extui %parallel_loop3A_555 : vector<16xi1> to vector<16xi32>
        %parallel_loop3A_557 = arith.subi %parallel_loop3A_552, %parallel_loop3A_556 : vector<16xi32>
        %parallel_loop3A_558 = arith.constant 0 : i32
        %parallel_loop3A_559 = arith.cmpi sgt, %parallel_loop3A_546, %parallel_loop3A_558 : i32
        %parallel_loop3A_560 = arith.extui %parallel_loop3A_559 : i1 to i32
        %parallel_loop3A_561 = arith.constant 0 : i32
        %parallel_loop3A_562 = arith.cmpi slt, %parallel_loop3A_546, %parallel_loop3A_561 : i32
        %parallel_loop3A_563 = arith.extui %parallel_loop3A_562 : i1 to i32
        %parallel_loop3A_564 = arith.subi %parallel_loop3A_560, %parallel_loop3A_563 : i32
        %parallel_loop3A_565 = vector.broadcast %parallel_loop3A_564 : i32 to vector<16xi32>
        %parallel_loop3A_566 = arith.cmpi ne, %parallel_loop3A_557, %parallel_loop3A_565 : vector<16xi32>
        %parallel_loop3A_567 = vector.broadcast %parallel_loop3A_546 : i32 to vector<16xi32>
        %parallel_loop3A_568 = arith.remsi %parallel_loop3A_545, %parallel_loop3A_567 : vector<16xi32>
        %parallel_loop3A_569 = arith.constant 0 : i32
        %parallel_loop3A_570 = vector.broadcast %parallel_loop3A_569 : i32 to vector<16xi32>
        %parallel_loop3A_571 = arith.cmpi ne, %parallel_loop3A_568, %parallel_loop3A_570 : vector<16xi32>
        %parallel_loop3A_572 = arith.andi %parallel_loop3A_566, %parallel_loop3A_571 : vector<16xi1>
        %parallel_loop3A_573 = arith.constant 1 : i32
        %parallel_loop3A_574 = vector.broadcast %parallel_loop3A_573 : i32 to vector<16xi32>
        %parallel_loop3A_575 = arith.subi %parallel_loop3A_548, %parallel_loop3A_574 : vector<16xi32>
        %parallel_loop3A_576 = arith.select %parallel_loop3A_572, %parallel_loop3A_575, %parallel_loop3A_548 : vector<16xi1>, vector<16xi32>
        %parallel_loop3A_577 = arith.constant 8 : i32
        %parallel_loop3A_578 = arith.constant 0 : i32
        %parallel_loop3A_579 = arith.cmpi eq, %parallel_loop3A_577, %parallel_loop3A_578 : i32
        %parallel_loop3A_580 = arith.constant 1 : i32
        %parallel_loop3A_581 = arith.select %parallel_loop3A_579, %parallel_loop3A_580, %parallel_loop3A_577 : i32
        %parallel_loop3A_582 = vector.broadcast %parallel_loop3A_581 : i32 to vector<16xi32>
        %parallel_loop3A_583 = arith.remsi %parallel_loop3A_545, %parallel_loop3A_582 : vector<16xi32>
        %parallel_loop3A_584 = arith.constant 0 : i32
        %parallel_loop3A_585 = vector.broadcast %parallel_loop3A_584 : i32 to vector<16xi32>
        %parallel_loop3A_586 = arith.cmpi ne, %parallel_loop3A_583, %parallel_loop3A_585 : vector<16xi32>
        %parallel_loop3A_587 = arith.constant 0 : i32
        %parallel_loop3A_588 = vector.broadcast %parallel_loop3A_587 : i32 to vector<16xi32>
        %parallel_loop3A_589 = arith.cmpi slt, %parallel_loop3A_583, %parallel_loop3A_588 : vector<16xi32>
        %parallel_loop3A_590 = arith.constant 0 : i32
        %parallel_loop3A_591 = arith.cmpi slt, %parallel_loop3A_581, %parallel_loop3A_590 : i32
        %parallel_loop3A_592 = vector.broadcast %parallel_loop3A_591 : i1 to vector<16xi1>
        %parallel_loop3A_593 = vector.broadcast %parallel_loop3A_592 : vector<16xi1> to vector<16xi1>
        %parallel_loop3A_594 = arith.xori %parallel_loop3A_589, %parallel_loop3A_593 : vector<16xi1>
        %parallel_loop3A_595 = arith.andi %parallel_loop3A_594, %parallel_loop3A_586 : vector<16xi1>
        %parallel_loop3A_596 = vector.broadcast %parallel_loop3A_581 : i32 to vector<16xi32>
        %parallel_loop3A_597 = arith.addi %parallel_loop3A_583, %parallel_loop3A_596 : vector<16xi32>
        %parallel_loop3A_598 = arith.select %parallel_loop3A_595, %parallel_loop3A_597, %parallel_loop3A_583 : vector<16xi1>, vector<16xi32>
        %parallel_loop3A_599 = arith.constant 0 : i32
        %parallel_loop3A_600 = arith.constant 0 : i32
        %parallel_loop3A_601 = arith.constant 0 : i32
        %parallel_loop3A_602 = arith.constant 0 : i32
        %parallel_loop3A_603 = tpu.memref_slice %arg7[%parallel_loop3A_599, %parallel_loop3A_600, %parallel_loop3A_601, %parallel_loop3A_602] : memref<2x8x8x129xf32, #tpu.memory_space<vmem>> -> memref<1x8x8x129xf32, #tpu.memory_space<vmem>>
        %parallel_loop3A_604 = tpu.memref_squeeze %parallel_loop3A_603 : memref<1x8x8x129xf32, #tpu.memory_space<vmem>> -> memref<8x8x129xf32, #tpu.memory_space<vmem>>
        tpu.vector_store_idx %parallel_loop3A_604[%parallel_loop3A_576, %parallel_loop3A_598, %parallel_loop3A_470], %parallel_loop3A_542 : memref<8x8x129xf32, #tpu.memory_space<vmem>>[vector<16xi32>, vector<16xi32>, vector<16xi32>], vector<16xf32>,
        %parallel_loop3A_605 = arith.constant 2 : i32
        %parallel_loop3A_606 = arith.index_cast %parallel_loop3A_605 : i32 to index
        %parallel_loop3A_607 = arith.index_cast %parallel_loop3A_466 : i32 to index
        %parallel_loop3A_608 = arith.constant 32 : index
        %parallel_loop3A_609 = tpu.vector_load %arg6[%parallel_loop3A_606, %parallel_loop3A_607, %parallel_loop3A_608] {strides = array<i32>} : memref<4x128x64xf32, #tpu.memory_space<vmem>>, vector<16xf32>,
        %parallel_loop3A_610 = arith.constant 32 : i32
        %parallel_loop3A_611 = vector.broadcast %parallel_loop3A_610 : i32 to vector<16xi32>
        %parallel_loop3A_612 = arith.addi %parallel_loop3A_611, %iota3A_292 : vector<16xi32>
        %parallel_loop3A_613 = arith.constant 8 : i32
        %parallel_loop3A_614 = vector.broadcast %parallel_loop3A_613 : i32 to vector<16xi32>
        %parallel_loop3A_615 = arith.divsi %parallel_loop3A_612, %parallel_loop3A_614 : vector<16xi32>
        %parallel_loop3A_616 = arith.constant 0 : i32
        %parallel_loop3A_617 = vector.broadcast %parallel_loop3A_616 : i32 to vector<16xi32>
        %parallel_loop3A_618 = arith.cmpi sgt, %parallel_loop3A_612, %parallel_loop3A_617 : vector<16xi32>
        %parallel_loop3A_619 = arith.extui %parallel_loop3A_618 : vector<16xi1> to vector<16xi32>
        %parallel_loop3A_620 = arith.constant 0 : i32
        %parallel_loop3A_621 = vector.broadcast %parallel_loop3A_620 : i32 to vector<16xi32>
        %parallel_loop3A_622 = arith.cmpi slt, %parallel_loop3A_612, %parallel_loop3A_621 : vector<16xi32>
        %parallel_loop3A_623 = arith.extui %parallel_loop3A_622 : vector<16xi1> to vector<16xi32>
        %parallel_loop3A_624 = arith.subi %parallel_loop3A_619, %parallel_loop3A_623 : vector<16xi32>
        %parallel_loop3A_625 = arith.constant 0 : i32
        %parallel_loop3A_626 = arith.cmpi sgt, %parallel_loop3A_613, %parallel_loop3A_625 : i32
        %parallel_loop3A_627 = arith.extui %parallel_loop3A_626 : i1 to i32
        %parallel_loop3A_628 = arith.constant 0 : i32
        %parallel_loop3A_629 = arith.cmpi slt, %parallel_loop3A_613, %parallel_loop3A_628 : i32
        %parallel_loop3A_630 = arith.extui %parallel_loop3A_629 : i1 to i32
        %parallel_loop3A_631 = arith.subi %parallel_loop3A_627, %parallel_loop3A_630 : i32
        %parallel_loop3A_632 = vector.broadcast %parallel_loop3A_631 : i32 to vector<16xi32>
        %parallel_loop3A_633 = arith.cmpi ne, %parallel_loop3A_624, %parallel_loop3A_632 : vector<16xi32>
        %parallel_loop3A_634 = vector.broadcast %parallel_loop3A_613 : i32 to vector<16xi32>
        %parallel_loop3A_635 = arith.remsi %parallel_loop3A_612, %parallel_loop3A_634 : vector<16xi32>
        %parallel_loop3A_636 = arith.constant 0 : i32
        %parallel_loop3A_637 = vector.broadcast %parallel_loop3A_636 : i32 to vector<16xi32>
        %parallel_loop3A_638 = arith.cmpi ne, %parallel_loop3A_635, %parallel_loop3A_637 : vector<16xi32>
        %parallel_loop3A_639 = arith.andi %parallel_loop3A_633, %parallel_loop3A_638 : vector<16xi1>
        %parallel_loop3A_640 = arith.constant 1 : i32
        %parallel_loop3A_641 = vector.broadcast %parallel_loop3A_640 : i32 to vector<16xi32>
        %parallel_loop3A_642 = arith.subi %parallel_loop3A_615, %parallel_loop3A_641 : vector<16xi32>
        %parallel_loop3A_643 = arith.select %parallel_loop3A_639, %parallel_loop3A_642, %parallel_loop3A_615 : vector<16xi1>, vector<16xi32>
        %parallel_loop3A_644 = arith.constant 8 : i32
        %parallel_loop3A_645 = arith.constant 0 : i32
        %parallel_loop3A_646 = arith.cmpi eq, %parallel_loop3A_644, %parallel_loop3A_645 : i32
        %parallel_loop3A_647 = arith.constant 1 : i32
        %parallel_loop3A_648 = arith.select %parallel_loop3A_646, %parallel_loop3A_647, %parallel_loop3A_644 : i32
        %parallel_loop3A_649 = vector.broadcast %parallel_loop3A_648 : i32 to vector<16xi32>
        %parallel_loop3A_650 = arith.remsi %parallel_loop3A_612, %parallel_loop3A_649 : vector<16xi32>
        %parallel_loop3A_651 = arith.constant 0 : i32
        %parallel_loop3A_652 = vector.broadcast %parallel_loop3A_651 : i32 to vector<16xi32>
        %parallel_loop3A_653 = arith.cmpi ne, %parallel_loop3A_650, %parallel_loop3A_652 : vector<16xi32>
        %parallel_loop3A_654 = arith.constant 0 : i32
        %parallel_loop3A_655 = vector.broadcast %parallel_loop3A_654 : i32 to vector<16xi32>
        %parallel_loop3A_656 = arith.cmpi slt, %parallel_loop3A_650, %parallel_loop3A_655 : vector<16xi32>
        %parallel_loop3A_657 = arith.constant 0 : i32
        %parallel_loop3A_658 = arith.cmpi slt, %parallel_loop3A_648, %parallel_loop3A_657 : i32
        %parallel_loop3A_659 = vector.broadcast %parallel_loop3A_658 : i1 to vector<16xi1>
        %parallel_loop3A_660 = vector.broadcast %parallel_loop3A_659 : vector<16xi1> to vector<16xi1>
        %parallel_loop3A_661 = arith.xori %parallel_loop3A_656, %parallel_loop3A_660 : vector<16xi1>
        %parallel_loop3A_662 = arith.andi %parallel_loop3A_661, %parallel_loop3A_653 : vector<16xi1>
        %parallel_loop3A_663 = vector.broadcast %parallel_loop3A_648 : i32 to vector<16xi32>
        %parallel_loop3A_664 = arith.addi %parallel_loop3A_650, %parallel_loop3A_663 : vector<16xi32>
        %parallel_loop3A_665 = arith.select %parallel_loop3A_662, %parallel_loop3A_664, %parallel_loop3A_650 : vector<16xi1>, vector<16xi32>
        %parallel_loop3A_666 = arith.constant 0 : i32
        %parallel_loop3A_667 = arith.constant 0 : i32
        %parallel_loop3A_668 = arith.constant 0 : i32
        %parallel_loop3A_669 = arith.constant 0 : i32
        %parallel_loop3A_670 = tpu.memref_slice %arg7[%parallel_loop3A_666, %parallel_loop3A_667, %parallel_loop3A_668, %parallel_loop3A_669] : memref<2x8x8x129xf32, #tpu.memory_space<vmem>> -> memref<1x8x8x129xf32, #tpu.memory_space<vmem>>
        %parallel_loop3A_671 = tpu.memref_squeeze %parallel_loop3A_670 : memref<1x8x8x129xf32, #tpu.memory_space<vmem>> -> memref<8x8x129xf32, #tpu.memory_space<vmem>>
        tpu.vector_store_idx %parallel_loop3A_671[%parallel_loop3A_643, %parallel_loop3A_665, %parallel_loop3A_470], %parallel_loop3A_609 : memref<8x8x129xf32, #tpu.memory_space<vmem>>[vector<16xi32>, vector<16xi32>, vector<16xi32>], vector<16xf32>,
        %parallel_loop3A_672 = arith.constant 2 : i32
        %parallel_loop3A_673 = arith.index_cast %parallel_loop3A_672 : i32 to index
        %parallel_loop3A_674 = arith.index_cast %parallel_loop3A_466 : i32 to index
        %parallel_loop3A_675 = arith.constant 48 : index
        %parallel_loop3A_676 = tpu.vector_load %arg6[%parallel_loop3A_673, %parallel_loop3A_674, %parallel_loop3A_675] {strides = array<i32>} : memref<4x128x64xf32, #tpu.memory_space<vmem>>, vector<16xf32>,
        %parallel_loop3A_677 = arith.constant 48 : i32
        %parallel_loop3A_678 = vector.broadcast %parallel_loop3A_677 : i32 to vector<16xi32>
        %parallel_loop3A_679 = arith.addi %parallel_loop3A_678, %iota3A_292 : vector<16xi32>
        %parallel_loop3A_680 = arith.constant 8 : i32
        %parallel_loop3A_681 = vector.broadcast %parallel_loop3A_680 : i32 to vector<16xi32>
        %parallel_loop3A_682 = arith.divsi %parallel_loop3A_679, %parallel_loop3A_681 : vector<16xi32>
        %parallel_loop3A_683 = arith.constant 0 : i32
        %parallel_loop3A_684 = vector.broadcast %parallel_loop3A_683 : i32 to vector<16xi32>
        %parallel_loop3A_685 = arith.cmpi sgt, %parallel_loop3A_679, %parallel_loop3A_684 : vector<16xi32>
        %parallel_loop3A_686 = arith.extui %parallel_loop3A_685 : vector<16xi1> to vector<16xi32>
        %parallel_loop3A_687 = arith.constant 0 : i32
        %parallel_loop3A_688 = vector.broadcast %parallel_loop3A_687 : i32 to vector<16xi32>
        %parallel_loop3A_689 = arith.cmpi slt, %parallel_loop3A_679, %parallel_loop3A_688 : vector<16xi32>
        %parallel_loop3A_690 = arith.extui %parallel_loop3A_689 : vector<16xi1> to vector<16xi32>
        %parallel_loop3A_691 = arith.subi %parallel_loop3A_686, %parallel_loop3A_690 : vector<16xi32>
        %parallel_loop3A_692 = arith.constant 0 : i32
        %parallel_loop3A_693 = arith.cmpi sgt, %parallel_loop3A_680, %parallel_loop3A_692 : i32
        %parallel_loop3A_694 = arith.extui %parallel_loop3A_693 : i1 to i32
        %parallel_loop3A_695 = arith.constant 0 : i32
        %parallel_loop3A_696 = arith.cmpi slt, %parallel_loop3A_680, %parallel_loop3A_695 : i32
        %parallel_loop3A_697 = arith.extui %parallel_loop3A_696 : i1 to i32
        %parallel_loop3A_698 = arith.subi %parallel_loop3A_694, %parallel_loop3A_697 : i32
        %parallel_loop3A_699 = vector.broadcast %parallel_loop3A_698 : i32 to vector<16xi32>
        %parallel_loop3A_700 = arith.cmpi ne, %parallel_loop3A_691, %parallel_loop3A_699 : vector<16xi32>
        %parallel_loop3A_701 = vector.broadcast %parallel_loop3A_680 : i32 to vector<16xi32>
        %parallel_loop3A_702 = arith.remsi %parallel_loop3A_679, %parallel_loop3A_701 : vector<16xi32>
        %parallel_loop3A_703 = arith.constant 0 : i32
        %parallel_loop3A_704 = vector.broadcast %parallel_loop3A_703 : i32 to vector<16xi32>
        %parallel_loop3A_705 = arith.cmpi ne, %parallel_loop3A_702, %parallel_loop3A_704 : vector<16xi32>
        %parallel_loop3A_706 = arith.andi %parallel_loop3A_700, %parallel_loop3A_705 : vector<16xi1>
        %parallel_loop3A_707 = arith.constant 1 : i32
        %parallel_loop3A_708 = vector.broadcast %parallel_loop3A_707 : i32 to vector<16xi32>
        %parallel_loop3A_709 = arith.subi %parallel_loop3A_682, %parallel_loop3A_708 : vector<16xi32>
        %parallel_loop3A_710 = arith.select %parallel_loop3A_706, %parallel_loop3A_709, %parallel_loop3A_682 : vector<16xi1>, vector<16xi32>
        %parallel_loop3A_711 = arith.constant 8 : i32
        %parallel_loop3A_712 = arith.constant 0 : i32
        %parallel_loop3A_713 = arith.cmpi eq, %parallel_loop3A_711, %parallel_loop3A_712 : i32
        %parallel_loop3A_714 = arith.constant 1 : i32
        %parallel_loop3A_715 = arith.select %parallel_loop3A_713, %parallel_loop3A_714, %parallel_loop3A_711 : i32
        %parallel_loop3A_716 = vector.broadcast %parallel_loop3A_715 : i32 to vector<16xi32>
        %parallel_loop3A_717 = arith.remsi %parallel_loop3A_679, %parallel_loop3A_716 : vector<16xi32>
        %parallel_loop3A_718 = arith.constant 0 : i32
        %parallel_loop3A_719 = vector.broadcast %parallel_loop3A_718 : i32 to vector<16xi32>
        %parallel_loop3A_720 = arith.cmpi ne, %parallel_loop3A_717, %parallel_loop3A_719 : vector<16xi32>
        %parallel_loop3A_721 = arith.constant 0 : i32
        %parallel_loop3A_722 = vector.broadcast %parallel_loop3A_721 : i32 to vector<16xi32>
        %parallel_loop3A_723 = arith.cmpi slt, %parallel_loop3A_717, %parallel_loop3A_722 : vector<16xi32>
        %parallel_loop3A_724 = arith.constant 0 : i32
        %parallel_loop3A_725 = arith.cmpi slt, %parallel_loop3A_715, %parallel_loop3A_724 : i32
        %parallel_loop3A_726 = vector.broadcast %parallel_loop3A_725 : i1 to vector<16xi1>
        %parallel_loop3A_727 = vector.broadcast %parallel_loop3A_726 : vector<16xi1> to vector<16xi1>
        %parallel_loop3A_728 = arith.xori %parallel_loop3A_723, %parallel_loop3A_727 : vector<16xi1>
        %parallel_loop3A_729 = arith.andi %parallel_loop3A_728, %parallel_loop3A_720 : vector<16xi1>
        %parallel_loop3A_730 = vector.broadcast %parallel_loop3A_715 : i32 to vector<16xi32>
        %parallel_loop3A_731 = arith.addi %parallel_loop3A_717, %parallel_loop3A_730 : vector<16xi32>
        %parallel_loop3A_732 = arith.select %parallel_loop3A_729, %parallel_loop3A_731, %parallel_loop3A_717 : vector<16xi1>, vector<16xi32>
        %parallel_loop3A_733 = arith.constant 0 : i32
        %parallel_loop3A_734 = arith.constant 0 : i32
        %parallel_loop3A_735 = arith.constant 0 : i32
        %parallel_loop3A_736 = arith.constant 0 : i32
        %parallel_loop3A_737 = tpu.memref_slice %arg7[%parallel_loop3A_733, %parallel_loop3A_734, %parallel_loop3A_735, %parallel_loop3A_736] : memref<2x8x8x129xf32, #tpu.memory_space<vmem>> -> memref<1x8x8x129xf32, #tpu.memory_space<vmem>>
        %parallel_loop3A_738 = tpu.memref_squeeze %parallel_loop3A_737 : memref<1x8x8x129xf32, #tpu.memory_space<vmem>> -> memref<8x8x129xf32, #tpu.memory_space<vmem>>
        tpu.vector_store_idx %parallel_loop3A_738[%parallel_loop3A_710, %parallel_loop3A_732, %parallel_loop3A_470], %parallel_loop3A_676 : memref<8x8x129xf32, #tpu.memory_space<vmem>>[vector<16xi32>, vector<16xi32>, vector<16xi32>], vector<16xf32>,
      } {sc.loop_unroll_factor = 8 : i64, sc.parallel_access}
      %add3A_296 = arith.addi %mul3A_4, %add3A_271 : i32
      %jit3A_297 = arith.constant 128 : i32
      %div3A_298 = arith.divsi %add3A_296, %jit3A_297 : i32
      %sign3A_299 = arith.constant 0 : i32
      %sign3A_300 = arith.cmpi sgt, %add3A_296, %sign3A_299 : i32
      %sign3A_301 = arith.extui %sign3A_300 : i1 to i32
      %sign3A_302 = arith.constant 0 : i32
      %sign3A_303 = arith.cmpi slt, %add3A_296, %sign3A_302 : i32
      %sign3A_304 = arith.extui %sign3A_303 : i1 to i32
      %sign3A_305 = arith.subi %sign3A_301, %sign3A_304 : i32
      %sign3A_306 = arith.constant 0 : i32
      %sign3A_307 = arith.cmpi sgt, %jit3A_297, %sign3A_306 : i32
      %sign3A_308 = arith.extui %sign3A_307 : i1 to i32
      %sign3A_309 = arith.constant 0 : i32
      %sign3A_310 = arith.cmpi slt, %jit3A_297, %sign3A_309 : i32
      %sign3A_311 = arith.extui %sign3A_310 : i1 to i32
      %sign3A_312 = arith.subi %sign3A_308, %sign3A_311 : i32
      %ne3A_313 = arith.cmpi ne, %sign3A_305, %sign3A_312 : i32
      %rem3A_314 = arith.remsi %add3A_296, %jit3A_297 : i32
      %ne3A_315 = arith.constant 0 : i32
      %ne3A_316 = arith.cmpi ne, %rem3A_314, %ne3A_315 : i32
      %and3A_317 = arith.andi %ne3A_313, %ne3A_316 : i1
      %sub3A_318 = arith.constant 1 : i32
      %sub3A_319 = arith.subi %div3A_298, %sub3A_318 : i32
      %select_n3A_320 = arith.select %and3A_317, %sub3A_319, %div3A_298 : i32
      %jit3A_321 = arith.constant 128 : i32
      %eq3A_322 = arith.constant 0 : i32
      %eq3A_323 = arith.cmpi eq, %jit3A_321, %eq3A_322 : i32
      %jit3A_324 = arith.constant 1 : i32
      %select_n3A_325 = arith.select %eq3A_323, %jit3A_324, %jit3A_321 : i32
      %rem3A_326 = arith.remsi %add3A_296, %select_n3A_325 : i32
      %ne3A_327 = arith.constant 0 : i32
      %ne3A_328 = arith.cmpi ne, %rem3A_326, %ne3A_327 : i32
      %lt3A_329 = arith.constant 0 : i32
      %lt3A_330 = arith.cmpi slt, %rem3A_326, %lt3A_329 : i32
      %lt3A_331 = arith.constant 0 : i32
      %lt3A_332 = arith.cmpi slt, %select_n3A_325, %lt3A_331 : i32
      %ne3A_333 = arith.xori %lt3A_330, %lt3A_332 : i1
      %and3A_334 = arith.andi %ne3A_333, %ne3A_328 : i1
      %add3A_335 = arith.addi %rem3A_326, %select_n3A_325 : i32
      %select_n3A_336 = arith.select %and3A_334, %add3A_335, %rem3A_326 : i32
      %dma_start3A_337 = arith.constant 0 : i32
      %dma_start3A_338 = arith.constant 0 : i32
      %dma_start3A_339 = arith.constant 0 : i32
      %dma_start3A_340 = arith.constant 0 : i32
      %dma_start3A_341 = tpu.memref_slice %arg7[%dma_start3A_337, %dma_start3A_338, %dma_start3A_339, %dma_start3A_340] : memref<2x8x8x129xf32, #tpu.memory_space<vmem>> -> memref<1x8x8x128xf32, #tpu.memory_space<vmem>>
      %dma_start3A_342 = tpu.memref_squeeze %dma_start3A_341 : memref<1x8x8x128xf32, #tpu.memory_space<vmem>> -> memref<8x8x128xf32, #tpu.memory_space<vmem>>
      %dma_start3A_343 = arith.constant 0 : i32
      %dma_start3A_344 = arith.constant 0 : i32
      %dma_start3A_345 = arith.constant 0 : i32
      %dma_start3A_346 = tpu.memref_slice %arg4[%select_n3A_320, %dma_start3A_343, %select_n3A_336, %dma_start3A_344, %dma_start3A_345] : memref<50x8x128x8x128xf32, #tpu.memory_space<hbm>> -> memref<1x8x1x8x128xf32, #tpu.memory_space<hbm>>
      %dma_start3A_347 = tpu.memref_squeeze %dma_start3A_346 : memref<1x8x1x8x128xf32, #tpu.memory_space<hbm>> -> memref<8x8x128xf32, #tpu.memory_space<hbm>>
      %dma_start3A_348 = arith.constant 0 : i32
      %dma_start3A_349 = arith.constant 0 : i32
      %dma_start3A_350 = arith.constant 0 : i32
      %dma_start3A_351 = tpu.memref_slice %arg4[%select_n3A_320, %dma_start3A_348, %select_n3A_336, %dma_start3A_349, %dma_start3A_350] : memref<50x8x128x8x128xf32, #tpu.memory_space<hbm>> -> memref<1x8x1x8x128xf32, #tpu.memory_space<hbm>>
      %dma_start3A_352 = tpu.memref_squeeze %dma_start3A_351 : memref<1x8x1x8x128xf32, #tpu.memory_space<hbm>> -> memref<8x8x128xf32, #tpu.memory_space<hbm>>
      %dma_start3A_353 = arith.constant 0 : i32
      %dma_start3A_354 = arith.constant 0 : i32
      %dma_start3A_355 = arith.constant 0 : i32
      %dma_start3A_356 = tpu.memref_slice %arg7[%dma_start3A_337, %dma_start3A_353, %dma_start3A_354, %dma_start3A_355] : memref<2x8x8x129xf32, #tpu.memory_space<vmem>> -> memref<1x8x8x128xf32, #tpu.memory_space<vmem>>
      %dma_start3A_357 = tpu.memref_squeeze %dma_start3A_356 : memref<1x8x8x128xf32, #tpu.memory_space<vmem>> -> memref<8x8x128xf32, #tpu.memory_space<vmem>>
      tpu.enqueue_dma source(%dma_start3A_357 : memref<8x8x128xf32, #tpu.memory_space<vmem>>) target(%dma_start3A_352 : memref<8x8x128xf32, #tpu.memory_space<hbm>>) target_semaphore(%arg9 : memref<!tpu.dma_semaphore, #tpu.memory_space<semaphore_mem>>)
      %add3A_358 = arith.constant 4 : i32
      %add3A_359 = arith.addi %add3A_271, %add3A_358 : i32
      %sub3A_360 = arith.constant 1 : i32
      %sub3A_361 = arith.subi %add3A_359, %sub3A_360 : i32
      %lt3A_362 = arith.constant 200 : i32
      %lt3A_363 = arith.cmpi slt, %sub3A_361, %lt3A_362 : i32
      %convert_element_type3A_364 = arith.extui %lt3A_363 : i1 to i32
      %cond3A_365 = arith.constant 0 : i32
      %cond3A_366 = arith.cmpi ne, %convert_element_type3A_364, %cond3A_365 : i32
      scf.if %cond3A_366 {
        %add3A_466 = arith.constant 4 : i32
        %add3A_467 = arith.addi %add3A_271, %add3A_466 : i32
        %sub3A_468 = arith.constant 1 : i32
        %sub3A_469 = arith.subi %add3A_467, %sub3A_468 : i32
        %mul3A_470 = arith.constant 128 : i32
        %mul3A_471 = arith.muli %sub3A_469, %mul3A_470 : i32
        %dma_start3A_472 = arith.constant 1 : i32
        %dma_start3A_473 = arith.constant 0 : i32
        %dma_start3A_474 = arith.constant 0 : i32
        %dma_start3A_475 = tpu.memref_slice %arg6[%dma_start3A_472, %dma_start3A_473, %dma_start3A_474] : memref<4x128x64xf32, #tpu.memory_space<vmem>> -> memref<1x128x64xf32, #tpu.memory_space<vmem>>
        %dma_start3A_476 = tpu.memref_squeeze %dma_start3A_475 : memref<1x128x64xf32, #tpu.memory_space<vmem>> -> memref<128x64xf32, #tpu.memory_space<vmem>>
        %dma_start3A_477 = tpu.memref_slice %arg5[%mul3A_471] : memref<25600xi32, #tpu.memory_space<vmem>> -> memref<128xi32, #tpu.memory_space<vmem>>
        %dma_start3A_478 = arith.constant 0 : i32
        %dma_start3A_479 = arith.constant 0 : i32
        %dma_start3A_480 = tpu.memref_slice %arg2[%dma_start3A_478, %dma_start3A_479] : memref<1000000x64xf32, #tpu.memory_space<hbm>> -> memref<1000000x64xf32, #tpu.memory_space<hbm>>
        tpu.enqueue_indirect_dma source(%dma_start3A_480 : memref<1000000x64xf32, #tpu.memory_space<hbm>>) target(%dma_start3A_476 : memref<128x64xf32, #tpu.memory_space<vmem>>) offsets(%dma_start3A_477 : memref<128xi32, #tpu.memory_space<vmem>>) semaphore(%arg8 : memref<!tpu.dma_semaphore, #tpu.memory_space<semaphore_mem>>)
      } else {
      }
      %mul3A_367 = arith.constant 4 : i32
      %mul3A_368 = arith.muli %scan3A_84, %mul3A_367 : i32
      %add3A_369 = arith.constant 3 : i32
      %add3A_370 = arith.addi %mul3A_368, %add3A_369 : i32
      %dma_wait3A_371 = arith.constant 3 : i32
      %dma_wait3A_372 = arith.constant 0 : i32
      %dma_wait3A_373 = arith.constant 0 : i32
      %dma_wait3A_374 = tpu.memref_slice %arg6[%dma_wait3A_371, %dma_wait3A_372, %dma_wait3A_373] : memref<4x128x64xf32, #tpu.memory_space<vmem>> -> memref<1x128x64xf32, #tpu.memory_space<vmem>>
      %dma_wait3A_375 = tpu.memref_squeeze %dma_wait3A_374 : memref<1x128x64xf32, #tpu.memory_space<vmem>> -> memref<128x64xf32, #tpu.memory_space<vmem>>
      %dma_wait3A_376 = arith.constant 0 : i32
      %dma_wait3A_377 = arith.constant 0 : i32
      %dma_wait3A_378 = tpu.memref_slice %arg2[%dma_wait3A_376, %dma_wait3A_377] : memref<1000000x64xf32, #tpu.memory_space<hbm>> -> memref<128x64xf32, #tpu.memory_space<hbm>>
      %dma_wait3A_379 = arith.constant 0 : i32
      %dma_wait3A_380 = arith.constant 0 : i32
      %dma_wait3A_381 = tpu.memref_slice %arg6[%dma_wait3A_371, %dma_wait3A_379, %dma_wait3A_380] : memref<4x128x64xf32, #tpu.memory_space<vmem>> -> memref<1x128x64xf32, #tpu.memory_space<vmem>>
      %dma_wait3A_382 = tpu.memref_squeeze %dma_wait3A_381 : memref<1x128x64xf32, #tpu.memory_space<vmem>> -> memref<128x64xf32, #tpu.memory_space<vmem>>
      %dma_wait3A_383 = arith.constant 0 : i32
      %dma_wait3A_384 = arith.constant 0 : i32
      %dma_wait3A_385 = tpu.memref_slice %arg2[%dma_wait3A_383, %dma_wait3A_384] : memref<1000000x64xf32, #tpu.memory_space<hbm>> -> memref<128x64xf32, #tpu.memory_space<hbm>>
      tpu.wait_dma2 semaphore(%arg8 : memref<!tpu.dma_semaphore, #tpu.memory_space<semaphore_mem>>) src(%dma_wait3A_385 : memref<128x64xf32, #tpu.memory_space<hbm>>) dst(%dma_wait3A_382 : memref<128x64xf32, #tpu.memory_space<vmem>>)
      %ge3A_386 = arith.constant 2 : i32
      %ge3A_387 = arith.cmpi sge, %add3A_370, %ge3A_386 : i32
      %convert_element_type3A_388 = arith.extui %ge3A_387 : i1 to i32
      %cond3A_389 = arith.constant 0 : i32
      %cond3A_390 = arith.cmpi ne, %convert_element_type3A_388, %cond3A_389 : i32
      scf.if %cond3A_390 {
        %dma_wait3A_466 = arith.constant 0 : i32
        %dma_wait3A_467 = arith.constant 0 : i32
        %dma_wait3A_468 = arith.constant 1 : i32
        %dma_wait3A_469 = arith.constant 0 : i32
        %dma_wait3A_470 = arith.constant 0 : i32
        %dma_wait3A_471 = arith.constant 0 : i32
        %dma_wait3A_472 = tpu.memref_slice %arg7[%dma_wait3A_468, %dma_wait3A_469, %dma_wait3A_470, %dma_wait3A_471] : memref<2x8x8x129xf32, #tpu.memory_space<vmem>> -> memref<1x8x8x128xf32, #tpu.memory_space<vmem>>
        %dma_wait3A_473 = tpu.memref_squeeze %dma_wait3A_472 : memref<1x8x8x128xf32, #tpu.memory_space<vmem>> -> memref<8x8x128xf32, #tpu.memory_space<vmem>>
        %dma_wait3A_474 = arith.constant 0 : i32
        %dma_wait3A_475 = arith.constant 0 : i32
        %dma_wait3A_476 = arith.constant 0 : i32
        %dma_wait3A_477 = tpu.memref_slice %arg4[%dma_wait3A_466, %dma_wait3A_474, %dma_wait3A_467, %dma_wait3A_475, %dma_wait3A_476] : memref<50x8x128x8x128xf32, #tpu.memory_space<hbm>> -> memref<1x8x1x8x128xf32, #tpu.memory_space<hbm>>
        %dma_wait3A_478 = tpu.memref_squeeze %dma_wait3A_477 : memref<1x8x1x8x128xf32, #tpu.memory_space<hbm>> -> memref<8x8x128xf32, #tpu.memory_space<hbm>>
        %dma_wait3A_479 = arith.constant 0 : i32
        %dma_wait3A_480 = arith.constant 0 : i32
        %dma_wait3A_481 = arith.constant 0 : i32
        %dma_wait3A_482 = tpu.memref_slice %arg7[%dma_wait3A_468, %dma_wait3A_479, %dma_wait3A_480, %dma_wait3A_481] : memref<2x8x8x129xf32, #tpu.memory_space<vmem>> -> memref<1x8x8x128xf32, #tpu.memory_space<vmem>>
        %dma_wait3A_483 = tpu.memref_squeeze %dma_wait3A_482 : memref<1x8x8x128xf32, #tpu.memory_space<vmem>> -> memref<8x8x128xf32, #tpu.memory_space<vmem>>
        %dma_wait3A_484 = arith.constant 0 : i32
        %dma_wait3A_485 = arith.constant 0 : i32
        %dma_wait3A_486 = arith.constant 0 : i32
        %dma_wait3A_487 = tpu.memref_slice %arg4[%dma_wait3A_466, %dma_wait3A_484, %dma_wait3A_467, %dma_wait3A_485, %dma_wait3A_486] : memref<50x8x128x8x128xf32, #tpu.memory_space<hbm>> -> memref<1x8x1x8x128xf32, #tpu.memory_space<hbm>>
        %dma_wait3A_488 = tpu.memref_squeeze %dma_wait3A_487 : memref<1x8x1x8x128xf32, #tpu.memory_space<hbm>> -> memref<8x8x128xf32, #tpu.memory_space<hbm>>
        tpu.wait_dma2 semaphore(%arg9 : memref<!tpu.dma_semaphore, #tpu.memory_space<semaphore_mem>>) src(%dma_wait3A_488 : memref<8x8x128xf32, #tpu.memory_space<hbm>>) dst(%dma_wait3A_483 : memref<8x8x128xf32, #tpu.memory_space<vmem>>)
      } else {
      }
      %iota3A_391 = tpu.iota {dimensions = array<i32: 0>} : vector<16xi32>
      %parallel_loop3A_392 = arith.constant 0 : i32
      %parallel_loop3A_393 = arith.constant 128 : i32
      %parallel_loop3A_394 = arith.constant 1 : i32
      scf.for %parallel_loop3A_466 = %parallel_loop3A_392 to %parallel_loop3A_393 step %parallel_loop3A_394  : i32 {
        %parallel_loop3A_467 = arith.constant 0 : i32
        %parallel_loop3A_468 = vector.broadcast %parallel_loop3A_467 : i32 to vector<16xi32>
        %parallel_loop3A_469 = vector.broadcast %parallel_loop3A_466 : i32 to vector<16xi32>
        %parallel_loop3A_470 = arith.addi %parallel_loop3A_468, %parallel_loop3A_469 : vector<16xi32>
        %parallel_loop3A_471 = arith.constant 3 : i32
        %parallel_loop3A_472 = arith.index_cast %parallel_loop3A_471 : i32 to index
        %parallel_loop3A_473 = arith.index_cast %parallel_loop3A_466 : i32 to index
        %parallel_loop3A_474 = arith.constant 0 : index
        %parallel_loop3A_475 = tpu.vector_load %arg6[%parallel_loop3A_472, %parallel_loop3A_473, %parallel_loop3A_474] {strides = array<i32>} : memref<4x128x64xf32, #tpu.memory_space<vmem>>, vector<16xf32>,
        %parallel_loop3A_476 = arith.constant 0 : i32
        %parallel_loop3A_477 = vector.broadcast %parallel_loop3A_476 : i32 to vector<16xi32>
        %parallel_loop3A_478 = arith.addi %parallel_loop3A_477, %iota3A_391 : vector<16xi32>
        %parallel_loop3A_479 = arith.constant 8 : i32
        %parallel_loop3A_480 = vector.broadcast %parallel_loop3A_479 : i32 to vector<16xi32>
        %parallel_loop3A_481 = arith.divsi %parallel_loop3A_478, %parallel_loop3A_480 : vector<16xi32>
        %parallel_loop3A_482 = arith.constant 0 : i32
        %parallel_loop3A_483 = vector.broadcast %parallel_loop3A_482 : i32 to vector<16xi32>
        %parallel_loop3A_484 = arith.cmpi sgt, %parallel_loop3A_478, %parallel_loop3A_483 : vector<16xi32>
        %parallel_loop3A_485 = arith.extui %parallel_loop3A_484 : vector<16xi1> to vector<16xi32>
        %parallel_loop3A_486 = arith.constant 0 : i32
        %parallel_loop3A_487 = vector.broadcast %parallel_loop3A_486 : i32 to vector<16xi32>
        %parallel_loop3A_488 = arith.cmpi slt, %parallel_loop3A_478, %parallel_loop3A_487 : vector<16xi32>
        %parallel_loop3A_489 = arith.extui %parallel_loop3A_488 : vector<16xi1> to vector<16xi32>
        %parallel_loop3A_490 = arith.subi %parallel_loop3A_485, %parallel_loop3A_489 : vector<16xi32>
        %parallel_loop3A_491 = arith.constant 0 : i32
        %parallel_loop3A_492 = arith.cmpi sgt, %parallel_loop3A_479, %parallel_loop3A_491 : i32
        %parallel_loop3A_493 = arith.extui %parallel_loop3A_492 : i1 to i32
        %parallel_loop3A_494 = arith.constant 0 : i32
        %parallel_loop3A_495 = arith.cmpi slt, %parallel_loop3A_479, %parallel_loop3A_494 : i32
        %parallel_loop3A_496 = arith.extui %parallel_loop3A_495 : i1 to i32
        %parallel_loop3A_497 = arith.subi %parallel_loop3A_493, %parallel_loop3A_496 : i32
        %parallel_loop3A_498 = vector.broadcast %parallel_loop3A_497 : i32 to vector<16xi32>
        %parallel_loop3A_499 = arith.cmpi ne, %parallel_loop3A_490, %parallel_loop3A_498 : vector<16xi32>
        %parallel_loop3A_500 = vector.broadcast %parallel_loop3A_479 : i32 to vector<16xi32>
        %parallel_loop3A_501 = arith.remsi %parallel_loop3A_478, %parallel_loop3A_500 : vector<16xi32>
        %parallel_loop3A_502 = arith.constant 0 : i32
        %parallel_loop3A_503 = vector.broadcast %parallel_loop3A_502 : i32 to vector<16xi32>
        %parallel_loop3A_504 = arith.cmpi ne, %parallel_loop3A_501, %parallel_loop3A_503 : vector<16xi32>
        %parallel_loop3A_505 = arith.andi %parallel_loop3A_499, %parallel_loop3A_504 : vector<16xi1>
        %parallel_loop3A_506 = arith.constant 1 : i32
        %parallel_loop3A_507 = vector.broadcast %parallel_loop3A_506 : i32 to vector<16xi32>
        %parallel_loop3A_508 = arith.subi %parallel_loop3A_481, %parallel_loop3A_507 : vector<16xi32>
        %parallel_loop3A_509 = arith.select %parallel_loop3A_505, %parallel_loop3A_508, %parallel_loop3A_481 : vector<16xi1>, vector<16xi32>
        %parallel_loop3A_510 = arith.constant 8 : i32
        %parallel_loop3A_511 = arith.constant 0 : i32
        %parallel_loop3A_512 = arith.cmpi eq, %parallel_loop3A_510, %parallel_loop3A_511 : i32
        %parallel_loop3A_513 = arith.constant 1 : i32
        %parallel_loop3A_514 = arith.select %parallel_loop3A_512, %parallel_loop3A_513, %parallel_loop3A_510 : i32
        %parallel_loop3A_515 = vector.broadcast %parallel_loop3A_514 : i32 to vector<16xi32>
        %parallel_loop3A_516 = arith.remsi %parallel_loop3A_478, %parallel_loop3A_515 : vector<16xi32>
        %parallel_loop3A_517 = arith.constant 0 : i32
        %parallel_loop3A_518 = vector.broadcast %parallel_loop3A_517 : i32 to vector<16xi32>
        %parallel_loop3A_519 = arith.cmpi ne, %parallel_loop3A_516, %parallel_loop3A_518 : vector<16xi32>
        %parallel_loop3A_520 = arith.constant 0 : i32
        %parallel_loop3A_521 = vector.broadcast %parallel_loop3A_520 : i32 to vector<16xi32>
        %parallel_loop3A_522 = arith.cmpi slt, %parallel_loop3A_516, %parallel_loop3A_521 : vector<16xi32>
        %parallel_loop3A_523 = arith.constant 0 : i32
        %parallel_loop3A_524 = arith.cmpi slt, %parallel_loop3A_514, %parallel_loop3A_523 : i32
        %parallel_loop3A_525 = vector.broadcast %parallel_loop3A_524 : i1 to vector<16xi1>
        %parallel_loop3A_526 = vector.broadcast %parallel_loop3A_525 : vector<16xi1> to vector<16xi1>
        %parallel_loop3A_527 = arith.xori %parallel_loop3A_522, %parallel_loop3A_526 : vector<16xi1>
        %parallel_loop3A_528 = arith.andi %parallel_loop3A_527, %parallel_loop3A_519 : vector<16xi1>
        %parallel_loop3A_529 = vector.broadcast %parallel_loop3A_514 : i32 to vector<16xi32>
        %parallel_loop3A_530 = arith.addi %parallel_loop3A_516, %parallel_loop3A_529 : vector<16xi32>
        %parallel_loop3A_531 = arith.select %parallel_loop3A_528, %parallel_loop3A_530, %parallel_loop3A_516 : vector<16xi1>, vector<16xi32>
        %parallel_loop3A_532 = arith.constant 1 : i32
        %parallel_loop3A_533 = arith.constant 0 : i32
        %parallel_loop3A_534 = arith.constant 0 : i32
        %parallel_loop3A_535 = arith.constant 0 : i32
        %parallel_loop3A_536 = tpu.memref_slice %arg7[%parallel_loop3A_532, %parallel_loop3A_533, %parallel_loop3A_534, %parallel_loop3A_535] : memref<2x8x8x129xf32, #tpu.memory_space<vmem>> -> memref<1x8x8x129xf32, #tpu.memory_space<vmem>>
        %parallel_loop3A_537 = tpu.memref_squeeze %parallel_loop3A_536 : memref<1x8x8x129xf32, #tpu.memory_space<vmem>> -> memref<8x8x129xf32, #tpu.memory_space<vmem>>
        tpu.vector_store_idx %parallel_loop3A_537[%parallel_loop3A_509, %parallel_loop3A_531, %parallel_loop3A_470], %parallel_loop3A_475 : memref<8x8x129xf32, #tpu.memory_space<vmem>>[vector<16xi32>, vector<16xi32>, vector<16xi32>], vector<16xf32>,
        %parallel_loop3A_538 = arith.constant 3 : i32
        %parallel_loop3A_539 = arith.index_cast %parallel_loop3A_538 : i32 to index
        %parallel_loop3A_540 = arith.index_cast %parallel_loop3A_466 : i32 to index
        %parallel_loop3A_541 = arith.constant 16 : index
        %parallel_loop3A_542 = tpu.vector_load %arg6[%parallel_loop3A_539, %parallel_loop3A_540, %parallel_loop3A_541] {strides = array<i32>} : memref<4x128x64xf32, #tpu.memory_space<vmem>>, vector<16xf32>,
        %parallel_loop3A_543 = arith.constant 16 : i32
        %parallel_loop3A_544 = vector.broadcast %parallel_loop3A_543 : i32 to vector<16xi32>
        %parallel_loop3A_545 = arith.addi %parallel_loop3A_544, %iota3A_391 : vector<16xi32>
        %parallel_loop3A_546 = arith.constant 8 : i32
        %parallel_loop3A_547 = vector.broadcast %parallel_loop3A_546 : i32 to vector<16xi32>
        %parallel_loop3A_548 = arith.divsi %parallel_loop3A_545, %parallel_loop3A_547 : vector<16xi32>
        %parallel_loop3A_549 = arith.constant 0 : i32
        %parallel_loop3A_550 = vector.broadcast %parallel_loop3A_549 : i32 to vector<16xi32>
        %parallel_loop3A_551 = arith.cmpi sgt, %parallel_loop3A_545, %parallel_loop3A_550 : vector<16xi32>
        %parallel_loop3A_552 = arith.extui %parallel_loop3A_551 : vector<16xi1> to vector<16xi32>
        %parallel_loop3A_553 = arith.constant 0 : i32
        %parallel_loop3A_554 = vector.broadcast %parallel_loop3A_553 : i32 to vector<16xi32>
        %parallel_loop3A_555 = arith.cmpi slt, %parallel_loop3A_545, %parallel_loop3A_554 : vector<16xi32>
        %parallel_loop3A_556 = arith.extui %parallel_loop3A_555 : vector<16xi1> to vector<16xi32>
        %parallel_loop3A_557 = arith.subi %parallel_loop3A_552, %parallel_loop3A_556 : vector<16xi32>
        %parallel_loop3A_558 = arith.constant 0 : i32
        %parallel_loop3A_559 = arith.cmpi sgt, %parallel_loop3A_546, %parallel_loop3A_558 : i32
        %parallel_loop3A_560 = arith.extui %parallel_loop3A_559 : i1 to i32
        %parallel_loop3A_561 = arith.constant 0 : i32
        %parallel_loop3A_562 = arith.cmpi slt, %parallel_loop3A_546, %parallel_loop3A_561 : i32
        %parallel_loop3A_563 = arith.extui %parallel_loop3A_562 : i1 to i32
        %parallel_loop3A_564 = arith.subi %parallel_loop3A_560, %parallel_loop3A_563 : i32
        %parallel_loop3A_565 = vector.broadcast %parallel_loop3A_564 : i32 to vector<16xi32>
        %parallel_loop3A_566 = arith.cmpi ne, %parallel_loop3A_557, %parallel_loop3A_565 : vector<16xi32>
        %parallel_loop3A_567 = vector.broadcast %parallel_loop3A_546 : i32 to vector<16xi32>
        %parallel_loop3A_568 = arith.remsi %parallel_loop3A_545, %parallel_loop3A_567 : vector<16xi32>
        %parallel_loop3A_569 = arith.constant 0 : i32
        %parallel_loop3A_570 = vector.broadcast %parallel_loop3A_569 : i32 to vector<16xi32>
        %parallel_loop3A_571 = arith.cmpi ne, %parallel_loop3A_568, %parallel_loop3A_570 : vector<16xi32>
        %parallel_loop3A_572 = arith.andi %parallel_loop3A_566, %parallel_loop3A_571 : vector<16xi1>
        %parallel_loop3A_573 = arith.constant 1 : i32
        %parallel_loop3A_574 = vector.broadcast %parallel_loop3A_573 : i32 to vector<16xi32>
        %parallel_loop3A_575 = arith.subi %parallel_loop3A_548, %parallel_loop3A_574 : vector<16xi32>
        %parallel_loop3A_576 = arith.select %parallel_loop3A_572, %parallel_loop3A_575, %parallel_loop3A_548 : vector<16xi1>, vector<16xi32>
        %parallel_loop3A_577 = arith.constant 8 : i32
        %parallel_loop3A_578 = arith.constant 0 : i32
        %parallel_loop3A_579 = arith.cmpi eq, %parallel_loop3A_577, %parallel_loop3A_578 : i32
        %parallel_loop3A_580 = arith.constant 1 : i32
        %parallel_loop3A_581 = arith.select %parallel_loop3A_579, %parallel_loop3A_580, %parallel_loop3A_577 : i32
        %parallel_loop3A_582 = vector.broadcast %parallel_loop3A_581 : i32 to vector<16xi32>
        %parallel_loop3A_583 = arith.remsi %parallel_loop3A_545, %parallel_loop3A_582 : vector<16xi32>
        %parallel_loop3A_584 = arith.constant 0 : i32
        %parallel_loop3A_585 = vector.broadcast %parallel_loop3A_584 : i32 to vector<16xi32>
        %parallel_loop3A_586 = arith.cmpi ne, %parallel_loop3A_583, %parallel_loop3A_585 : vector<16xi32>
        %parallel_loop3A_587 = arith.constant 0 : i32
        %parallel_loop3A_588 = vector.broadcast %parallel_loop3A_587 : i32 to vector<16xi32>
        %parallel_loop3A_589 = arith.cmpi slt, %parallel_loop3A_583, %parallel_loop3A_588 : vector<16xi32>
        %parallel_loop3A_590 = arith.constant 0 : i32
        %parallel_loop3A_591 = arith.cmpi slt, %parallel_loop3A_581, %parallel_loop3A_590 : i32
        %parallel_loop3A_592 = vector.broadcast %parallel_loop3A_591 : i1 to vector<16xi1>
        %parallel_loop3A_593 = vector.broadcast %parallel_loop3A_592 : vector<16xi1> to vector<16xi1>
        %parallel_loop3A_594 = arith.xori %parallel_loop3A_589, %parallel_loop3A_593 : vector<16xi1>
        %parallel_loop3A_595 = arith.andi %parallel_loop3A_594, %parallel_loop3A_586 : vector<16xi1>
        %parallel_loop3A_596 = vector.broadcast %parallel_loop3A_581 : i32 to vector<16xi32>
        %parallel_loop3A_597 = arith.addi %parallel_loop3A_583, %parallel_loop3A_596 : vector<16xi32>
        %parallel_loop3A_598 = arith.select %parallel_loop3A_595, %parallel_loop3A_597, %parallel_loop3A_583 : vector<16xi1>, vector<16xi32>
        %parallel_loop3A_599 = arith.constant 1 : i32
        %parallel_loop3A_600 = arith.constant 0 : i32
        %parallel_loop3A_601 = arith.constant 0 : i32
        %parallel_loop3A_602 = arith.constant 0 : i32
        %parallel_loop3A_603 = tpu.memref_slice %arg7[%parallel_loop3A_599, %parallel_loop3A_600, %parallel_loop3A_601, %parallel_loop3A_602] : memref<2x8x8x129xf32, #tpu.memory_space<vmem>> -> memref<1x8x8x129xf32, #tpu.memory_space<vmem>>
        %parallel_loop3A_604 = tpu.memref_squeeze %parallel_loop3A_603 : memref<1x8x8x129xf32, #tpu.memory_space<vmem>> -> memref<8x8x129xf32, #tpu.memory_space<vmem>>
        tpu.vector_store_idx %parallel_loop3A_604[%parallel_loop3A_576, %parallel_loop3A_598, %parallel_loop3A_470], %parallel_loop3A_542 : memref<8x8x129xf32, #tpu.memory_space<vmem>>[vector<16xi32>, vector<16xi32>, vector<16xi32>], vector<16xf32>,
        %parallel_loop3A_605 = arith.constant 3 : i32
        %parallel_loop3A_606 = arith.index_cast %parallel_loop3A_605 : i32 to index
        %parallel_loop3A_607 = arith.index_cast %parallel_loop3A_466 : i32 to index
        %parallel_loop3A_608 = arith.constant 32 : index
        %parallel_loop3A_609 = tpu.vector_load %arg6[%parallel_loop3A_606, %parallel_loop3A_607, %parallel_loop3A_608] {strides = array<i32>} : memref<4x128x64xf32, #tpu.memory_space<vmem>>, vector<16xf32>,
        %parallel_loop3A_610 = arith.constant 32 : i32
        %parallel_loop3A_611 = vector.broadcast %parallel_loop3A_610 : i32 to vector<16xi32>
        %parallel_loop3A_612 = arith.addi %parallel_loop3A_611, %iota3A_391 : vector<16xi32>
        %parallel_loop3A_613 = arith.constant 8 : i32
        %parallel_loop3A_614 = vector.broadcast %parallel_loop3A_613 : i32 to vector<16xi32>
        %parallel_loop3A_615 = arith.divsi %parallel_loop3A_612, %parallel_loop3A_614 : vector<16xi32>
        %parallel_loop3A_616 = arith.constant 0 : i32
        %parallel_loop3A_617 = vector.broadcast %parallel_loop3A_616 : i32 to vector<16xi32>
        %parallel_loop3A_618 = arith.cmpi sgt, %parallel_loop3A_612, %parallel_loop3A_617 : vector<16xi32>
        %parallel_loop3A_619 = arith.extui %parallel_loop3A_618 : vector<16xi1> to vector<16xi32>
        %parallel_loop3A_620 = arith.constant 0 : i32
        %parallel_loop3A_621 = vector.broadcast %parallel_loop3A_620 : i32 to vector<16xi32>
        %parallel_loop3A_622 = arith.cmpi slt, %parallel_loop3A_612, %parallel_loop3A_621 : vector<16xi32>
        %parallel_loop3A_623 = arith.extui %parallel_loop3A_622 : vector<16xi1> to vector<16xi32>
        %parallel_loop3A_624 = arith.subi %parallel_loop3A_619, %parallel_loop3A_623 : vector<16xi32>
        %parallel_loop3A_625 = arith.constant 0 : i32
        %parallel_loop3A_626 = arith.cmpi sgt, %parallel_loop3A_613, %parallel_loop3A_625 : i32
        %parallel_loop3A_627 = arith.extui %parallel_loop3A_626 : i1 to i32
        %parallel_loop3A_628 = arith.constant 0 : i32
        %parallel_loop3A_629 = arith.cmpi slt, %parallel_loop3A_613, %parallel_loop3A_628 : i32
        %parallel_loop3A_630 = arith.extui %parallel_loop3A_629 : i1 to i32
        %parallel_loop3A_631 = arith.subi %parallel_loop3A_627, %parallel_loop3A_630 : i32
        %parallel_loop3A_632 = vector.broadcast %parallel_loop3A_631 : i32 to vector<16xi32>
        %parallel_loop3A_633 = arith.cmpi ne, %parallel_loop3A_624, %parallel_loop3A_632 : vector<16xi32>
        %parallel_loop3A_634 = vector.broadcast %parallel_loop3A_613 : i32 to vector<16xi32>
        %parallel_loop3A_635 = arith.remsi %parallel_loop3A_612, %parallel_loop3A_634 : vector<16xi32>
        %parallel_loop3A_636 = arith.constant 0 : i32
        %parallel_loop3A_637 = vector.broadcast %parallel_loop3A_636 : i32 to vector<16xi32>
        %parallel_loop3A_638 = arith.cmpi ne, %parallel_loop3A_635, %parallel_loop3A_637 : vector<16xi32>
        %parallel_loop3A_639 = arith.andi %parallel_loop3A_633, %parallel_loop3A_638 : vector<16xi1>
        %parallel_loop3A_640 = arith.constant 1 : i32
        %parallel_loop3A_641 = vector.broadcast %parallel_loop3A_640 : i32 to vector<16xi32>
        %parallel_loop3A_642 = arith.subi %parallel_loop3A_615, %parallel_loop3A_641 : vector<16xi32>
        %parallel_loop3A_643 = arith.select %parallel_loop3A_639, %parallel_loop3A_642, %parallel_loop3A_615 : vector<16xi1>, vector<16xi32>
        %parallel_loop3A_644 = arith.constant 8 : i32
        %parallel_loop3A_645 = arith.constant 0 : i32
        %parallel_loop3A_646 = arith.cmpi eq, %parallel_loop3A_644, %parallel_loop3A_645 : i32
        %parallel_loop3A_647 = arith.constant 1 : i32
        %parallel_loop3A_648 = arith.select %parallel_loop3A_646, %parallel_loop3A_647, %parallel_loop3A_644 : i32
        %parallel_loop3A_649 = vector.broadcast %parallel_loop3A_648 : i32 to vector<16xi32>
        %parallel_loop3A_650 = arith.remsi %parallel_loop3A_612, %parallel_loop3A_649 : vector<16xi32>
        %parallel_loop3A_651 = arith.constant 0 : i32
        %parallel_loop3A_652 = vector.broadcast %parallel_loop3A_651 : i32 to vector<16xi32>
        %parallel_loop3A_653 = arith.cmpi ne, %parallel_loop3A_650, %parallel_loop3A_652 : vector<16xi32>
        %parallel_loop3A_654 = arith.constant 0 : i32
        %parallel_loop3A_655 = vector.broadcast %parallel_loop3A_654 : i32 to vector<16xi32>
        %parallel_loop3A_656 = arith.cmpi slt, %parallel_loop3A_650, %parallel_loop3A_655 : vector<16xi32>
        %parallel_loop3A_657 = arith.constant 0 : i32
        %parallel_loop3A_658 = arith.cmpi slt, %parallel_loop3A_648, %parallel_loop3A_657 : i32
        %parallel_loop3A_659 = vector.broadcast %parallel_loop3A_658 : i1 to vector<16xi1>
        %parallel_loop3A_660 = vector.broadcast %parallel_loop3A_659 : vector<16xi1> to vector<16xi1>
        %parallel_loop3A_661 = arith.xori %parallel_loop3A_656, %parallel_loop3A_660 : vector<16xi1>
        %parallel_loop3A_662 = arith.andi %parallel_loop3A_661, %parallel_loop3A_653 : vector<16xi1>
        %parallel_loop3A_663 = vector.broadcast %parallel_loop3A_648 : i32 to vector<16xi32>
        %parallel_loop3A_664 = arith.addi %parallel_loop3A_650, %parallel_loop3A_663 : vector<16xi32>
        %parallel_loop3A_665 = arith.select %parallel_loop3A_662, %parallel_loop3A_664, %parallel_loop3A_650 : vector<16xi1>, vector<16xi32>
        %parallel_loop3A_666 = arith.constant 1 : i32
        %parallel_loop3A_667 = arith.constant 0 : i32
        %parallel_loop3A_668 = arith.constant 0 : i32
        %parallel_loop3A_669 = arith.constant 0 : i32
        %parallel_loop3A_670 = tpu.memref_slice %arg7[%parallel_loop3A_666, %parallel_loop3A_667, %parallel_loop3A_668, %parallel_loop3A_669] : memref<2x8x8x129xf32, #tpu.memory_space<vmem>> -> memref<1x8x8x129xf32, #tpu.memory_space<vmem>>
        %parallel_loop3A_671 = tpu.memref_squeeze %parallel_loop3A_670 : memref<1x8x8x129xf32, #tpu.memory_space<vmem>> -> memref<8x8x129xf32, #tpu.memory_space<vmem>>
        tpu.vector_store_idx %parallel_loop3A_671[%parallel_loop3A_643, %parallel_loop3A_665, %parallel_loop3A_470], %parallel_loop3A_609 : memref<8x8x129xf32, #tpu.memory_space<vmem>>[vector<16xi32>, vector<16xi32>, vector<16xi32>], vector<16xf32>,
        %parallel_loop3A_672 = arith.constant 3 : i32
        %parallel_loop3A_673 = arith.index_cast %parallel_loop3A_672 : i32 to index
        %parallel_loop3A_674 = arith.index_cast %parallel_loop3A_466 : i32 to index
        %parallel_loop3A_675 = arith.constant 48 : index
        %parallel_loop3A_676 = tpu.vector_load %arg6[%parallel_loop3A_673, %parallel_loop3A_674, %parallel_loop3A_675] {strides = array<i32>} : memref<4x128x64xf32, #tpu.memory_space<vmem>>, vector<16xf32>,
        %parallel_loop3A_677 = arith.constant 48 : i32
        %parallel_loop3A_678 = vector.broadcast %parallel_loop3A_677 : i32 to vector<16xi32>
        %parallel_loop3A_679 = arith.addi %parallel_loop3A_678, %iota3A_391 : vector<16xi32>
        %parallel_loop3A_680 = arith.constant 8 : i32
        %parallel_loop3A_681 = vector.broadcast %parallel_loop3A_680 : i32 to vector<16xi32>
        %parallel_loop3A_682 = arith.divsi %parallel_loop3A_679, %parallel_loop3A_681 : vector<16xi32>
        %parallel_loop3A_683 = arith.constant 0 : i32
        %parallel_loop3A_684 = vector.broadcast %parallel_loop3A_683 : i32 to vector<16xi32>
        %parallel_loop3A_685 = arith.cmpi sgt, %parallel_loop3A_679, %parallel_loop3A_684 : vector<16xi32>
        %parallel_loop3A_686 = arith.extui %parallel_loop3A_685 : vector<16xi1> to vector<16xi32>
        %parallel_loop3A_687 = arith.constant 0 : i32
        %parallel_loop3A_688 = vector.broadcast %parallel_loop3A_687 : i32 to vector<16xi32>
        %parallel_loop3A_689 = arith.cmpi slt, %parallel_loop3A_679, %parallel_loop3A_688 : vector<16xi32>
        %parallel_loop3A_690 = arith.extui %parallel_loop3A_689 : vector<16xi1> to vector<16xi32>
        %parallel_loop3A_691 = arith.subi %parallel_loop3A_686, %parallel_loop3A_690 : vector<16xi32>
        %parallel_loop3A_692 = arith.constant 0 : i32
        %parallel_loop3A_693 = arith.cmpi sgt, %parallel_loop3A_680, %parallel_loop3A_692 : i32
        %parallel_loop3A_694 = arith.extui %parallel_loop3A_693 : i1 to i32
        %parallel_loop3A_695 = arith.constant 0 : i32
        %parallel_loop3A_696 = arith.cmpi slt, %parallel_loop3A_680, %parallel_loop3A_695 : i32
        %parallel_loop3A_697 = arith.extui %parallel_loop3A_696 : i1 to i32
        %parallel_loop3A_698 = arith.subi %parallel_loop3A_694, %parallel_loop3A_697 : i32
        %parallel_loop3A_699 = vector.broadcast %parallel_loop3A_698 : i32 to vector<16xi32>
        %parallel_loop3A_700 = arith.cmpi ne, %parallel_loop3A_691, %parallel_loop3A_699 : vector<16xi32>
        %parallel_loop3A_701 = vector.broadcast %parallel_loop3A_680 : i32 to vector<16xi32>
        %parallel_loop3A_702 = arith.remsi %parallel_loop3A_679, %parallel_loop3A_701 : vector<16xi32>
        %parallel_loop3A_703 = arith.constant 0 : i32
        %parallel_loop3A_704 = vector.broadcast %parallel_loop3A_703 : i32 to vector<16xi32>
        %parallel_loop3A_705 = arith.cmpi ne, %parallel_loop3A_702, %parallel_loop3A_704 : vector<16xi32>
        %parallel_loop3A_706 = arith.andi %parallel_loop3A_700, %parallel_loop3A_705 : vector<16xi1>
        %parallel_loop3A_707 = arith.constant 1 : i32
        %parallel_loop3A_708 = vector.broadcast %parallel_loop3A_707 : i32 to vector<16xi32>
        %parallel_loop3A_709 = arith.subi %parallel_loop3A_682, %parallel_loop3A_708 : vector<16xi32>
        %parallel_loop3A_710 = arith.select %parallel_loop3A_706, %parallel_loop3A_709, %parallel_loop3A_682 : vector<16xi1>, vector<16xi32>
        %parallel_loop3A_711 = arith.constant 8 : i32
        %parallel_loop3A_712 = arith.constant 0 : i32
        %parallel_loop3A_713 = arith.cmpi eq, %parallel_loop3A_711, %parallel_loop3A_712 : i32
        %parallel_loop3A_714 = arith.constant 1 : i32
        %parallel_loop3A_715 = arith.select %parallel_loop3A_713, %parallel_loop3A_714, %parallel_loop3A_711 : i32
        %parallel_loop3A_716 = vector.broadcast %parallel_loop3A_715 : i32 to vector<16xi32>
        %parallel_loop3A_717 = arith.remsi %parallel_loop3A_679, %parallel_loop3A_716 : vector<16xi32>
        %parallel_loop3A_718 = arith.constant 0 : i32
        %parallel_loop3A_719 = vector.broadcast %parallel_loop3A_718 : i32 to vector<16xi32>
        %parallel_loop3A_720 = arith.cmpi ne, %parallel_loop3A_717, %parallel_loop3A_719 : vector<16xi32>
        %parallel_loop3A_721 = arith.constant 0 : i32
        %parallel_loop3A_722 = vector.broadcast %parallel_loop3A_721 : i32 to vector<16xi32>
        %parallel_loop3A_723 = arith.cmpi slt, %parallel_loop3A_717, %parallel_loop3A_722 : vector<16xi32>
        %parallel_loop3A_724 = arith.constant 0 : i32
        %parallel_loop3A_725 = arith.cmpi slt, %parallel_loop3A_715, %parallel_loop3A_724 : i32
        %parallel_loop3A_726 = vector.broadcast %parallel_loop3A_725 : i1 to vector<16xi1>
        %parallel_loop3A_727 = vector.broadcast %parallel_loop3A_726 : vector<16xi1> to vector<16xi1>
        %parallel_loop3A_728 = arith.xori %parallel_loop3A_723, %parallel_loop3A_727 : vector<16xi1>
        %parallel_loop3A_729 = arith.andi %parallel_loop3A_728, %parallel_loop3A_720 : vector<16xi1>
        %parallel_loop3A_730 = vector.broadcast %parallel_loop3A_715 : i32 to vector<16xi32>
        %parallel_loop3A_731 = arith.addi %parallel_loop3A_717, %parallel_loop3A_730 : vector<16xi32>
        %parallel_loop3A_732 = arith.select %parallel_loop3A_729, %parallel_loop3A_731, %parallel_loop3A_717 : vector<16xi1>, vector<16xi32>
        %parallel_loop3A_733 = arith.constant 1 : i32
        %parallel_loop3A_734 = arith.constant 0 : i32
        %parallel_loop3A_735 = arith.constant 0 : i32
        %parallel_loop3A_736 = arith.constant 0 : i32
        %parallel_loop3A_737 = tpu.memref_slice %arg7[%parallel_loop3A_733, %parallel_loop3A_734, %parallel_loop3A_735, %parallel_loop3A_736] : memref<2x8x8x129xf32, #tpu.memory_space<vmem>> -> memref<1x8x8x129xf32, #tpu.memory_space<vmem>>
        %parallel_loop3A_738 = tpu.memref_squeeze %parallel_loop3A_737 : memref<1x8x8x129xf32, #tpu.memory_space<vmem>> -> memref<8x8x129xf32, #tpu.memory_space<vmem>>
        tpu.vector_store_idx %parallel_loop3A_738[%parallel_loop3A_710, %parallel_loop3A_732, %parallel_loop3A_470], %parallel_loop3A_676 : memref<8x8x129xf32, #tpu.memory_space<vmem>>[vector<16xi32>, vector<16xi32>, vector<16xi32>], vector<16xf32>,
      } {sc.loop_unroll_factor = 8 : i64, sc.parallel_access}
      %add3A_395 = arith.addi %mul3A_4, %add3A_370 : i32
      %jit3A_396 = arith.constant 128 : i32
      %div3A_397 = arith.divsi %add3A_395, %jit3A_396 : i32
      %sign3A_398 = arith.constant 0 : i32
      %sign3A_399 = arith.cmpi sgt, %add3A_395, %sign3A_398 : i32
      %sign3A_400 = arith.extui %sign3A_399 : i1 to i32
      %sign3A_401 = arith.constant 0 : i32
      %sign3A_402 = arith.cmpi slt, %add3A_395, %sign3A_401 : i32
      %sign3A_403 = arith.extui %sign3A_402 : i1 to i32
      %sign3A_404 = arith.subi %sign3A_400, %sign3A_403 : i32
      %sign3A_405 = arith.constant 0 : i32
      %sign3A_406 = arith.cmpi sgt, %jit3A_396, %sign3A_405 : i32
      %sign3A_407 = arith.extui %sign3A_406 : i1 to i32
      %sign3A_408 = arith.constant 0 : i32
      %sign3A_409 = arith.cmpi slt, %jit3A_396, %sign3A_408 : i32
      %sign3A_410 = arith.extui %sign3A_409 : i1 to i32
      %sign3A_411 = arith.subi %sign3A_407, %sign3A_410 : i32
      %ne3A_412 = arith.cmpi ne, %sign3A_404, %sign3A_411 : i32
      %rem3A_413 = arith.remsi %add3A_395, %jit3A_396 : i32
      %ne3A_414 = arith.constant 0 : i32
      %ne3A_415 = arith.cmpi ne, %rem3A_413, %ne3A_414 : i32
      %and3A_416 = arith.andi %ne3A_412, %ne3A_415 : i1
      %sub3A_417 = arith.constant 1 : i32
      %sub3A_418 = arith.subi %div3A_397, %sub3A_417 : i32
      %select_n3A_419 = arith.select %and3A_416, %sub3A_418, %div3A_397 : i32
      %jit3A_420 = arith.constant 128 : i32
      %eq3A_421 = arith.constant 0 : i32
      %eq3A_422 = arith.cmpi eq, %jit3A_420, %eq3A_421 : i32
      %jit3A_423 = arith.constant 1 : i32
      %select_n3A_424 = arith.select %eq3A_422, %jit3A_423, %jit3A_420 : i32
      %rem3A_425 = arith.remsi %add3A_395, %select_n3A_424 : i32
      %ne3A_426 = arith.constant 0 : i32
      %ne3A_427 = arith.cmpi ne, %rem3A_425, %ne3A_426 : i32
      %lt3A_428 = arith.constant 0 : i32
      %lt3A_429 = arith.cmpi slt, %rem3A_425, %lt3A_428 : i32
      %lt3A_430 = arith.constant 0 : i32
      %lt3A_431 = arith.cmpi slt, %select_n3A_424, %lt3A_430 : i32
      %ne3A_432 = arith.xori %lt3A_429, %lt3A_431 : i1
      %and3A_433 = arith.andi %ne3A_432, %ne3A_427 : i1
      %add3A_434 = arith.addi %rem3A_425, %select_n3A_424 : i32
      %select_n3A_435 = arith.select %and3A_433, %add3A_434, %rem3A_425 : i32
      %dma_start3A_436 = arith.constant 1 : i32
      %dma_start3A_437 = arith.constant 0 : i32
      %dma_start3A_438 = arith.constant 0 : i32
      %dma_start3A_439 = arith.constant 0 : i32
      %dma_start3A_440 = tpu.memref_slice %arg7[%dma_start3A_436, %dma_start3A_437, %dma_start3A_438, %dma_start3A_439] : memref<2x8x8x129xf32, #tpu.memory_space<vmem>> -> memref<1x8x8x128xf32, #tpu.memory_space<vmem>>
      %dma_start3A_441 = tpu.memref_squeeze %dma_start3A_440 : memref<1x8x8x128xf32, #tpu.memory_space<vmem>> -> memref<8x8x128xf32, #tpu.memory_space<vmem>>
      %dma_start3A_442 = arith.constant 0 : i32
      %dma_start3A_443 = arith.constant 0 : i32
      %dma_start3A_444 = arith.constant 0 : i32
      %dma_start3A_445 = tpu.memref_slice %arg4[%select_n3A_419, %dma_start3A_442, %select_n3A_435, %dma_start3A_443, %dma_start3A_444] : memref<50x8x128x8x128xf32, #tpu.memory_space<hbm>> -> memref<1x8x1x8x128xf32, #tpu.memory_space<hbm>>
      %dma_start3A_446 = tpu.memref_squeeze %dma_start3A_445 : memref<1x8x1x8x128xf32, #tpu.memory_space<hbm>> -> memref<8x8x128xf32, #tpu.memory_space<hbm>>
      %dma_start3A_447 = arith.constant 0 : i32
      %dma_start3A_448 = arith.constant 0 : i32
      %dma_start3A_449 = arith.constant 0 : i32
      %dma_start3A_450 = tpu.memref_slice %arg4[%select_n3A_419, %dma_start3A_447, %select_n3A_435, %dma_start3A_448, %dma_start3A_449] : memref<50x8x128x8x128xf32, #tpu.memory_space<hbm>> -> memref<1x8x1x8x128xf32, #tpu.memory_space<hbm>>
      %dma_start3A_451 = tpu.memref_squeeze %dma_start3A_450 : memref<1x8x1x8x128xf32, #tpu.memory_space<hbm>> -> memref<8x8x128xf32, #tpu.memory_space<hbm>>
      %dma_start3A_452 = arith.constant 0 : i32
      %dma_start3A_453 = arith.constant 0 : i32
      %dma_start3A_454 = arith.constant 0 : i32
      %dma_start3A_455 = tpu.memref_slice %arg7[%dma_start3A_436, %dma_start3A_452, %dma_start3A_453, %dma_start3A_454] : memref<2x8x8x129xf32, #tpu.memory_space<vmem>> -> memref<1x8x8x128xf32, #tpu.memory_space<vmem>>
      %dma_start3A_456 = tpu.memref_squeeze %dma_start3A_455 : memref<1x8x8x128xf32, #tpu.memory_space<vmem>> -> memref<8x8x128xf32, #tpu.memory_space<vmem>>
      tpu.enqueue_dma source(%dma_start3A_456 : memref<8x8x128xf32, #tpu.memory_space<vmem>>) target(%dma_start3A_451 : memref<8x8x128xf32, #tpu.memory_space<hbm>>) target_semaphore(%arg9 : memref<!tpu.dma_semaphore, #tpu.memory_space<semaphore_mem>>)
      %add3A_457 = arith.constant 4 : i32
      %add3A_458 = arith.addi %add3A_370, %add3A_457 : i32
      %sub3A_459 = arith.constant 1 : i32
      %sub3A_460 = arith.subi %add3A_458, %sub3A_459 : i32
      %lt3A_461 = arith.constant 200 : i32
      %lt3A_462 = arith.cmpi slt, %sub3A_460, %lt3A_461 : i32
      %convert_element_type3A_463 = arith.extui %lt3A_462 : i1 to i32
      %cond3A_464 = arith.constant 0 : i32
      %cond3A_465 = arith.cmpi ne, %convert_element_type3A_463, %cond3A_464 : i32
      scf.if %cond3A_465 {
        %add3A_466 = arith.constant 4 : i32
        %add3A_467 = arith.addi %add3A_370, %add3A_466 : i32
        %sub3A_468 = arith.constant 1 : i32
        %sub3A_469 = arith.subi %add3A_467, %sub3A_468 : i32
        %mul3A_470 = arith.constant 128 : i32
        %mul3A_471 = arith.muli %sub3A_469, %mul3A_470 : i32
        %dma_start3A_472 = arith.constant 2 : i32
        %dma_start3A_473 = arith.constant 0 : i32
        %dma_start3A_474 = arith.constant 0 : i32
        %dma_start3A_475 = tpu.memref_slice %arg6[%dma_start3A_472, %dma_start3A_473, %dma_start3A_474] : memref<4x128x64xf32, #tpu.memory_space<vmem>> -> memref<1x128x64xf32, #tpu.memory_space<vmem>>
        %dma_start3A_476 = tpu.memref_squeeze %dma_start3A_475 : memref<1x128x64xf32, #tpu.memory_space<vmem>> -> memref<128x64xf32, #tpu.memory_space<vmem>>
        %dma_start3A_477 = tpu.memref_slice %arg5[%mul3A_471] : memref<25600xi32, #tpu.memory_space<vmem>> -> memref<128xi32, #tpu.memory_space<vmem>>
        %dma_start3A_478 = arith.constant 0 : i32
        %dma_start3A_479 = arith.constant 0 : i32
        %dma_start3A_480 = tpu.memref_slice %arg2[%dma_start3A_478, %dma_start3A_479] : memref<1000000x64xf32, #tpu.memory_space<hbm>> -> memref<1000000x64xf32, #tpu.memory_space<hbm>>
        tpu.enqueue_indirect_dma source(%dma_start3A_480 : memref<1000000x64xf32, #tpu.memory_space<hbm>>) target(%dma_start3A_476 : memref<128x64xf32, #tpu.memory_space<vmem>>) offsets(%dma_start3A_477 : memref<128xi32, #tpu.memory_space<vmem>>) semaphore(%arg8 : memref<!tpu.dma_semaphore, #tpu.memory_space<semaphore_mem>>)
      } else {
      }
    }
    %scan3A_38 = arith.constant 50 : i32
    %dma_wait3A = arith.constant 0 : i32
    %dma_wait3A_39 = arith.constant 0 : i32
    %dma_wait3A_40 = arith.constant 0 : i32
    %dma_wait3A_41 = arith.constant 0 : i32
    %dma_wait3A_42 = arith.constant 0 : i32
    %dma_wait3A_43 = arith.constant 0 : i32
    %dma_wait3A_44 = tpu.memref_slice %arg7[%dma_wait3A_40, %dma_wait3A_41, %dma_wait3A_42, %dma_wait3A_43] : memref<2x8x8x129xf32, #tpu.memory_space<vmem>> -> memref<1x8x8x128xf32, #tpu.memory_space<vmem>>
    %dma_wait3A_45 = tpu.memref_squeeze %dma_wait3A_44 : memref<1x8x8x128xf32, #tpu.memory_space<vmem>> -> memref<8x8x128xf32, #tpu.memory_space<vmem>>
    %dma_wait3A_46 = arith.constant 0 : i32
    %dma_wait3A_47 = arith.constant 0 : i32
    %dma_wait3A_48 = arith.constant 0 : i32
    %dma_wait3A_49 = tpu.memref_slice %arg4[%dma_wait3A, %dma_wait3A_46, %dma_wait3A_39, %dma_wait3A_47, %dma_wait3A_48] : memref<50x8x128x8x128xf32, #tpu.memory_space<hbm>> -> memref<1x8x1x8x128xf32, #tpu.memory_space<hbm>>
    %dma_wait3A_50 = tpu.memref_squeeze %dma_wait3A_49 : memref<1x8x1x8x128xf32, #tpu.memory_space<hbm>> -> memref<8x8x128xf32, #tpu.memory_space<hbm>>
    %dma_wait3A_51 = arith.constant 0 : i32
    %dma_wait3A_52 = arith.constant 0 : i32
    %dma_wait3A_53 = arith.constant 0 : i32
    %dma_wait3A_54 = tpu.memref_slice %arg7[%dma_wait3A_40, %dma_wait3A_51, %dma_wait3A_52, %dma_wait3A_53] : memref<2x8x8x129xf32, #tpu.memory_space<vmem>> -> memref<1x8x8x128xf32, #tpu.memory_space<vmem>>
    %dma_wait3A_55 = tpu.memref_squeeze %dma_wait3A_54 : memref<1x8x8x128xf32, #tpu.memory_space<vmem>> -> memref<8x8x128xf32, #tpu.memory_space<vmem>>
    %dma_wait3A_56 = arith.constant 0 : i32
    %dma_wait3A_57 = arith.constant 0 : i32
    %dma_wait3A_58 = arith.constant 0 : i32
    %dma_wait3A_59 = tpu.memref_slice %arg4[%dma_wait3A, %dma_wait3A_56, %dma_wait3A_39, %dma_wait3A_57, %dma_wait3A_58] : memref<50x8x128x8x128xf32, #tpu.memory_space<hbm>> -> memref<1x8x1x8x128xf32, #tpu.memory_space<hbm>>
    %dma_wait3A_60 = tpu.memref_squeeze %dma_wait3A_59 : memref<1x8x1x8x128xf32, #tpu.memory_space<hbm>> -> memref<8x8x128xf32, #tpu.memory_space<hbm>>
    tpu.wait_dma2 semaphore(%arg9 : memref<!tpu.dma_semaphore, #tpu.memory_space<semaphore_mem>>) src(%dma_wait3A_60 : memref<8x8x128xf32, #tpu.memory_space<hbm>>) dst(%dma_wait3A_55 : memref<8x8x128xf32, #tpu.memory_space<vmem>>)
    %dma_wait3A_61 = arith.constant 0 : i32
    %dma_wait3A_62 = arith.constant 0 : i32
    %dma_wait3A_63 = arith.constant 1 : i32
    %dma_wait3A_64 = arith.constant 0 : i32
    %dma_wait3A_65 = arith.constant 0 : i32
    %dma_wait3A_66 = arith.constant 0 : i32
    %dma_wait3A_67 = tpu.memref_slice %arg7[%dma_wait3A_63, %dma_wait3A_64, %dma_wait3A_65, %dma_wait3A_66] : memref<2x8x8x129xf32, #tpu.memory_space<vmem>> -> memref<1x8x8x128xf32, #tpu.memory_space<vmem>>
    %dma_wait3A_68 = tpu.memref_squeeze %dma_wait3A_67 : memref<1x8x8x128xf32, #tpu.memory_space<vmem>> -> memref<8x8x128xf32, #tpu.memory_space<vmem>>
    %dma_wait3A_69 = arith.constant 0 : i32
    %dma_wait3A_70 = arith.constant 0 : i32
    %dma_wait3A_71 = arith.constant 0 : i32
    %dma_wait3A_72 = tpu.memref_slice %arg4[%dma_wait3A_61, %dma_wait3A_69, %dma_wait3A_62, %dma_wait3A_70, %dma_wait3A_71] : memref<50x8x128x8x128xf32, #tpu.memory_space<hbm>> -> memref<1x8x1x8x128xf32, #tpu.memory_space<hbm>>
    %dma_wait3A_73 = tpu.memref_squeeze %dma_wait3A_72 : memref<1x8x1x8x128xf32, #tpu.memory_space<hbm>> -> memref<8x8x128xf32, #tpu.memory_space<hbm>>
    %dma_wait3A_74 = arith.constant 0 : i32
    %dma_wait3A_75 = arith.constant 0 : i32
    %dma_wait3A_76 = arith.constant 0 : i32
    %dma_wait3A_77 = tpu.memref_slice %arg7[%dma_wait3A_63, %dma_wait3A_74, %dma_wait3A_75, %dma_wait3A_76] : memref<2x8x8x129xf32, #tpu.memory_space<vmem>> -> memref<1x8x8x128xf32, #tpu.memory_space<vmem>>
    %dma_wait3A_78 = tpu.memref_squeeze %dma_wait3A_77 : memref<1x8x8x128xf32, #tpu.memory_space<vmem>> -> memref<8x8x128xf32, #tpu.memory_space<vmem>>
    %dma_wait3A_79 = arith.constant 0 : i32
    %dma_wait3A_80 = arith.constant 0 : i32
    %dma_wait3A_81 = arith.constant 0 : i32
    %dma_wait3A_82 = tpu.memref_slice %arg4[%dma_wait3A_61, %dma_wait3A_79, %dma_wait3A_62, %dma_wait3A_80, %dma_wait3A_81] : memref<50x8x128x8x128xf32, #tpu.memory_space<hbm>> -> memref<1x8x1x8x128xf32, #tpu.memory_space<hbm>>
    %dma_wait3A_83 = tpu.memref_squeeze %dma_wait3A_82 : memref<1x8x1x8x128xf32, #tpu.memory_space<hbm>> -> memref<8x8x128xf32, #tpu.memory_space<hbm>>
    tpu.wait_dma2 semaphore(%arg9 : memref<!tpu.dma_semaphore, #tpu.memory_space<semaphore_mem>>) src(%dma_wait3A_83 : memref<8x8x128xf32, #tpu.memory_space<hbm>>) dst(%dma_wait3A_78 : memref<8x8x128xf32, #tpu.memory_space<vmem>>)
    return
  }
}

</mosaic_0001>

<sc_bundles>
// kernel: kernel.3.cloned.1.call-start
scs
__scs_entry_jumppad:
0x0: {  	(pc) =	sbr.rel $0x88, $3  }
0x1: {  	(tag) =	ssettag $0x0;
	lr =	simm.s32 $0x1  }
0x2: {  	[smem:$0x3F9F] =	sst lr;
	_ =	strace $0xD0000000  }
0x3: {  	_ = 	snop  }
0x4: {  	_ = 	snop  }
0x5: {  	_ = 	snop  }
0x6: {  	_ = 	snop  }
0x7: {  	_ = 	snop  }
__scs_overlays_trampoline_lowered:
0x8: {  	[smem:$0x3FAE] =	sst s0  }
0x9: {  	[smem:$0x3FAF] =	sst s1  }
0xa: {  	[smem:$0x3FB0] =	sst s2  }
0xb: {  	[smem:$0x3FB1] =	sst s3  }
0xc: {  	[smem:$0x3FB2] =	sst s4  }
0xd: {  	[smem:$0x3FB3] =	sst s5  }
0xe: {  	[smem:$0x3FB4] =	sst s6  }
0xf: {  	[smem:$0x3FB5] =	sst s7  }
0x10: {  	[smem:$0x3FB6] =	sst s8  }
0x11: {  	[smem:$0x3FB7] =	sst s9;
	s0 =	simm.s32 @!p0 $0x0  }
0x12: {  	s1 =	sld [smem:$0x3F9D];
	s0 =	simm.s32 @p0 $0x1  }
0x13: {  	[smem:$0x3FB8] =	sst s0;
	s0 =	simm.s32 @!p1 $0x0  }
0x14: {  	s2 =	sld [smem:$0x3F9C];
	s0 =	simm.s32 @p1 $0x1  }
0x15: {  	[smem:$0x3FB9] =	sst s0;
	s0 =	simm.s32 @!p2 $0x0  }
0x16: {  	s3 =	sld [smem:$0x3FDB];
	s0 =	simm.s32 @p2 $0x1  }
0x17: {  	s4 =	simm.s32 $0x1BF5;
	[smem:$0x3FBB] =	sst s0  }
0x18: {  	s0 =	sld [smem:$0x3F9E];
	_ =	swait.ge [sflag:s4], $0x0  }
0x19: {  	s7 =	sld [smem:$0x3F9F]  }
0x1a: {  	s8 =	sadd.s32 $0xFFFFE003, lr  }
0x1b: {  	s9 =	sadd.s32 $0xFFFFFEF7, lr;
	s5 =	simm.s32 $0xFFFFFFFF;
	p2 =	slt.u32 s8, $0xFFFFF086  }
0x1c: {  	p1 =	slt.u32 s9, $0xF7A;
	s5 =	simm.s32 @!p2 $0x0  }
0x1d: {  	s5 =	simm.s32 @p1 $0x1;
	p0 =	seq.s32 s7, s2  }
0x1e: {  	s7 =	smul.u32 @!p0 $0xF7A, s2;
	p2 =	seq.s32 @!p0 s5, $0x0  }
0x1f: {  	s9 =	smul.u32 $0xF7A, s1;
	s8 =	simm.s32 @!p0 $0x1BF5;
	p2 =	por !p2, p0  }
0x20: {  	[sflag:s8] =	ssyncset.s32 @!p0 $0xFFFFF086;
	s6 =	sadd.s32 @!p0 s3, s7;
	s7 =	simm.s32 @!p0 $0x108  }
0x21: {  	s3 =	sadd.s32 s3, s9;
	s6 =	sadd.s32 @!p0 $0x88, s6;
	s7 =	simm.s32 @p2 $0x1082  }
0x22: {  	[simem:s7], [sflag:s8] =	dma.local @!p0 [hbm:s6], $0xF7A  }
0x23: {  	s9 =	sor.u32 $0xD0000000, s2;
	s6 =	simm.s32 $0x108;
	_ =	swait.ge @!p0 [sflag:s8], $0x0  }
0x24: {  	s3 =	sadd.s32 $0x88, s3;
	s6 =	simm.s32 @!p1 $0x1082;
	[sflag:s4] =	ssyncset.s32 $0xFFFFF086  }
0x25: {  	[simem:s6], [sflag:s4] =	dma.local [hbm:s3], $0xF7A  }
0x26: {  	[smem:$0x3F9F] =	sst s1;
	(tag) =	ssettag s2;
	_ =	strace s9  }
0x27: {  	s1 =	sld [smem:$0x3FAF]  }
0x28: {  	s2 =	sld [smem:$0x3FB0]  }
0x29: {  	s4 =	sld [smem:$0x3FB2]  }
0x2a: {  	p0 =	seq.s32 s5, $0x0;
	s5 =	sld [smem:$0x3FB3]  }
0x2b: {  	s6 =	sld [smem:$0x3FB4]  }
0x2c: {  	s7 =	sld [smem:$0x3FB5]  }
0x2d: {  	s3 =	simm.s32 $0x108;
	s8 =	sld [smem:$0x3FB6]  }
0x2e: {  	s3 =	simm.s32 @!p0 $0x1082;
	s9 =	sld [smem:$0x3FB7]  }
0x2f: {  	lr =	sadd.s32 s0, s3;
	s0 =	sld [smem:$0x3FAE]  }
0x30: {  	s3 =	sld [smem:$0x3FB1]  }
0x31: {  	[smem:$0x3FBA] =	sst s10  }
0x32: {  	s10 =	sld [smem:$0x3FB8];
	_ =	sdelay $0x3  }
0x33: {  	p0 =	seq.s32 s10, $0x1;
	s10 =	sld [smem:$0x3FBA];
	_ =	sdelay $0x3  }
0x34: {  	[smem:$0x3FBA] =	sst s10  }
0x35: {  	s10 =	sld [smem:$0x3FB9];
	_ =	sdelay $0x3  }
0x36: {  	p1 =	seq.s32 s10, $0x1;
	s10 =	sld [smem:$0x3FBA];
	_ =	sdelay $0x3  }
0x37: {  	[smem:$0x3FBA] =	sst s10  }
0x38: {  	s10 =	sld [smem:$0x3FBB]  }
0x39: {  	_ = 	snop;
	(pc) =	sbr.ind lr, $3  }
0x3a: {  	_ = 	snop  }
0x3b: {  	_ = 	snop  }
0x3c: {  	p2 =	seq.s32 s10, $0x1;
	s10 =	sld [smem:$0x3FBA]  }
0x3d: {  	_ =	shalt  }
0x3e: {  	_ =	shalt  }
0x3f: {  	_ =	shalt  }
0x40: {  	_ =	shalt  }
0x41: {  	_ =	shalt  }
0x42: {  	_ =	shalt  }
0x43: {  	_ =	shalt  }
0x44: {  	_ =	shalt  }
0x45: {  	_ =	shalt  }
0x46: {  	_ =	shalt  }
0x47: {  	_ =	shalt  }
0x48: {  	_ =	shalt  }
0x49: {  	_ =	shalt  }
0x4a: {  	_ =	shalt  }
0x4b: {  	_ =	shalt  }
0x4c: {  	_ =	shalt  }
0x4d: {  	_ =	shalt  }
0x4e: {  	_ =	shalt  }
0x4f: {  	_ =	shalt  }
0x50: {  	_ =	shalt  }
0x51: {  	_ =	shalt  }
0x52: {  	_ =	shalt  }
0x53: {  	_ =	shalt  }
0x54: {  	_ =	shalt  }
0x55: {  	_ =	shalt  }
0x56: {  	_ =	shalt  }
0x57: {  	_ =	shalt  }
0x58: {  	_ =	shalt  }
0x59: {  	_ =	shalt  }
0x5a: {  	_ =	shalt  }
0x5b: {  	_ =	shalt  }
0x5c: {  	_ =	shalt  }
0x5d: {  	_ =	shalt  }
0x5e: {  	_ =	shalt  }
0x5f: {  	_ =	shalt  }
0x60: {  	_ =	shalt  }
0x61: {  	_ =	shalt  }
0x62: {  	_ =	shalt  }
0x63: {  	_ =	shalt  }
0x64: {  	_ =	shalt  }
0x65: {  	_ =	shalt  }
0x66: {  	_ =	shalt  }
0x67: {  	_ =	shalt  }
0x68: {  	_ =	shalt  }
0x69: {  	_ =	shalt  }
0x6a: {  	_ =	shalt  }
0x6b: {  	_ =	shalt  }
0x6c: {  	_ =	shalt  }
0x6d: {  	_ =	shalt  }
0x6e: {  	_ =	shalt  }
0x6f: {  	_ =	shalt  }
0x70: {  	_ =	shalt  }
0x71: {  	_ =	shalt  }
0x72: {  	_ =	shalt  }
0x73: {  	_ =	shalt  }
0x74: {  	_ =	shalt  }
0x75: {  	_ =	shalt  }
0x76: {  	_ =	shalt  }
0x77: {  	_ =	shalt  }
0x78: {  	_ =	shalt  }
0x79: {  	_ =	shalt  }
0x7a: {  	_ =	shalt  }
0x7b: {  	_ =	shalt  }
0x7c: {  	_ =	shalt  }
0x7d: {  	_ =	shalt  }
0x7e: {  	_ =	shalt  }
0x7f: {  	_ =	shalt  }
0x80: {  	_ =	shalt  }
0x81: {  	_ =	shalt  }
0x82: {  	_ =	shalt  }
0x83: {  	_ =	shalt  }
0x84: {  	_ =	shalt  }
0x85: {  	_ =	shalt  }
0x86: {  	_ =	shalt  }
0x87: {  	_ =	shalt  }
.Lfunc_end0:
.L_simem_size_0:
called_computation_lowered:
.L_overlay_start_0:
0x88: {  	s2 =	sld [smem:$0x3FD9]  }
0x89: {  	s3 =	sld [smem:$0x3FFE];
	_ =	sdelay $0x1  }
0x8a: {  	s1 =	srdreg.scid  }
0x8b: {  	s0 =	sand.u32 $0x1, s1  }
0x8c: {  	s17 =	sshll.u32 s0, $0xA;
	s2 =	sadd.s32 s3, s2  }
0x8d: {  	s2 =	sadd.s32 s2, s17  }
0x8e: {  	[smem:$0x3FC6] =	sst s2  }
0x8f: {  	_ = 	snop  }
0x90: {  	s2 =	sld [smem:$0x3FD0];
	(tm) =	ssettm $0x1  }
0x91: {  	s18 =	sld [smem:$0x3FFB];
	_ =	sdelay $0x3  }
0x92: {  	_ =	strace s18  }
0x93: {  	s3 =	sld [smem:$0x3FFC];
	_ =	sdelay $0x3  }
0x94: {  	_ =	strace s3  }
0x95: {  	s3 =	sld [smem:$0x3FFD];
	_ =	sdelay $0x3  }
0x96: {  	_ =	strace s3  }
0x97: {  	_ =	strace $0x8FFFFFFF  }
0x98: {  	s19 =	sld [smem:$0x3FDB];
	_ =	sdelay $0x1  }
0x99: {  	s4 =	simm.s32 $_scs_section_size  }
0x9a: {  	s5 =	simm.s32 $_size__tile_overlayer_lowered;
	s6 =	simm.s32 $_tile_overlayer_lowered  }
0x9b: {  	s22 =	simm.s32 $0x1BFF;
	s21 =	sshll.u32 s6, $0x1;
	s3 =	sadd.s32 s4, s19  }
0x9c: {  	s7 =	simm.s32 $0x0;
	s20 =	sshll.u32 s5, $0x1;
	s5 =	sadd.s32 s21, s3  }
0x9d: {  	[timem:s7], [sflag:s22] =	dma.local [hbm:s5], s20  }
0x9e: {  	_ =	swait.ge [sflag:s22], s20  }
0x9f: {  	s4 =	ssub.s32 $0x0, s20;
	[sflag:s22] =	ssyncset.done $0x0  }
0xa0: {  	[sflag:s22] =	ssyncadd.s32 s4;
	_ =	sdelay $0x1  }
0xa1: {  	s23 =	simm.s32 $0x1B8B  }
0xa2: {  	_ =	swait.ge [sflag:s23], $0x1  }
0xa3: {  	[sflag:s23] =	ssyncset.done $0x0  }
0xa4: {  	s25 =	simm.s32 $0x1B8E;
	s24 =	sld [smem:$0x3FFE];
	[sflag:s23] =	ssyncadd.s32 $0xFFFFFFFF  }
0xa5: {  	s26 =	simm.s32 $execute0_lowered;
	[smem:$0x3FD2] =	sst s25  }
0xa6: {  	s5 =	sshll.u32 s26, $0x1;
	_ =	strace $0x80000046;
	[dreg:$0x1] =	wrdreg $0xFFFFFFFF  }
0xa7: {  	s28 =	simm.s32 $_size_execute0_lowered;
	s3 =	sadd.s32 s3, s5;
	[dreg:$0x0] =	wrdreg $0x0  }
0xa8: {  	s5 =	sshll.u32 s28, $0x1;
	[dreg:$0x2] =	wrdreg s3  }
0xa9: {  	[dreg:$0x3] =	wrdreg s5  }
0xaa: {  	[dreg:$0x4] =	wrdreg $0xC0  }
0xab: {  	_ =	task [dreg:s7], $0x5FFFF  }
0xac: {  	[dreg:$0x1] =	wrdreg $0xFFFFFFFF  }
0xad: {  	[dreg:$0x0] =	wrdreg $0x60  }
0xae: {  	[dreg:$0x2] =	wrdreg s24  }
0xaf: {  	[dreg:$0x3] =	wrdreg s2  }
0xb0: {  	[dreg:$0x4] =	wrdreg $0x9  }
0xb1: {  	_ =	task.clear_ibuf [dreg:s7], $0x5FFFF;
	_ =	strace $0x90000046  }
0xb2: {  	s29 =	simm.s32 $0x9;
	_ =	strace $0x80000048  }
0xb3: {  	_ =	swait.ge [sflag:s29], $0x1  }
0xb4: {  	[sflag:s29] =	ssyncadd.s32 $0xFFFFFFFF  }
0xb5: {  	_ =	strace $0x90000048  }
0xb6: {  	_ =	sfence  }
0xb7: {  	s30 =	sld [smem:$0x0];
	_ =	sdelay $0x2  }
0xb8: {  	s31 =	sshll.u32 s1, $0xD;
	s1 =	sshrl.u32 s1, $0x2  }
0xb9: {  	s3 =	sand.u32 $0x4000, s31;
	s1 =	sadd.s32 s1, s30  }
0xba: {  	s0 =	sor.u32 s3, s0;
	s1 =	sshll.u32 s1, $0x11  }
0xbb: {  	s0 =	sor.u32 s1, s0  }
0xbc: {  	s0 =	sadd.s32 $0x8F2B, s0  }
0xbd: {  	[sflag:s0] =	ssyncadd.remote.s32 $0x1  }
0xbe: {  	_ =	sfence.sel $0xFFFF  }
0xbf: {  	[dreg:$0x0] =	wrdreg $0xFFFFFFFF;
	(pc) =	sbr.abs _section_cstart, $3  }
0xc0: {  	[dreg:$0x1] =	wrdreg $0xFFFFFFFF  }
0xc1: {  	_ =	task.clear_ibuf [dreg:s7], $0x2FFFF;
	_ =	strace $0x9FFFFFFF  }
0xc2: {  	(tm) =	ssettm $0x7FFFFFFF  }
0xc3: {  	_ =	shalt  }
tec
execute0_lowered:
.L_overlay_start_1:
0x0: {  	(tag) =	ssettag $0x1  }
0x1: {  	v0 =	vlaneseq.u32  }
0x2: {  	v0 =	vmul.u32 $0x88, v0  }
0x3: {  	s5 =	rddreg [dreg:$0x0];
	v1 =	vimm.s32 $0x0;
	vm0 =	vcmask $0x300  }
0x4: {  	s1 =	srdreg.scid;
	s0 =	stileid.u32;
	v1 =	vsel vm0, $0x3, v1;
	v2 =	vadd.s32 $0x880, v0  }
0x5: {  	s2 =	rddreg [dreg:$0x1];
	s3 =	simm.s32 $0x0;
	s10 =	simm.s32 $0x6400;
	v3 =	vadd.s32 $0x1100, v0;
	v4 =	vadd.s32 $0x1980, v0;
	v5 =	vor.u32 $0x1, v0  }
0x6: {  	s11 =	simm.s32 $0x8400;
	s12 =	simm.s32 $0x100;
	s13 =	simm.s32 $0xA400;
	v6 =	vadd.s32 $0x881, v0;
	v7 =	vadd.s32 $0x1101, v0;
	v8 =	vadd.s32 $0x1981, v0  }
0x7: {  	s14 =	simm.s32 $0x1;
	s15 =	simm.s32 $0xE400;
	s16 =	simm.s32 $0xC400;
	v9 =	vor.u32 $0x2, v0;
	v10 =	vadd.s32 $0x882, v0;
	v11 =	vadd.s32 $0x1102, v0  }
0x8: {  	s17 =	simm.s32 $0x10600;
	s18 =	simm.s32 $0x2;
	s19 =	simm.s32 $0x0;
	v12 =	vadd.s32 $0x1982, v0;
	v13 =	vor.u32 $0x3, v0;
	v14 =	vadd.s32 $0x883, v0  }
0x9: {  	s4 =	sand.u32 $0x1, s1;
	s6 =	sshll.u32 s0, $0x1;
	s1 =	rddreg [dreg:$0x2];
	v15 =	vadd.s32 $0x1103, v0;
	v16 =	vadd.s32 $0x1983, v0;
	v17 =	vor.u32 $0x4, v0  }
.Ltmp0:
0xa: {  	[smem:$0x7FF] =	sst s3;
	s6 =	sor.u32 s4, s6;
	v18 =	vadd.s32 $0x884, v0;
	v19 =	vadd.s32 $0x1104, v0;
	v20 =	vadd.s32 $0x1984, v0;
	(pc) =	sbr.rel .LBB2_1-.Ltmp0, $4  }
0xb: {  	s8 =	ssub.s32 $0x2, s4;
	_ =	strace $0x80000047;
	s7 =	smul.u32 $0xC80, s6;
	v21 =	vor.u32 $0x5, v0;
	v22 =	vadd.s32 $0x885, v0;
	v23 =	vadd.s32 $0x1105, v0  }
0xc: {  	s4 =	sadd.s32 $0xF42A00, s5;
	s9 =	sshrl.u32 s8, $0x1;
	s6 =	smul.u32 $0xC8, s6;
	v24 =	vadd.s32 $0x1985, v0;
	v25 =	vor.u32 $0x6, v0;
	v26 =	vadd.s32 $0x886, v0  }
0xd: {  	v27 =	vadd.s32 $0x1106, v0;
	v28 =	vadd.s32 $0x1986, v0;
	v29 =	vor.u32 $0x7, v0;
	s31 =	ssub.s32 s8, s9;
	s8 =	simm.s32 $0x3;
	s5 =	sadd.s32 s7, s5  }
0xe: {  	v30 =	vadd.s32 $0x887, v0;
	v31 =	vadd.s32 $0x1107, v0;
	v32 =	vadd.s32 $0x1987, v0;
	s9 =	simm.s32 $0x80;
	s7 =	smax.u32 s31, $0x1;
	s5 =	sadd.s32 $0x600, s5  }
.LBB2_20:
0xf: {  	s19 =	sadd.s32 $0x1, s19  }
0x10: {  	_ =	swait.ge [sflag:s18], $0x2000;
	p0 =	sne.s32 s19, s7  }
.Ltmp1:
0x11: {  	[sflag:s18] =	ssyncset.done $0x0;
	(pc) =	sbr.rel @!p0 .LBB2_21-.Ltmp1, $4  }
0x12: {  	[sflag:s18] =	ssyncadd.s32 $0xFFFFE000  }
0x13: {  	_ =	swait.ge [sflag:s18], $0x2000  }
0x14: {  	[sflag:s18] =	ssyncset.done $0x0  }
0x15: {  	[sflag:s18] =	ssyncadd.s32 $0xFFFFE000  }
.LBB2_1:
0x16: {  	[tilespmem:s3], [sflag:$0x3] =	stream.linear.gather [hbm4b:s5+s3], $0x6400, $0x38;
	[tilespmem:$0x12800] =	vst v63  }
0x17: {  	_ =	swait.ge [sflag:s8], $0x6400  }
0x18: {  	[sflag:s8] =	ssyncset.done $0x0  }
0x19: {  	[sflag:s8] =	ssyncadd.s32 $0xFFFF9C00  }
0x1a: {  	[tilespmem:s10], [sflag:$0x1] =	stream.indirect.gather [hbm4b:s4+s9], $0x40, s3, s9, $0xb8;
	[tilespmem:$0x12800] =	vst v63  }
0x1b: {  	_ = 	snop  }
0x1c: {  	[tilespmem:s11], [sflag:$0x1] =	stream.indirect.gather [hbm4b:s4+s9], $0x40, s9, s9, $0xb8;
	[tilespmem:$0x12800] =	vst v63  }
0x1d: {  	s20 =	simm.s32 $0x0  }
0x1e: {  	[tilespmem:s13], [sflag:$0x1] =	stream.indirect.gather [hbm4b:s4+s9], $0x40, s12, s9, $0xb8;
	[tilespmem:$0x12800] =	vst v63  }
.LBB2_2:
0x1f: {  	s21 =	simm.s32 $0x0;
	s28 =	simm.s32 $0x1;
	s22 =	simm.s32 $0x2  }
0x20: {  	s29 =	simm.s32 $0x3;
	s30 =	simm.s32 $0x4;
	s23 =	simm.s32 $0x7;
	v33 =	vmov s21;
	v34 =	vmov s28;
	v35 =	vmov s22  }
0x21: {  	_ =	swait.ge [sflag:s14], $0x2000;
	s31 =	simm.s32 $0x5;
	v36 =	vmov s29;
	v37 =	vmov s30;
	v38 =	vmov s23  }
0x22: {  	p0 =	seq.s32 s20, $0x0;
	[sflag:s14] =	ssyncset.done $0x0;
	v39 =	vmov s31;
	s23 =	simm.s32 $0x6;
	v33 =	vshrl.u32 v33, $0x3;
	v38 =	vshrl.u32 v38, $0x3  }
0x23: {  	s22 =	simm.s32 @!p0 $0x2;
	[sflag:s14] =	ssyncadd.s32 $0xFFFFE000;
	v40 =	vmov s23;
	v34 =	vshrl.u32 v34, $0x3;
	v35 =	vshrl.u32 v35, $0x3  }
0x24: {  	v36 =	vshrl.u32 v36, $0x3;
	v37 =	vshrl.u32 v37, $0x3;
	_ =	swait.ge @!p0 [sflag:s22], $0x2000;
	v38 =	vshll.u32 v38, v1  }
0x25: {  	v55 =	vshrl.u32 v39, $0x3;
	v33 =	vshll.u32 v33, v1;
	[sflag:s22] =	ssyncset.done @!p0 $0x0;
	v38 =	vbroadcast v38, $0x0  }
0x26: {  	s21 =	simm.s32 $0x6500;
	v34 =	vshll.u32 v34, v1;
	v51 =	vshll.u32 v35, v1;
	v33 =	vbroadcast v33, $0x0;
	[sflag:s22] =	ssyncadd.s32 @!p0 $0xFFFFE000  }
0x27: {  	v52 =	vshll.u32 v36, v1;
	v47 =	vbroadcast v34, $0x0;
	v41 =	vld [tilespmem:s21+$0xC0];
	v42 =	vadd.s32 v29, v38  }
0x28: {  	v54 =	vshll.u32 v37, v1;
	v53 =	vbroadcast v51, $0x0;
	v43 =	vld [tilespmem:s21+$0xFFFFFF00];
	v44 =	vadd.s32 v0, v33  }
0x29: {  	v36 =	vshll.u32 v55, v1;
	v35 =	vbroadcast v52, $0x0;
	v45 =	vld [tilespmem:s21+$0xFFFFFF40];
	v46 =	vadd.s32 v5, v47  }
0x2a: {  	v40 =	vshrl.u32 v40, $0x3;
	v34 =	vbroadcast v54, $0x0;
	v48 =	vld [tilespmem:s21+$0xFFFFFF80];
	v49 =	vadd.s32 v9, v53  }
0x2b: {  	v37 =	vbroadcast v36, $0x0;
	v56 =	vshll.u32 v40, v1;
	v39 =	vld [tilespmem:s21+$0xFFFFFFC0];
	v50 =	vadd.s32 v13, v35  }
0x2c: {  	v36 =	vbroadcast v56, $0x0;
	v51 =	vld [tilespmem:s21+$0x0];
	v52 =	vadd.s32 v17, v34;
	[tilespmem:v42+s15+$0x0] =	vst.idx.msk $0xffff, v41  }
0x2d: {  	v59 =	vld [tilespmem:s21+$0x40];
	v60 =	vadd.s32 v21, v37;
	[tilespmem:v44+s15+$0x0] =	vst.idx.msk $0xffff, v43  }
0x2e: {  	v61 =	vld [tilespmem:s21+$0x80];
	v62 =	vadd.s32 v25, v36;
	[tilespmem:v46+s15+$0x0] =	vst.idx.msk $0xffff, v45  }
0x2f: {  	v58 =	vadd.s32 v30, v38;
	[tilespmem:v49+s15+$0x0] =	vst.idx.msk $0xffff, v48;
	v57 =	vld [tilespmem:s21+$0xD0]  }
0x30: {  	v63 =	vadd.s32 v6, v47;
	[tilespmem:v50+s15+$0x0] =	vst.idx.msk $0xffff, v39;
	v46 =	vld [tilespmem:s21+$0xFFFFFF50]  }
0x31: {  	v55 =	vadd.s32 v10, v53;
	[tilespmem:v52+s15+$0x0] =	vst.idx.msk $0xffff, v51;
	v54 =	vld [tilespmem:s21+$0xFFFFFF90]  }
0x32: {  	v56 =	vadd.s32 v14, v35;
	[tilespmem:v60+s15+$0x0] =	vst.idx.msk $0xffff, v59;
	v50 =	vld [tilespmem:s21+$0xFFFFFFD0]  }
0x33: {  	v45 =	vadd.s32 v22, v37;
	[tilespmem:v62+s15+$0x0] =	vst.idx.msk $0xffff, v61;
	v44 =	vld [tilespmem:s21+$0x50]  }
0x34: {  	v59 =	vadd.s32 v18, v34;
	[tilespmem:v58+s15+$0x0] =	vst.idx.msk $0xffff, v57;
	v58 =	vld [tilespmem:s21+$0x10]  }
0x35: {  	v57 =	vadd.s32 v31, v38;
	[tilespmem:v63+s15+$0x0] =	vst.idx.msk $0xffff, v46;
	v40 =	vld [tilespmem:s21+$0xE0]  }
0x36: {  	v60 =	vadd.s32 v26, v36;
	[tilespmem:v55+s15+$0x0] =	vst.idx.msk $0xffff, v54;
	v63 =	vld [tilespmem:s21+$0x90]  }
0x37: {  	v61 =	vld [tilespmem:s21+$0xFFFFFF10];
	v62 =	vadd.s32 v2, v33;
	[tilespmem:v56+s15+$0x0] =	vst.idx.msk $0xffff, v50  }
0x38: {  	v51 =	vadd.s32 v7, v47;
	[tilespmem:v45+s15+$0x0] =	vst.idx.msk $0xffff, v44;
	v50 =	vld [tilespmem:s21+$0xFFFFFF60]  }
0x39: {  	v56 =	vadd.s32 v11, v53;
	v55 =	vld [tilespmem:s21+$0xFFFFFFA0];
	[tilespmem:v59+s15+$0x0] =	vst.idx.msk $0xffff, v58  }
0x3a: {  	v58 =	vadd.s32 v15, v35;
	[tilespmem:v57+s15+$0x0] =	vst.idx.msk $0xffff, v40;
	v57 =	vld [tilespmem:s21+$0xFFFFFFE0]  }
0x3b: {  	[tilespmem:v60+s15+$0x0] =	vst.idx.msk $0xffff, v63;
	v60 =	vadd.s32 v19, v34;
	v59 =	vld [tilespmem:s21+$0x20]  }
0x3c: {  	s25 =	simm.s32 $0x9;
	v38 =	vadd.s32 v32, v38;
	[tilespmem:v62+s15+$0x0] =	vst.idx.msk $0xffff, v61;
	v54 =	vld [tilespmem:s21+$0xF0]  }
0x3d: {  	s24 =	simm.s32 $0x8;
	v41 =	vadd.s32 v23, v37;
	v52 =	vmov s25;
	[tilespmem:v51+s15+$0x0] =	vst.idx.msk $0xffff, v50;
	v40 =	vld [tilespmem:s21+$0x60]  }
0x3e: {  	s28 =	simm.s32 $0xB;
	s29 =	simm.s32 $0xC;
	v43 =	vadd.s32 v27, v36;
	v48 =	vadd.s32 v3, v33;
	v63 =	vmov s24;
	v42 =	vld [tilespmem:s21+$0xA0];
	[tilespmem:v56+s15+$0x0] =	vst.idx.msk $0xffff, v55  }
0x3f: {  	s31 =	simm.s32 $0xE;
	v44 =	vmov s28;
	v46 =	vmov s29;
	v45 =	vld [tilespmem:s21+$0xFFFFFF20];
	v39 =	vshrl.u32 v63, $0x3;
	[tilespmem:v58+s15+$0x0] =	vst.idx.msk $0xffff, v57  }
0x40: {  	s26 =	simm.s32 $0xA;
	s30 =	simm.s32 $0xD;
	v51 =	vadd.s32 v8, v47;
	v49 =	vld [tilespmem:s21+$0xFFFFFF70];
	v47 =	vshll.u32 v39, v1;
	v39 =	vmov s31;
	[tilespmem:v60+s15+$0x0] =	vst.idx.msk $0xffff, v59  }
0x41: {  	s23 =	simm.s32 $0x10;
	s22 =	sshll.u32 s20, $0x2;
	v53 =	vadd.s32 v12, v53;
	s24 =	simm.s32 $0xF;
	v50 =	vld [tilespmem:s21+$0xFFFFFFB0];
	[tilespmem:v38+s15+$0x0] =	vst.idx.msk $0xffff, v54;
	v54 =	vmov s26;
	v38 =	vmov s30  }
.LBB2_3:
0x42: {  	p1 =	slt.u32 s23, $0x78;
	v52 =	vshrl.u32 v52, $0x3;
	v55 =	vmov s24;
	v56 =	vld [tilespmem:s21+$0xFFFFFFF0];
	v35 =	vadd.s32 v16, v35;
	[tilespmem:v41+s15+$0x0] =	vst.idx.msk $0xffff, v40  }
0x43: {  	v40 =	vshrl.u32 v54, $0x3;
	v34 =	vadd.s32 v20, v34;
	v41 =	vshrl.u32 v55, $0x3;
	v54 =	vld [tilespmem:s21+$0x30];
	[tilespmem:v43+s15+$0x0] =	vst.idx.msk $0xffff, v42  }
0x44: {  	v37 =	vadd.s32 v24, v37;
	v42 =	vshrl.u32 v44, $0x3;
	v41 =	vshll.u32 v41, v1;
	[tilespmem:v48+s15+$0x0] =	vst.idx.msk $0xffff, v45;
	v43 =	vld [tilespmem:s21+$0x70]  }
0x45: {  	v36 =	vadd.s32 v28, v36;
	v44 =	vshrl.u32 v46, $0x3;
	v41 =	vbroadcast v41, $0x0;
	[tilespmem:v51+s15+$0x0] =	vst.idx.msk $0xffff, v49;
	v45 =	vld [tilespmem:s21+$0xB0]  }
0x46: {  	v46 =	vshll.u32 v52, v1;
	v49 =	vadd.s32 v4, v33;
	v33 =	vbroadcast v47, $0x0;
	v48 =	vld [tilespmem:s21+$0xFFFFFF30];
	[tilespmem:v53+s15+$0x0] =	vst.idx.msk $0xffff, v50;
	s21 =	sadd.s32 $0x200, s21  }
0x47: {  	v40 =	vshll.u32 v40, v1;
	v47 =	vbroadcast v46, $0x0;
	v46 =	vld [tilespmem:s21+$0xC0];
	v50 =	vadd.s32 v29, v41;
	[tilespmem:v35+s15+$0x0] =	vst.idx.msk $0xffff, v56  }
0x48: {  	v53 =	vbroadcast v40, $0x0;
	v52 =	vadd.s32 v0, v33;
	v35 =	vshll.u32 v42, v1;
	v51 =	vld [tilespmem:s21+$0xFFFFFF00];
	[tilespmem:v34+s15+$0x0] =	vst.idx.msk $0xffff, v54  }
0x49: {  	v42 =	vadd.s32 v5, v47;
	v35 =	vbroadcast v35, $0x0;
	v34 =	vshll.u32 v44, v1;
	v40 =	vld [tilespmem:s21+$0xFFFFFF40];
	[tilespmem:v37+s15+$0x0] =	vst.idx.msk $0xffff, v43  }
0x4a: {  	v44 =	vadd.s32 v9, v53;
	v34 =	vbroadcast v34, $0x0;
	v37 =	vshrl.u32 v38, $0x3;
	v43 =	vld [tilespmem:s21+$0xFFFFFF80];
	[tilespmem:v36+s15+$0x0] =	vst.idx.msk $0xffff, v45  }
0x4b: {  	v39 =	vshrl.u32 v39, $0x3;
	v45 =	vadd.s32 v13, v35;
	v36 =	vshll.u32 v37, v1;
	v38 =	vld [tilespmem:s21+$0xFFFFFFC0];
	[tilespmem:v49+s15+$0x0] =	vst.idx.msk $0xffff, v48  }
0x4c: {  	v49 =	vadd.s32 v17, v34;
	v37 =	vbroadcast v36, $0x0;
	v36 =	vshll.u32 v39, v1;
	v48 =	vld [tilespmem:s21+$0x0];
	[tilespmem:v50+s15+$0x0] =	vst.idx.msk $0xffff, v46  }
0x4d: {  	v36 =	vbroadcast v36, $0x0;
	v46 =	vadd.s32 v30, v41;
	[tilespmem:v52+s15+$0x0] =	vst.idx.msk $0xffff, v51;
	v39 =	vld [tilespmem:s21+$0xD0]  }
0x4e: {  	[tilespmem:v42+s15+$0x0] =	vst.idx.msk $0xffff, v40;
	v40 =	vld [tilespmem:s21+$0x40];
	v42 =	vadd.s32 v21, v37  }
0x4f: {  	[tilespmem:v44+s15+$0x0] =	vst.idx.msk $0xffff, v43;
	v43 =	vld [tilespmem:s21+$0x80];
	v44 =	vadd.s32 v25, v36  }
0x50: {  	v51 =	vadd.s32 v6, v47;
	v50 =	vld [tilespmem:s21+$0xFFFFFF50];
	[tilespmem:v45+s15+$0x0] =	vst.idx.msk $0xffff, v38  }
0x51: {  	v45 =	vadd.s32 v10, v53;
	v38 =	vld [tilespmem:s21+$0xFFFFFF90];
	[tilespmem:v49+s15+$0x0] =	vst.idx.msk $0xffff, v48  }
0x52: {  	v49 =	vadd.s32 v14, v35;
	v48 =	vld [tilespmem:s21+$0xFFFFFFD0];
	[tilespmem:v46+s15+$0x0] =	vst.idx.msk $0xffff, v39  }
0x53: {  	[tilespmem:v42+s15+$0x0] =	vst.idx.msk $0xffff, v40;
	v39 =	vld [tilespmem:s21+$0xE0];
	v40 =	vadd.s32 v31, v41  }
0x54: {  	v46 =	vadd.s32 v18, v34;
	v42 =	vld [tilespmem:s21+$0x10];
	[tilespmem:v44+s15+$0x0] =	vst.idx.msk $0xffff, v43  }
0x55: {  	v44 =	vadd.s32 v22, v37;
	[tilespmem:v51+s15+$0x0] =	vst.idx.msk $0xffff, v50;
	v43 =	vld [tilespmem:s21+$0x50]  }
0x56: {  	[tilespmem:v45+s15+$0x0] =	vst.idx.msk $0xffff, v38;
	v38 =	vld [tilespmem:s21+$0x90];
	v45 =	vadd.s32 v26, v36  }
0x57: {  	v51 =	vadd.s32 v2, v33;
	v50 =	vld [tilespmem:s21+$0xFFFFFF10];
	[tilespmem:v49+s15+$0x0] =	vst.idx.msk $0xffff, v48  }
0x58: {  	v49 =	vadd.s32 v7, v47;
	v48 =	vld [tilespmem:s21+$0xFFFFFF60];
	[tilespmem:v40+s15+$0x0] =	vst.idx.msk $0xffff, v39  }
0x59: {  	[tilespmem:v46+s15+$0x0] =	vst.idx.msk $0xffff, v42;
	v39 =	vld [tilespmem:s21+$0xF0];
	v46 =	vadd.s32 v32, v41  }
0x5a: {  	v56 =	vadd.s32 v11, v53;
	v55 =	vld [tilespmem:s21+$0xFFFFFFA0];
	[tilespmem:v44+s15+$0x0] =	vst.idx.msk $0xffff, v43  }
0x5b: {  	v58 =	vadd.s32 v15, v35;
	v57 =	vld [tilespmem:s21+$0xFFFFFFE0];
	[tilespmem:v45+s15+$0x0] =	vst.idx.msk $0xffff, v38  }
0x5c: {  	v60 =	vadd.s32 v19, v34;
	[tilespmem:v51+s15+$0x0] =	vst.idx.msk $0xffff, v50;
	v59 =	vld [tilespmem:s21+$0x20]  }
.Ltmp2:
0x5d: {  	s24 =	sadd.s32 $0x1, s23;
	v41 =	vadd.s32 v23, v37;
	v38 =	vmov s23;
	[tilespmem:v49+s15+$0x0] =	vst.idx.msk $0xffff, v48;
	v40 =	vld [tilespmem:s21+$0x60];
	(pc) =	sbr.rel @p1 .LBB2_3-.Ltmp2, $4  }
0x5e: {  	s25 =	sadd.s32 $0x3, s23;
	v52 =	vmov s24;
	s24 =	sadd.s32 $0x2, s23;
	v43 =	vadd.s32 v27, v36;
	v50 =	vshrl.u32 v38, $0x3;
	v42 =	vld [tilespmem:s21+$0xA0];
	[tilespmem:v46+s15+$0x0] =	vst.idx.msk $0xffff, v39  }
0x5f: {  	v54 =	vmov s24;
	s24 =	sadd.s32 $0x4, s23;
	v44 =	vmov s25;
	s25 =	sadd.s32 $0x5, s23;
	v48 =	vadd.s32 v3, v33;
	v45 =	vld [tilespmem:s21+$0xFFFFFF20];
	[tilespmem:v56+s15+$0x0] =	vst.idx.msk $0xffff, v55  }
0x60: {  	v38 =	vmov s25;
	v51 =	vadd.s32 v8, v47;
	v46 =	vmov s24;
	s24 =	sadd.s32 $0x6, s23;
	v49 =	vld [tilespmem:s21+$0xFFFFFF70];
	[tilespmem:v58+s15+$0x0] =	vst.idx.msk $0xffff, v57  }
0x61: {  	v53 =	vadd.s32 v12, v53;
	v47 =	vshll.u32 v50, v1;
	v39 =	vmov s24;
	s24 =	sadd.s32 $0x7, s23;
	s23 =	sadd.s32 $0x8, s23;
	v50 =	vld [tilespmem:s21+$0xFFFFFFB0];
	[tilespmem:v60+s15+$0x0] =	vst.idx.msk $0xffff, v59  }
0x62: {  	_ =	sdelay $0x2  }
0x63: {  	v52 =	vshrl.u32 v52, $0x3  }
0x64: {  	v55 =	vmov s24;
	v56 =	vld [tilespmem:s21+$0xFFFFFFF0];
	v35 =	vadd.s32 v16, v35;
	[tilespmem:v41+s15+$0x0] =	vst.idx.msk $0xffff, v40;
	v57 =	vshrl.u32 v54, $0x3  }
0x65: {  	v59 =	vld [tilespmem:s21+$0x30];
	v34 =	vadd.s32 v20, v34;
	v60 =	vshrl.u32 v44, $0x3;
	v58 =	vshrl.u32 v55, $0x3;
	[tilespmem:v43+s15+$0x0] =	vst.idx.msk $0xffff, v42  }
0x66: {  	v37 =	vadd.s32 v24, v37;
	v62 =	vshrl.u32 v46, $0x3;
	v61 =	vld [tilespmem:s21+$0x70];
	v41 =	vshll.u32 v58, v1;
	[tilespmem:v48+s15+$0x0] =	vst.idx.msk $0xffff, v45  }
0x67: {  	v36 =	vadd.s32 v28, v36;
	v46 =	vbroadcast v47, $0x0;
	v63 =	vld [tilespmem:s21+$0xB0];
	v41 =	vbroadcast v41, $0x0;
	[tilespmem:v51+s15+$0x0] =	vst.idx.msk $0xffff, v49  }
0x68: {  	v33 =	vadd.s32 v4, v33;
	s30 =	sadd.s32 $0x200, s21;
	v38 =	vshrl.u32 v38, $0x3;
	v55 =	vshll.u32 v52, v1;
	v48 =	vld [tilespmem:s21+$0xFFFFFF30];
	[tilespmem:v53+s15+$0x0] =	vst.idx.msk $0xffff, v50  }
0x69: {  	v40 =	vshll.u32 v57, v1;
	v47 =	vbroadcast v55, $0x0;
	v49 =	vld [tilespmem:s30+$0xC0];
	v50 =	vadd.s32 v29, v41;
	[tilespmem:v35+s15+$0x0] =	vst.idx.msk $0xffff, v56  }
0x6a: {  	v42 =	vshll.u32 v60, v1;
	v40 =	vbroadcast v40, $0x0;
	v35 =	vld [tilespmem:s30+$0xFFFFFF00];
	v56 =	vadd.s32 v0, v46;
	[tilespmem:v34+s15+$0x0] =	vst.idx.msk $0xffff, v59  }
0x6b: {  	v57 =	vld [tilespmem:s30+$0xFFFFFF40];
	v44 =	vshll.u32 v62, v1;
	v42 =	vbroadcast v42, $0x0;
	v58 =	vadd.s32 v5, v47;
	[tilespmem:v37+s15+$0x0] =	vst.idx.msk $0xffff, v61  }
0x6c: {  	v38 =	vshll.u32 v38, v1;
	v44 =	vbroadcast v44, $0x0;
	v60 =	vadd.s32 v9, v40;
	v59 =	vld [tilespmem:s30+$0xFFFFFF80];
	[tilespmem:v36+s15+$0x0] =	vst.idx.msk $0xffff, v63  }
0x6d: {  	v38 =	vbroadcast v38, $0x0;
	v62 =	vadd.s32 v13, v42;
	v61 =	vld [tilespmem:s30+$0xFFFFFFC0];
	[tilespmem:v33+s15+$0x0] =	vst.idx.msk $0xffff, v48  }
0x6e: {  	v39 =	vshrl.u32 v39, $0x3;
	v63 =	vadd.s32 v17, v44;
	v33 =	vld [tilespmem:s30+$0x0];
	[tilespmem:v50+s15+$0x0] =	vst.idx.msk $0xffff, v49  }
0x6f: {  	v39 =	vshll.u32 v39, v1;
	v34 =	vld [tilespmem:s30+$0x40];
	[tilespmem:v56+s15+$0x0] =	vst.idx.msk $0xffff, v35;
	v56 =	vadd.s32 v21, v38  }
0x70: {  	[tilespmem:v58+s15+$0x0] =	vst.idx.msk $0xffff, v57;
	v35 =	vbroadcast v39, $0x0;
	v49 =	vadd.s32 v30, v41;
	v39 =	vld [tilespmem:s30+$0xD0]  }
0x71: {  	[tilespmem:v60+s15+$0x0] =	vst.idx.msk $0xffff, v59;
	v59 =	vld [tilespmem:s30+$0xFFFFFF50];
	v60 =	vadd.s32 v6, v47  }
0x72: {  	v57 =	vld [tilespmem:s30+$0x80];
	[tilespmem:v62+s15+$0x0] =	vst.idx.msk $0xffff, v61;
	v58 =	vadd.s32 v25, v35  }
0x73: {  	v61 =	vld [tilespmem:s30+$0xFFFFFF90];
	v62 =	vadd.s32 v10, v40;
	[tilespmem:v63+s15+$0x0] =	vst.idx.msk $0xffff, v33  }
0x74: {  	v33 =	vld [tilespmem:s30+$0xFFFFFFD0];
	v63 =	vadd.s32 v14, v42;
	[tilespmem:v56+s15+$0x0] =	vst.idx.msk $0xffff, v34  }
0x75: {  	v56 =	vadd.s32 v18, v44;
	[tilespmem:v49+s15+$0x0] =	vst.idx.msk $0xffff, v39;
	v49 =	vld [tilespmem:s30+$0x10]  }
0x76: {  	[tilespmem:v60+s15+$0x0] =	vst.idx.msk $0xffff, v59;
	v39 =	vadd.s32 v31, v41;
	v34 =	vld [tilespmem:s30+$0xE0]  }
0x77: {  	[tilespmem:v58+s15+$0x0] =	vst.idx.msk $0xffff, v57;
	v57 =	vld [tilespmem:s30+$0x50];
	v58 =	vadd.s32 v22, v38  }
0x78: {  	[tilespmem:v62+s15+$0x0] =	vst.idx.msk $0xffff, v61;
	v61 =	vld [tilespmem:s30+$0xFFFFFF10];
	v62 =	vadd.s32 v2, v46  }
0x79: {  	v60 =	vadd.s32 v26, v35;
	v59 =	vld [tilespmem:s30+$0x90];
	[tilespmem:v63+s15+$0x0] =	vst.idx.msk $0xffff, v33  }
0x7a: {  	v55 =	vadd.s32 v11, v40;
	v54 =	vadd.s32 v32, v41;
	v41 =	vld [tilespmem:s30+$0xFFFFFFA0];
	[tilespmem:v56+s15+$0x0] =	vst.idx.msk $0xffff, v49  }
0x7b: {  	v53 =	vadd.s32 v7, v47;
	v63 =	vld [tilespmem:s30+$0xFFFFFF60];
	[tilespmem:v39+s15+$0x0] =	vst.idx.msk $0xffff, v34  }
0x7c: {  	v56 =	vld [tilespmem:s30+$0xFFFFFFE0];
	[tilespmem:v58+s15+$0x0] =	vst.idx.msk $0xffff, v57;
	v57 =	vadd.s32 v15, v42  }
0x7d: {  	[tilespmem:v62+s15+$0x0] =	vst.idx.msk $0xffff, v61;
	v34 =	vld [tilespmem:s30+$0xF0]  }
0x7e: {  	v58 =	vld [tilespmem:s30+$0x20];
	[tilespmem:v60+s15+$0x0] =	vst.idx.msk $0xffff, v59;
	v59 =	vadd.s32 v19, v44  }
0x7f: {  	v61 =	vadd.s32 v23, v38;
	[tilespmem:v55+s15+$0x0] =	vst.idx.msk $0xffff, v41;
	v60 =	vld [tilespmem:s30+$0x60]  }
0x80: {  	[tilespmem:v53+s15+$0x0] =	vst.idx.msk $0xffff, v63;
	v63 =	vadd.s32 v27, v35;
	v62 =	vld [tilespmem:s30+$0xA0]  }
0x81: {  	v47 =	vadd.s32 v8, v47;
	v55 =	vld [tilespmem:s30+$0xFFFFFF70];
	[tilespmem:v57+s15+$0x0] =	vst.idx.msk $0xffff, v56  }
0x82: {  	v53 =	vld [tilespmem:s30+$0xFFFFFF20];
	[tilespmem:v54+s15+$0x0] =	vst.idx.msk $0xffff, v34;
	v54 =	vadd.s32 v3, v46  }
0x83: {  	v40 =	vadd.s32 v12, v40;
	v56 =	vld [tilespmem:s30+$0xFFFFFFB0];
	[tilespmem:v59+s15+$0x0] =	vst.idx.msk $0xffff, v58  }
0x84: {  	v42 =	vadd.s32 v16, v42;
	v57 =	vld [tilespmem:s30+$0xFFFFFFF0];
	[tilespmem:v61+s15+$0x0] =	vst.idx.msk $0xffff, v60  }
0x85: {  	v59 =	vadd.s32 v20, v44;
	v58 =	vld [tilespmem:s30+$0x30];
	[tilespmem:v63+s15+$0x0] =	vst.idx.msk $0xffff, v62  }
0x86: {  	v38 =	vadd.s32 v24, v38;
	v60 =	vld [tilespmem:s30+$0x70];
	[tilespmem:v47+s15+$0x0] =	vst.idx.msk $0xffff, v55  }
0x87: {  	v35 =	vadd.s32 v28, v35;
	v61 =	vld [tilespmem:s30+$0xB0];
	[tilespmem:v54+s15+$0x0] =	vst.idx.msk $0xffff, v53  }
0x88: {  	v63 =	vadd.s32 v4, v46;
	[tilespmem:v40+s15+$0x0] =	vst.idx.msk $0xffff, v56;
	v62 =	vld [tilespmem:s30+$0xFFFFFF30]  }
0x89: {  	s31 =	sadd.s32 s6, s22;
	[tilespmem:v42+s15+$0x0] =	vst.idx.msk $0xffff, v57  }
0x8a: {  	s23 =	sshll.u32 s31, $0x7;
	[tilespmem:v59+s15+$0x0] =	vst.idx.msk $0xffff, v58  }
0x8b: {  	s23 =	sand.u32 $0x3E00, s23;
	s21 =	sshll.u32 s31, $0xA;
	[tilespmem:v38+s15+$0x0] =	vst.idx.msk $0xffff, v60  }
0x8c: {  	s23 =	sadd.s32 s2, s23;
	s21 =	sand.u32 $0xFFE0000, s21;
	[tilespmem:v35+s15+$0x0] =	vst.idx.msk $0xffff, v61  }
0x8d: {  	s24 =	simm.s32 $0xE400;
	s23 =	sadd.s32 s21, s23;
	[tilespmem:v63+s15+$0x0] =	vst.idx.msk $0xffff, v62  }
0x8e: {  	[hbm4b:s23+s3] =	stream.linear.scatter [tilespmem:s24], [sflag:$0x2], $0x80, $0x38;
	[tilespmem:$0x12800] =	vst v63  }
0x8f: {  	s25 =	simm.s32 $0xE488;
	s26 =	sadd.s32 $0x10, s23  }
0x90: {  	[hbm4b:s26+s3] =	stream.linear.scatter [tilespmem:s25], [sflag:$0x2], $0x80, $0x38;
	[tilespmem:$0x12800] =	vst v63  }
0x91: {  	s28 =	simm.s32 $0xE510;
	s21 =	simm.s32 $0x440;
	s29 =	sadd.s32 $0x20, s23  }
0x92: {  	[hbm4b:s29+s3] =	stream.linear.scatter [tilespmem:s28], [sflag:$0x2], $0x80, $0x38;
	[tilespmem:$0x12800] =	vst v63  }
0x93: {  	s31 =	sadd.s32 $0x30, s23;
	s30 =	simm.s32 $0xE598;
	s24 =	simm.s32 $0x2200  }
0x94: {  	[hbm4b:s31+s3] =	stream.linear.scatter [tilespmem:s30], [sflag:$0x2], $0x80, $0x38;
	[tilespmem:$0x12800] =	vst v63  }
0x95: {  	s25 =	simm.s32 $0xE620;
	s26 =	sadd.s32 $0x40, s23;
	s28 =	simm.s32 $0xE6A8  }
0x96: {  	[hbm4b:s26+s3] =	stream.linear.scatter [tilespmem:s25], [sflag:$0x2], $0x80, $0x38;
	[tilespmem:$0x12800] =	vst v63  }
0x97: {  	s29 =	sadd.s32 $0x50, s23;
	s30 =	simm.s32 $0xE730;
	s31 =	sadd.s32 $0x60, s23  }
0x98: {  	[hbm4b:s29+s3] =	stream.linear.scatter [tilespmem:s28], [sflag:$0x2], $0x80, $0x38;
	[tilespmem:$0x12800] =	vst v63  }
0x99: {  	s25 =	simm.s32 $0xE7B8;
	s26 =	sadd.s32 $0x70, s23;
	s23 =	sadd.s32 $0x4000, s23  }
0x9a: {  	[hbm4b:s31+s3] =	stream.linear.scatter [tilespmem:s30], [sflag:$0x2], $0x80, $0x38;
	[tilespmem:$0x12800] =	vst v63  }
.LBB2_5:
0x9b: {  	[hbm4b:s26+s3] =	stream.linear.scatter [tilespmem:s25], [sflag:$0x2], $0x80, $0x38;
	[tilespmem:$0x12800] =	vst v63  }
0x9c: {  	s25 =	smov.u32 s21;
	s21 =	smov.u32 s24  }
0x9d: {  	s28 =	sadd.s32 $0x1100, s24;
	s21 =	sshra.s32 s21, $0x2;
	s26 =	sadd.s32 $0xE400, s25  }
0x9e: {  	[hbm4b:s23+s3] =	stream.linear.scatter [tilespmem:s26], [sflag:$0x2], $0x80, $0x38;
	[tilespmem:$0x12800] =	vst v63  }
0x9f: {  	p1 =	sne.s32 s24, $0x7700;
	s24 =	sadd.s32 $0xE488, s25;
	s26 =	sadd.s32 $0x10, s23  }
0xa0: {  	[hbm4b:s26+s3] =	stream.linear.scatter [tilespmem:s24], [sflag:$0x2], $0x80, $0x38;
	[tilespmem:$0x12800] =	vst v63  }
0xa1: {  	s24 =	sadd.s32 $0xE510, s25;
	s26 =	sadd.s32 $0x20, s23  }
0xa2: {  	[hbm4b:s26+s3] =	stream.linear.scatter [tilespmem:s24], [sflag:$0x2], $0x80, $0x38;
	[tilespmem:$0x12800] =	vst v63  }
0xa3: {  	s24 =	sadd.s32 $0xE598, s25;
	s26 =	sadd.s32 $0x30, s23  }
0xa4: {  	[hbm4b:s26+s3] =	stream.linear.scatter [tilespmem:s24], [sflag:$0x2], $0x80, $0x38;
	[tilespmem:$0x12800] =	vst v63  }
0xa5: {  	s24 =	sadd.s32 $0xE620, s25;
	s26 =	sadd.s32 $0x40, s23  }
0xa6: {  	[hbm4b:s26+s3] =	stream.linear.scatter [tilespmem:s24], [sflag:$0x2], $0x80, $0x38;
	[tilespmem:$0x12800] =	vst v63  }
.Ltmp3:
0xa7: {  	s24 =	sadd.s32 $0xE6A8, s25;
	s26 =	sadd.s32 $0x50, s23;
	(pc) =	sbr.rel @p1 .LBB2_5-.Ltmp3, $4  }
0xa8: {  	[hbm4b:s26+s3] =	stream.linear.scatter [tilespmem:s24], [sflag:$0x2], $0x80, $0x38;
	[tilespmem:$0x12800] =	vst v63  }
0xa9: {  	s24 =	sadd.s32 $0xE730, s25;
	s26 =	sadd.s32 $0x60, s23;
	s25 =	sadd.s32 $0xE7B8, s25  }
0xaa: {  	[hbm4b:s26+s3] =	stream.linear.scatter [tilespmem:s24], [sflag:$0x2], $0x80, $0x38;
	[tilespmem:$0x12800] =	vst v63  }
0xab: {  	s26 =	sadd.s32 $0x70, s23;
	s23 =	sadd.s32 $0x4000, s23;
	s24 =	smov.u32 s28  }
0xac: {  	[hbm4b:s26+s3] =	stream.linear.scatter [tilespmem:s25], [sflag:$0x2], $0x80, $0x38;
	[tilespmem:$0x12800] =	vst v63  }
0xad: {  	s24 =	sadd.s32 $0xE400, s21  }
0xae: {  	[hbm4b:s23+s3] =	stream.linear.scatter [tilespmem:s24], [sflag:$0x2], $0x80, $0x38;
	[tilespmem:$0x12800] =	vst v63  }
0xaf: {  	s25 =	sadd.s32 $0xE488, s21;
	s26 =	sadd.s32 $0x10, s23  }
0xb0: {  	[hbm4b:s26+s3] =	stream.linear.scatter [tilespmem:s25], [sflag:$0x2], $0x80, $0x38;
	[tilespmem:$0x12800] =	vst v63  }
0xb1: {  	s28 =	sadd.s32 $0xE510, s21;
	s29 =	sadd.s32 $0x20, s23  }
0xb2: {  	[hbm4b:s29+s3] =	stream.linear.scatter [tilespmem:s28], [sflag:$0x2], $0x80, $0x38;
	[tilespmem:$0x12800] =	vst v63  }
0xb3: {  	s30 =	sadd.s32 $0xE598, s21;
	s31 =	sadd.s32 $0x30, s23;
	s25 =	sadd.s32 $0xE620, s21  }
0xb4: {  	[hbm4b:s31+s3] =	stream.linear.scatter [tilespmem:s30], [sflag:$0x2], $0x80, $0x38;
	[tilespmem:$0x12800] =	vst v63  }
0xb5: {  	s26 =	sadd.s32 $0x40, s23;
	s28 =	sadd.s32 $0xE6A8, s21;
	s29 =	sadd.s32 $0x50, s23  }
0xb6: {  	[hbm4b:s26+s3] =	stream.linear.scatter [tilespmem:s25], [sflag:$0x2], $0x80, $0x38;
	[tilespmem:$0x12800] =	vst v63  }
0xb7: {  	s30 =	sadd.s32 $0xE730, s21;
	s25 =	sadd.s32 $0xE7B8, s21;
	s21 =	sor.u32 $0x3, s22  }
0xb8: {  	[hbm4b:s29+s3] =	stream.linear.scatter [tilespmem:s28], [sflag:$0x2], $0x80, $0x38;
	[tilespmem:$0x12800] =	vst v63  }
0xb9: {  	s31 =	sadd.s32 $0x60, s23;
	s26 =	sadd.s32 $0x70, s23;
	s28 =	sshll.u32 s21, $0x7  }
0xba: {  	[hbm4b:s31+s3] =	stream.linear.scatter [tilespmem:s30], [sflag:$0x2], $0x80, $0x38;
	[tilespmem:$0x12800] =	vst v63  }
0xbb: {  	s29 =	simm.s32 $0x0;
	s23 =	sand.u32 $0x3FFFFF80, s28;
	s28 =	simm.s32 $0x7  }
0xbc: {  	[hbm4b:s26+s3] =	stream.linear.scatter [tilespmem:s25], [sflag:$0x2], $0x80, $0x38;
	[tilespmem:$0x12800] =	vst v63  }
0xbd: {  	v33 =	vmov s29;
	s29 =	simm.s32 $0x5;
	s30 =	simm.s32 $0x1;
	s31 =	simm.s32 $0x2  }
0xbe: {  	v33 =	vshrl.u32 v33, $0x3;
	v38 =	vmov s28;
	[tilespmem:s16], [sflag:$0x1] =	stream.indirect.gather [hbm4b:s4+s9], $0x40, s23, s9, $0xb8;
	[tilespmem:$0x12800] =	vst v63  }
0xbf: {  	v39 =	vmov s29;
	v34 =	vmov s30;
	v35 =	vmov s31;
	_ =	swait.ge [sflag:s14], $0x2000  }
0xc0: {  	s30 =	simm.s32 $0x6;
	v33 =	vshll.u32 v33, v1;
	v38 =	vshrl.u32 v38, $0x3;
	v55 =	vshrl.u32 v39, $0x3;
	[sflag:s14] =	ssyncset.done $0x0  }
0xc1: {  	s24 =	simm.s32 @!p0 $0x2;
	s25 =	simm.s32 $0x3;
	v40 =	vmov s30;
	v34 =	vshrl.u32 v34, $0x3;
	v38 =	vshll.u32 v38, v1;
	[sflag:s14] =	ssyncadd.s32 $0xFFFFE000  }
0xc2: {  	s26 =	simm.s32 $0x4;
	v35 =	vshrl.u32 v35, $0x3;
	v33 =	vbroadcast v33, $0x0;
	v36 =	vmov s25;
	_ =	swait.ge @!p0 [sflag:s24], $0x2000  }
0xc3: {  	v37 =	vmov s26;
	v38 =	vbroadcast v38, $0x0;
	v34 =	vshll.u32 v34, v1;
	[sflag:s24] =	ssyncset.done @!p0 $0x0  }
0xc4: {  	v51 =	vshll.u32 v35, v1;
	v40 =	vshrl.u32 v40, $0x3;
	v36 =	vshrl.u32 v36, $0x3;
	[sflag:s24] =	ssyncadd.s32 @!p0 $0xFFFFE000;
	s24 =	simm.s32 $0x85F0  }
0xc5: {  	v37 =	vshrl.u32 v37, $0x3;
	v47 =	vbroadcast v34, $0x0;
	v42 =	vadd.s32 v29, v38;
	v41 =	vld [tilespmem:s24+$0xFFFFFFD0]  }
0xc6: {  	v44 =	vadd.s32 v0, v33;
	v53 =	vbroadcast v51, $0x0;
	v52 =	vshll.u32 v36, v1;
	v43 =	vld [tilespmem:s24+$0xFFFFFE10]  }
0xc7: {  	v54 =	vshll.u32 v37, v1;
	v46 =	vadd.s32 v5, v47;
	v35 =	vbroadcast v52, $0x0;
	v45 =	vld [tilespmem:s24+$0xFFFFFE50]  }
0xc8: {  	v36 =	vshll.u32 v55, v1;
	v49 =	vadd.s32 v9, v53;
	v34 =	vbroadcast v54, $0x0;
	v48 =	vld [tilespmem:s24+$0xFFFFFE90]  }
0xc9: {  	v56 =	vshll.u32 v40, v1;
	v37 =	vbroadcast v36, $0x0;
	v50 =	vadd.s32 v13, v35;
	v39 =	vld [tilespmem:s24+$0xFFFFFED0]  }
0xca: {  	v36 =	vbroadcast v56, $0x0;
	v52 =	vadd.s32 v17, v34;
	v51 =	vld [tilespmem:s24+$0xFFFFFF10];
	[tilespmem:v42+s17+$0x0] =	vst.idx.msk $0xffff, v41  }
0xcb: {  	v60 =	vadd.s32 v21, v37;
	v59 =	vld [tilespmem:s24+$0xFFFFFF50];
	[tilespmem:v44+s17+$0x0] =	vst.idx.msk $0xffff, v43  }
0xcc: {  	v62 =	vadd.s32 v25, v36;
	v61 =	vld [tilespmem:s24+$0xFFFFFF90];
	[tilespmem:v46+s17+$0x0] =	vst.idx.msk $0xffff, v45  }
0xcd: {  	v58 =	vadd.s32 v30, v38;
	[tilespmem:v49+s17+$0x0] =	vst.idx.msk $0xffff, v48;
	v57 =	vld [tilespmem:s24+$0xFFFFFFE0]  }
0xce: {  	v63 =	vadd.s32 v6, v47;
	[tilespmem:v50+s17+$0x0] =	vst.idx.msk $0xffff, v39;
	v46 =	vld [tilespmem:s24+$0xFFFFFE60]  }
0xcf: {  	v55 =	vadd.s32 v10, v53;
	[tilespmem:v52+s17+$0x0] =	vst.idx.msk $0xffff, v51;
	v54 =	vld [tilespmem:s24+$0xFFFFFEA0]  }
0xd0: {  	v56 =	vadd.s32 v14, v35;
	[tilespmem:v60+s17+$0x0] =	vst.idx.msk $0xffff, v59;
	v50 =	vld [tilespmem:s24+$0xFFFFFEE0]  }
0xd1: {  	[tilespmem:v62+s17+$0x0] =	vst.idx.msk $0xffff, v61;
	v45 =	vadd.s32 v22, v37;
	v44 =	vld [tilespmem:s24+$0xFFFFFF60]  }
0xd2: {  	v59 =	vadd.s32 v18, v34;
	[tilespmem:v58+s17+$0x0] =	vst.idx.msk $0xffff, v57;
	v58 =	vld [tilespmem:s24+$0xFFFFFF20]  }
0xd3: {  	v57 =	vadd.s32 v31, v38;
	[tilespmem:v63+s17+$0x0] =	vst.idx.msk $0xffff, v46;
	v40 =	vld [tilespmem:s24+$0xFFFFFFF0]  }
0xd4: {  	v60 =	vadd.s32 v26, v36;
	[tilespmem:v55+s17+$0x0] =	vst.idx.msk $0xffff, v54;
	v63 =	vld [tilespmem:s24+$0xFFFFFFA0]  }
0xd5: {  	v62 =	vadd.s32 v2, v33;
	v61 =	vld [tilespmem:s24+$0xFFFFFE20];
	[tilespmem:v56+s17+$0x0] =	vst.idx.msk $0xffff, v50  }
0xd6: {  	v51 =	vadd.s32 v7, v47;
	[tilespmem:v45+s17+$0x0] =	vst.idx.msk $0xffff, v44;
	v50 =	vld [tilespmem:s24+$0xFFFFFE70]  }
0xd7: {  	v56 =	vadd.s32 v11, v53;
	v55 =	vld [tilespmem:s24+$0xFFFFFEB0];
	[tilespmem:v59+s17+$0x0] =	vst.idx.msk $0xffff, v58  }
0xd8: {  	v58 =	vadd.s32 v15, v35;
	[tilespmem:v57+s17+$0x0] =	vst.idx.msk $0xffff, v40;
	v57 =	vld [tilespmem:s24+$0xFFFFFEF0]  }
0xd9: {  	[tilespmem:v60+s17+$0x0] =	vst.idx.msk $0xffff, v63;
	v60 =	vadd.s32 v19, v34;
	v59 =	vld [tilespmem:s24+$0xFFFFFF30]  }
0xda: {  	s25 =	simm.s32 $0x9;
	v38 =	vadd.s32 v32, v38;
	[tilespmem:v62+s17+$0x0] =	vst.idx.msk $0xffff, v61;
	v54 =	vld [tilespmem:s24+$0x0]  }
0xdb: {  	s31 =	simm.s32 $0x8;
	v41 =	vadd.s32 v23, v37;
	v52 =	vmov s25;
	[tilespmem:v51+s17+$0x0] =	vst.idx.msk $0xffff, v50;
	v40 =	vld [tilespmem:s24+$0xFFFFFF70]  }
0xdc: {  	s28 =	simm.s32 $0xB;
	s29 =	simm.s32 $0xC;
	v43 =	vadd.s32 v27, v36;
	v48 =	vadd.s32 v3, v33;
	v63 =	vmov s31;
	v42 =	vld [tilespmem:s24+$0xFFFFFFB0];
	[tilespmem:v56+s17+$0x0] =	vst.idx.msk $0xffff, v55  }
0xdd: {  	v44 =	vmov s28;
	v46 =	vmov s29;
	v45 =	vld [tilespmem:s24+$0xFFFFFE30];
	s31 =	simm.s32 $0xE;
	v39 =	vshrl.u32 v63, $0x3;
	[tilespmem:v58+s17+$0x0] =	vst.idx.msk $0xffff, v57  }
0xde: {  	s30 =	simm.s32 $0xD;
	s26 =	simm.s32 $0xA;
	v51 =	vadd.s32 v8, v47;
	v49 =	vld [tilespmem:s24+$0xFFFFFE80];
	v47 =	vshll.u32 v39, v1;
	v39 =	vmov s31;
	[tilespmem:v60+s17+$0x0] =	vst.idx.msk $0xffff, v59  }
0xdf: {  	s23 =	sor.u32 $0x1, s22;
	s25 =	simm.s32 $0x10;
	v53 =	vadd.s32 v12, v53;
	v50 =	vld [tilespmem:s24+$0xFFFFFEC0];
	[tilespmem:v38+s17+$0x0] =	vst.idx.msk $0xffff, v54;
	v54 =	vmov s26;
	v38 =	vmov s30;
	s26 =	simm.s32 $0xF  }
.LBB2_7:
0xe0: {  	p0 =	slt.u32 s25, $0x78;
	v52 =	vshrl.u32 v52, $0x3;
	v55 =	vmov s26;
	v56 =	vld [tilespmem:s24+$0xFFFFFF00];
	v35 =	vadd.s32 v16, v35;
	[tilespmem:v41+s17+$0x0] =	vst.idx.msk $0xffff, v40  }
0xe1: {  	v40 =	vshrl.u32 v54, $0x3;
	v34 =	vadd.s32 v20, v34;
	v41 =	vshrl.u32 v55, $0x3;
	v54 =	vld [tilespmem:s24+$0xFFFFFF40];
	[tilespmem:v43+s17+$0x0] =	vst.idx.msk $0xffff, v42  }
0xe2: {  	v37 =	vadd.s32 v24, v37;
	v42 =	vshrl.u32 v44, $0x3;
	v41 =	vshll.u32 v41, v1;
	[tilespmem:v48+s17+$0x0] =	vst.idx.msk $0xffff, v45;
	v43 =	vld [tilespmem:s24+$0xFFFFFF80]  }
0xe3: {  	v36 =	vadd.s32 v28, v36;
	v44 =	vshrl.u32 v46, $0x3;
	v41 =	vbroadcast v41, $0x0;
	[tilespmem:v51+s17+$0x0] =	vst.idx.msk $0xffff, v49;
	v45 =	vld [tilespmem:s24+$0xFFFFFFC0]  }
0xe4: {  	v46 =	vshll.u32 v52, v1;
	v49 =	vadd.s32 v4, v33;
	v33 =	vbroadcast v47, $0x0;
	v48 =	vld [tilespmem:s24+$0xFFFFFE40];
	[tilespmem:v53+s17+$0x0] =	vst.idx.msk $0xffff, v50;
	s24 =	sadd.s32 $0x200, s24  }
0xe5: {  	v40 =	vshll.u32 v40, v1;
	v47 =	vbroadcast v46, $0x0;
	v46 =	vld [tilespmem:s24+$0xFFFFFFD0];
	v50 =	vadd.s32 v29, v41;
	[tilespmem:v35+s17+$0x0] =	vst.idx.msk $0xffff, v56  }
0xe6: {  	v53 =	vbroadcast v40, $0x0;
	v52 =	vadd.s32 v0, v33;
	v35 =	vshll.u32 v42, v1;
	v51 =	vld [tilespmem:s24+$0xFFFFFE10];
	[tilespmem:v34+s17+$0x0] =	vst.idx.msk $0xffff, v54  }
0xe7: {  	v42 =	vadd.s32 v5, v47;
	v35 =	vbroadcast v35, $0x0;
	v34 =	vshll.u32 v44, v1;
	v40 =	vld [tilespmem:s24+$0xFFFFFE50];
	[tilespmem:v37+s17+$0x0] =	vst.idx.msk $0xffff, v43  }
0xe8: {  	v44 =	vadd.s32 v9, v53;
	v34 =	vbroadcast v34, $0x0;
	v37 =	vshrl.u32 v38, $0x3;
	v43 =	vld [tilespmem:s24+$0xFFFFFE90];
	[tilespmem:v36+s17+$0x0] =	vst.idx.msk $0xffff, v45  }
0xe9: {  	v39 =	vshrl.u32 v39, $0x3;
	v45 =	vadd.s32 v13, v35;
	v36 =	vshll.u32 v37, v1;
	v38 =	vld [tilespmem:s24+$0xFFFFFED0];
	[tilespmem:v49+s17+$0x0] =	vst.idx.msk $0xffff, v48  }
0xea: {  	v49 =	vadd.s32 v17, v34;
	v37 =	vbroadcast v36, $0x0;
	v36 =	vshll.u32 v39, v1;
	v48 =	vld [tilespmem:s24+$0xFFFFFF10];
	[tilespmem:v50+s17+$0x0] =	vst.idx.msk $0xffff, v46  }
0xeb: {  	v36 =	vbroadcast v36, $0x0;
	v46 =	vadd.s32 v30, v41;
	[tilespmem:v52+s17+$0x0] =	vst.idx.msk $0xffff, v51;
	v39 =	vld [tilespmem:s24+$0xFFFFFFE0]  }
0xec: {  	[tilespmem:v42+s17+$0x0] =	vst.idx.msk $0xffff, v40;
	v40 =	vld [tilespmem:s24+$0xFFFFFF50];
	v42 =	vadd.s32 v21, v37  }
0xed: {  	[tilespmem:v44+s17+$0x0] =	vst.idx.msk $0xffff, v43;
	v43 =	vld [tilespmem:s24+$0xFFFFFF90];
	v44 =	vadd.s32 v25, v36  }
0xee: {  	v51 =	vadd.s32 v6, v47;
	v50 =	vld [tilespmem:s24+$0xFFFFFE60];
	[tilespmem:v45+s17+$0x0] =	vst.idx.msk $0xffff, v38  }
0xef: {  	v45 =	vadd.s32 v10, v53;
	v38 =	vld [tilespmem:s24+$0xFFFFFEA0];
	[tilespmem:v49+s17+$0x0] =	vst.idx.msk $0xffff, v48  }
0xf0: {  	v49 =	vadd.s32 v14, v35;
	v48 =	vld [tilespmem:s24+$0xFFFFFEE0];
	[tilespmem:v46+s17+$0x0] =	vst.idx.msk $0xffff, v39  }
0xf1: {  	[tilespmem:v42+s17+$0x0] =	vst.idx.msk $0xffff, v40;
	v39 =	vld [tilespmem:s24+$0xFFFFFFF0];
	v40 =	vadd.s32 v31, v41  }
0xf2: {  	v46 =	vadd.s32 v18, v34;
	v42 =	vld [tilespmem:s24+$0xFFFFFF20];
	[tilespmem:v44+s17+$0x0] =	vst.idx.msk $0xffff, v43  }
0xf3: {  	v44 =	vadd.s32 v22, v37;
	[tilespmem:v51+s17+$0x0] =	vst.idx.msk $0xffff, v50;
	v43 =	vld [tilespmem:s24+$0xFFFFFF60]  }
0xf4: {  	[tilespmem:v45+s17+$0x0] =	vst.idx.msk $0xffff, v38;
	v38 =	vld [tilespmem:s24+$0xFFFFFFA0];
	v45 =	vadd.s32 v26, v36  }
0xf5: {  	v51 =	vadd.s32 v2, v33;
	v50 =	vld [tilespmem:s24+$0xFFFFFE20];
	[tilespmem:v49+s17+$0x0] =	vst.idx.msk $0xffff, v48  }
0xf6: {  	v49 =	vadd.s32 v7, v47;
	v48 =	vld [tilespmem:s24+$0xFFFFFE70];
	[tilespmem:v40+s17+$0x0] =	vst.idx.msk $0xffff, v39  }
0xf7: {  	[tilespmem:v46+s17+$0x0] =	vst.idx.msk $0xffff, v42;
	v39 =	vld [tilespmem:s24+$0x0];
	v46 =	vadd.s32 v32, v41  }
0xf8: {  	v56 =	vadd.s32 v11, v53;
	v55 =	vld [tilespmem:s24+$0xFFFFFEB0];
	[tilespmem:v44+s17+$0x0] =	vst.idx.msk $0xffff, v43  }
0xf9: {  	v58 =	vadd.s32 v15, v35;
	v57 =	vld [tilespmem:s24+$0xFFFFFEF0];
	[tilespmem:v45+s17+$0x0] =	vst.idx.msk $0xffff, v38  }
0xfa: {  	v60 =	vadd.s32 v19, v34;
	[tilespmem:v51+s17+$0x0] =	vst.idx.msk $0xffff, v50;
	v59 =	vld [tilespmem:s24+$0xFFFFFF30]  }
.Ltmp4:
0xfb: {  	s26 =	sadd.s32 $0x1, s25;
	v41 =	vadd.s32 v23, v37;
	v38 =	vmov s25;
	[tilespmem:v49+s17+$0x0] =	vst.idx.msk $0xffff, v48;
	v40 =	vld [tilespmem:s24+$0xFFFFFF70];
	(pc) =	sbr.rel @p0 .LBB2_7-.Ltmp4, $4  }
0xfc: {  	s28 =	sadd.s32 $0x3, s25;
	v52 =	vmov s26;
	s26 =	sadd.s32 $0x2, s25;
	v43 =	vadd.s32 v27, v36;
	v50 =	vshrl.u32 v38, $0x3;
	v42 =	vld [tilespmem:s24+$0xFFFFFFB0];
	[tilespmem:v46+s17+$0x0] =	vst.idx.msk $0xffff, v39  }
0xfd: {  	v54 =	vmov s26;
	s26 =	sadd.s32 $0x4, s25;
	v44 =	vmov s28;
	s28 =	sadd.s32 $0x5, s25;
	v48 =	vadd.s32 v3, v33;
	v45 =	vld [tilespmem:s24+$0xFFFFFE30];
	[tilespmem:v56+s17+$0x0] =	vst.idx.msk $0xffff, v55  }
0xfe: {  	v38 =	vmov s28;
	v51 =	vadd.s32 v8, v47;
	v46 =	vmov s26;
	s26 =	sadd.s32 $0x6, s25;
	v49 =	vld [tilespmem:s24+$0xFFFFFE80];
	[tilespmem:v58+s17+$0x0] =	vst.idx.msk $0xffff, v57  }
0xff: {  	v53 =	vadd.s32 v12, v53;
	v47 =	vshll.u32 v50, v1;
	v39 =	vmov s26;
	s26 =	sadd.s32 $0x7, s25;
	s25 =	sadd.s32 $0x8, s25;
	v50 =	vld [tilespmem:s24+$0xFFFFFEC0];
	[tilespmem:v60+s17+$0x0] =	vst.idx.msk $0xffff, v59  }
0x100: {  	_ =	sdelay $0x2  }
0x101: {  	v52 =	vshrl.u32 v52, $0x3  }
0x102: {  	v55 =	vmov s26;
	v56 =	vld [tilespmem:s24+$0xFFFFFF00];
	v35 =	vadd.s32 v16, v35;
	[tilespmem:v41+s17+$0x0] =	vst.idx.msk $0xffff, v40;
	v57 =	vshrl.u32 v54, $0x3  }
0x103: {  	v59 =	vld [tilespmem:s24+$0xFFFFFF40];
	v34 =	vadd.s32 v20, v34;
	v60 =	vshrl.u32 v44, $0x3;
	v58 =	vshrl.u32 v55, $0x3;
	[tilespmem:v43+s17+$0x0] =	vst.idx.msk $0xffff, v42  }
0x104: {  	v37 =	vadd.s32 v24, v37;
	v62 =	vshrl.u32 v46, $0x3;
	v61 =	vld [tilespmem:s24+$0xFFFFFF80];
	v41 =	vshll.u32 v58, v1;
	[tilespmem:v48+s17+$0x0] =	vst.idx.msk $0xffff, v45  }
0x105: {  	v36 =	vadd.s32 v28, v36;
	v46 =	vbroadcast v47, $0x0;
	v63 =	vld [tilespmem:s24+$0xFFFFFFC0];
	v41 =	vbroadcast v41, $0x0;
	[tilespmem:v51+s17+$0x0] =	vst.idx.msk $0xffff, v49  }
0x106: {  	v33 =	vadd.s32 v4, v33;
	s31 =	sadd.s32 $0x200, s24;
	v38 =	vshrl.u32 v38, $0x3;
	v55 =	vshll.u32 v52, v1;
	v48 =	vld [tilespmem:s24+$0xFFFFFE40];
	[tilespmem:v53+s17+$0x0] =	vst.idx.msk $0xffff, v50  }
0x107: {  	v40 =	vshll.u32 v57, v1;
	v47 =	vbroadcast v55, $0x0;
	v49 =	vld [tilespmem:s31+$0xFFFFFFD0];
	v50 =	vadd.s32 v29, v41;
	[tilespmem:v35+s17+$0x0] =	vst.idx.msk $0xffff, v56  }
0x108: {  	v42 =	vshll.u32 v60, v1;
	v40 =	vbroadcast v40, $0x0;
	v35 =	vld [tilespmem:s31+$0xFFFFFE10];
	v56 =	vadd.s32 v0, v46;
	[tilespmem:v34+s17+$0x0] =	vst.idx.msk $0xffff, v59  }
0x109: {  	v57 =	vld [tilespmem:s31+$0xFFFFFE50];
	v44 =	vshll.u32 v62, v1;
	v42 =	vbroadcast v42, $0x0;
	v58 =	vadd.s32 v5, v47;
	[tilespmem:v37+s17+$0x0] =	vst.idx.msk $0xffff, v61  }
0x10a: {  	v38 =	vshll.u32 v38, v1;
	v44 =	vbroadcast v44, $0x0;
	v60 =	vadd.s32 v9, v40;
	v59 =	vld [tilespmem:s31+$0xFFFFFE90];
	[tilespmem:v36+s17+$0x0] =	vst.idx.msk $0xffff, v63  }
0x10b: {  	v38 =	vbroadcast v38, $0x0;
	v62 =	vadd.s32 v13, v42;
	v61 =	vld [tilespmem:s31+$0xFFFFFED0];
	[tilespmem:v33+s17+$0x0] =	vst.idx.msk $0xffff, v48  }
0x10c: {  	v39 =	vshrl.u32 v39, $0x3;
	v63 =	vadd.s32 v17, v44;
	v33 =	vld [tilespmem:s31+$0xFFFFFF10];
	[tilespmem:v50+s17+$0x0] =	vst.idx.msk $0xffff, v49  }
0x10d: {  	v39 =	vshll.u32 v39, v1;
	v34 =	vld [tilespmem:s31+$0xFFFFFF50];
	[tilespmem:v56+s17+$0x0] =	vst.idx.msk $0xffff, v35;
	v56 =	vadd.s32 v21, v38  }
0x10e: {  	[tilespmem:v58+s17+$0x0] =	vst.idx.msk $0xffff, v57;
	v35 =	vbroadcast v39, $0x0;
	v49 =	vadd.s32 v30, v41;
	v39 =	vld [tilespmem:s31+$0xFFFFFFE0]  }
0x10f: {  	[tilespmem:v60+s17+$0x0] =	vst.idx.msk $0xffff, v59;
	v59 =	vld [tilespmem:s31+$0xFFFFFE60];
	v60 =	vadd.s32 v6, v47  }
0x110: {  	v57 =	vld [tilespmem:s31+$0xFFFFFF90];
	[tilespmem:v62+s17+$0x0] =	vst.idx.msk $0xffff, v61;
	v58 =	vadd.s32 v25, v35  }
0x111: {  	v61 =	vld [tilespmem:s31+$0xFFFFFEA0];
	v62 =	vadd.s32 v10, v40;
	[tilespmem:v63+s17+$0x0] =	vst.idx.msk $0xffff, v33  }
0x112: {  	v33 =	vld [tilespmem:s31+$0xFFFFFEE0];
	v63 =	vadd.s32 v14, v42;
	[tilespmem:v56+s17+$0x0] =	vst.idx.msk $0xffff, v34  }
0x113: {  	v56 =	vadd.s32 v18, v44;
	[tilespmem:v49+s17+$0x0] =	vst.idx.msk $0xffff, v39;
	v49 =	vld [tilespmem:s31+$0xFFFFFF20]  }
0x114: {  	[tilespmem:v60+s17+$0x0] =	vst.idx.msk $0xffff, v59;
	v39 =	vadd.s32 v31, v41;
	v34 =	vld [tilespmem:s31+$0xFFFFFFF0]  }
0x115: {  	[tilespmem:v58+s17+$0x0] =	vst.idx.msk $0xffff, v57;
	v57 =	vld [tilespmem:s31+$0xFFFFFF60];
	v58 =	vadd.s32 v22, v38  }
0x116: {  	[tilespmem:v62+s17+$0x0] =	vst.idx.msk $0xffff, v61;
	v61 =	vld [tilespmem:s31+$0xFFFFFE20];
	v62 =	vadd.s32 v2, v46  }
0x117: {  	v60 =	vadd.s32 v26, v35;
	v59 =	vld [tilespmem:s31+$0xFFFFFFA0];
	[tilespmem:v63+s17+$0x0] =	vst.idx.msk $0xffff, v33  }
0x118: {  	v55 =	vadd.s32 v11, v40;
	v54 =	vadd.s32 v32, v41;
	v41 =	vld [tilespmem:s31+$0xFFFFFEB0];
	[tilespmem:v56+s17+$0x0] =	vst.idx.msk $0xffff, v49  }
0x119: {  	v53 =	vadd.s32 v7, v47;
	v63 =	vld [tilespmem:s31+$0xFFFFFE70];
	[tilespmem:v39+s17+$0x0] =	vst.idx.msk $0xffff, v34  }
0x11a: {  	v56 =	vld [tilespmem:s31+$0xFFFFFEF0];
	[tilespmem:v58+s17+$0x0] =	vst.idx.msk $0xffff, v57;
	v57 =	vadd.s32 v15, v42  }
0x11b: {  	[tilespmem:v62+s17+$0x0] =	vst.idx.msk $0xffff, v61;
	v34 =	vld [tilespmem:s31+$0x0]  }
0x11c: {  	v58 =	vld [tilespmem:s31+$0xFFFFFF30];
	[tilespmem:v60+s17+$0x0] =	vst.idx.msk $0xffff, v59;
	v59 =	vadd.s32 v19, v44  }
0x11d: {  	v61 =	vadd.s32 v23, v38;
	[tilespmem:v55+s17+$0x0] =	vst.idx.msk $0xffff, v41;
	v60 =	vld [tilespmem:s31+$0xFFFFFF70]  }
0x11e: {  	[tilespmem:v53+s17+$0x0] =	vst.idx.msk $0xffff, v63;
	v63 =	vadd.s32 v27, v35;
	v62 =	vld [tilespmem:s31+$0xFFFFFFB0]  }
0x11f: {  	v47 =	vadd.s32 v8, v47;
	v55 =	vld [tilespmem:s31+$0xFFFFFE80];
	[tilespmem:v57+s17+$0x0] =	vst.idx.msk $0xffff, v56  }
0x120: {  	v53 =	vld [tilespmem:s31+$0xFFFFFE30];
	[tilespmem:v54+s17+$0x0] =	vst.idx.msk $0xffff, v34;
	v54 =	vadd.s32 v3, v46  }
0x121: {  	v40 =	vadd.s32 v12, v40;
	v56 =	vld [tilespmem:s31+$0xFFFFFEC0];
	[tilespmem:v59+s17+$0x0] =	vst.idx.msk $0xffff, v58  }
0x122: {  	v42 =	vadd.s32 v16, v42;
	v57 =	vld [tilespmem:s31+$0xFFFFFF00];
	[tilespmem:v61+s17+$0x0] =	vst.idx.msk $0xffff, v60  }
0x123: {  	v59 =	vadd.s32 v20, v44;
	v58 =	vld [tilespmem:s31+$0xFFFFFF40];
	[tilespmem:v63+s17+$0x0] =	vst.idx.msk $0xffff, v62  }
0x124: {  	v38 =	vadd.s32 v24, v38;
	v60 =	vld [tilespmem:s31+$0xFFFFFF80];
	[tilespmem:v47+s17+$0x0] =	vst.idx.msk $0xffff, v55  }
0x125: {  	v35 =	vadd.s32 v28, v35;
	v61 =	vld [tilespmem:s31+$0xFFFFFFC0];
	[tilespmem:v54+s17+$0x0] =	vst.idx.msk $0xffff, v53  }
0x126: {  	v63 =	vadd.s32 v4, v46;
	[tilespmem:v40+s17+$0x0] =	vst.idx.msk $0xffff, v56;
	v62 =	vld [tilespmem:s31+$0xFFFFFE40]  }
0x127: {  	s23 =	sadd.s32 s6, s23;
	[tilespmem:v42+s17+$0x0] =	vst.idx.msk $0xffff, v57  }
0x128: {  	s25 =	sshll.u32 s23, $0x7;
	[tilespmem:v59+s17+$0x0] =	vst.idx.msk $0xffff, v58  }
0x129: {  	s23 =	sshll.u32 s23, $0xA;
	s24 =	sand.u32 $0x3E80, s25;
	[tilespmem:v38+s17+$0x0] =	vst.idx.msk $0xffff, v60  }
0x12a: {  	s23 =	sand.u32 $0xFFE0000, s23;
	s24 =	sadd.s32 s2, s24;
	[tilespmem:v35+s17+$0x0] =	vst.idx.msk $0xffff, v61  }
0x12b: {  	s26 =	simm.s32 $0x10600;
	s24 =	sadd.s32 s23, s24;
	[tilespmem:v63+s17+$0x0] =	vst.idx.msk $0xffff, v62  }
0x12c: {  	[hbm4b:s24+s3] =	stream.linear.scatter [tilespmem:s26], [sflag:$0x2], $0x80, $0x38;
	[tilespmem:$0x12800] =	vst v63  }
0x12d: {  	s29 =	simm.s32 $0x10688;
	s25 =	sadd.s32 $0x10, s24  }
0x12e: {  	[hbm4b:s25+s3] =	stream.linear.scatter [tilespmem:s29], [sflag:$0x2], $0x80, $0x38;
	[tilespmem:$0x12800] =	vst v63  }
0x12f: {  	s30 =	simm.s32 $0x10710;
	s23 =	simm.s32 $0x440;
	s31 =	sadd.s32 $0x20, s24  }
0x130: {  	[hbm4b:s31+s3] =	stream.linear.scatter [tilespmem:s30], [sflag:$0x2], $0x80, $0x38;
	[tilespmem:$0x12800] =	vst v63  }
0x131: {  	s28 =	sadd.s32 $0x70, s24;
	s26 =	simm.s32 $0x10798;
	s29 =	sadd.s32 $0x30, s24  }
0x132: {  	[hbm4b:s29+s3] =	stream.linear.scatter [tilespmem:s26], [sflag:$0x2], $0x80, $0x38;
	[tilespmem:$0x12800] =	vst v63  }
0x133: {  	s25 =	simm.s32 $0x2200;
	s30 =	simm.s32 $0x10820;
	s31 =	sadd.s32 $0x40, s24  }
0x134: {  	[hbm4b:s31+s3] =	stream.linear.scatter [tilespmem:s30], [sflag:$0x2], $0x80, $0x38;
	[tilespmem:$0x12800] =	vst v63  }
0x135: {  	s26 =	simm.s32 $0x108A8;
	s29 =	sadd.s32 $0x50, s24;
	s30 =	simm.s32 $0x10930  }
0x136: {  	[hbm4b:s29+s3] =	stream.linear.scatter [tilespmem:s26], [sflag:$0x2], $0x80, $0x38;
	[tilespmem:$0x12800] =	vst v63  }
0x137: {  	s31 =	sadd.s32 $0x60, s24;
	s24 =	sadd.s32 $0x4000, s24;
	s26 =	simm.s32 $0x109B8  }
0x138: {  	[hbm4b:s31+s3] =	stream.linear.scatter [tilespmem:s30], [sflag:$0x2], $0x80, $0x38;
	[tilespmem:$0x12800] =	vst v63  }
.LBB2_9:
0x139: {  	[hbm4b:s28+s3] =	stream.linear.scatter [tilespmem:s26], [sflag:$0x2], $0x80, $0x38;
	[tilespmem:$0x12800] =	vst v63  }
0x13a: {  	s26 =	smov.u32 s23;
	s23 =	smov.u32 s25  }
0x13b: {  	s29 =	sadd.s32 $0x1100, s25;
	s23 =	sshra.s32 s23, $0x2;
	s28 =	sadd.s32 $0x10600, s26  }
0x13c: {  	[hbm4b:s24+s3] =	stream.linear.scatter [tilespmem:s28], [sflag:$0x2], $0x80, $0x38;
	[tilespmem:$0x12800] =	vst v63  }
0x13d: {  	p0 =	sne.s32 s25, $0x7700;
	s25 =	sadd.s32 $0x10688, s26;
	s28 =	sadd.s32 $0x10, s24  }
0x13e: {  	[hbm4b:s28+s3] =	stream.linear.scatter [tilespmem:s25], [sflag:$0x2], $0x80, $0x38;
	[tilespmem:$0x12800] =	vst v63  }
0x13f: {  	s25 =	sadd.s32 $0x10710, s26;
	s28 =	sadd.s32 $0x20, s24  }
0x140: {  	[hbm4b:s28+s3] =	stream.linear.scatter [tilespmem:s25], [sflag:$0x2], $0x80, $0x38;
	[tilespmem:$0x12800] =	vst v63  }
0x141: {  	s25 =	sadd.s32 $0x10798, s26;
	s28 =	sadd.s32 $0x30, s24  }
0x142: {  	[hbm4b:s28+s3] =	stream.linear.scatter [tilespmem:s25], [sflag:$0x2], $0x80, $0x38;
	[tilespmem:$0x12800] =	vst v63  }
0x143: {  	s25 =	sadd.s32 $0x10820, s26;
	s28 =	sadd.s32 $0x40, s24  }
0x144: {  	[hbm4b:s28+s3] =	stream.linear.scatter [tilespmem:s25], [sflag:$0x2], $0x80, $0x38;
	[tilespmem:$0x12800] =	vst v63  }
.Ltmp5:
0x145: {  	s25 =	sadd.s32 $0x108A8, s26;
	s28 =	sadd.s32 $0x50, s24;
	(pc) =	sbr.rel @p0 .LBB2_9-.Ltmp5, $4  }
0x146: {  	[hbm4b:s28+s3] =	stream.linear.scatter [tilespmem:s25], [sflag:$0x2], $0x80, $0x38;
	[tilespmem:$0x12800] =	vst v63  }
0x147: {  	s25 =	sadd.s32 $0x10930, s26;
	s28 =	sadd.s32 $0x60, s24;
	s26 =	sadd.s32 $0x109B8, s26  }
0x148: {  	[hbm4b:s28+s3] =	stream.linear.scatter [tilespmem:s25], [sflag:$0x2], $0x80, $0x38;
	[tilespmem:$0x12800] =	vst v63  }
0x149: {  	s28 =	sadd.s32 $0x70, s24;
	s24 =	sadd.s32 $0x4000, s24;
	s25 =	smov.u32 s29  }
0x14a: {  	[hbm4b:s28+s3] =	stream.linear.scatter [tilespmem:s26], [sflag:$0x2], $0x80, $0x38;
	[tilespmem:$0x12800] =	vst v63  }
0x14b: {  	s25 =	sadd.s32 $0x10600, s23  }
0x14c: {  	[hbm4b:s24+s3] =	stream.linear.scatter [tilespmem:s25], [sflag:$0x2], $0x80, $0x38;
	[tilespmem:$0x12800] =	vst v63  }
0x14d: {  	s30 =	sadd.s32 $0x10688, s23;
	s31 =	sadd.s32 $0x10, s24;
	p0 =	seq.s32 s20, $0x31  }
0x14e: {  	[hbm4b:s31+s3] =	stream.linear.scatter [tilespmem:s30], [sflag:$0x2], $0x80, $0x38;
	[tilespmem:$0x12800] =	vst v63  }
0x14f: {  	s28 =	sadd.s32 $0x10710, s23;
	s29 =	sadd.s32 $0x20, s24;
	s26 =	simm.s32 @!p0 $0x6400  }
0x150: {  	[hbm4b:s29+s3] =	stream.linear.scatter [tilespmem:s28], [sflag:$0x2], $0x80, $0x38;
	[tilespmem:$0x12800] =	vst v63  }
0x151: {  	s25 =	simm.s32 @!p0 $0x80;
	s30 =	sadd.s32 $0x10798, s23;
	s31 =	sadd.s32 $0x30, s24  }
0x152: {  	[hbm4b:s31+s3] =	stream.linear.scatter [tilespmem:s30], [sflag:$0x2], $0x80, $0x38;
	[tilespmem:$0x12800] =	vst v63  }
0x153: {  	s28 =	sadd.s32 $0x10820, s23;
	s29 =	sadd.s32 $0x40, s24;
	s30 =	sadd.s32 $0x108A8, s23  }
0x154: {  	[hbm4b:s29+s3] =	stream.linear.scatter [tilespmem:s28], [sflag:$0x2], $0x80, $0x38;
	[tilespmem:$0x12800] =	vst v63  }
0x155: {  	s31 =	sadd.s32 $0x50, s24;
	s28 =	sadd.s32 $0x10930, s23;
	s29 =	sadd.s32 $0x60, s24  }
0x156: {  	[hbm4b:s31+s3] =	stream.linear.scatter [tilespmem:s30], [sflag:$0x2], $0x80, $0x38;
	[tilespmem:$0x12800] =	vst v63  }
0x157: {  	s30 =	sadd.s32 $0x109B8, s23;
	s31 =	sadd.s32 $0x70, s24;
	s23 =	sshll.u32 @!p0 s20, $0x9  }
0x158: {  	[hbm4b:s29+s3] =	stream.linear.scatter [tilespmem:s28], [sflag:$0x2], $0x80, $0x38;
	[tilespmem:$0x12800] =	vst v63  }
0x159: {  	s23 =	sand.u32 @!p0 $0x3FFFFE00, s23;
	s28 =	simm.s32 $0x2;
	s29 =	simm.s32 $0x3  }
0x15a: {  	[hbm4b:s31+s3] =	stream.linear.scatter [tilespmem:s30], [sflag:$0x2], $0x80, $0x38;
	[tilespmem:$0x12800] =	vst v63  }
0x15b: {  	s24 =	sadd.s32 @!p0 $0x200, s23;
	v35 =	vmov s28;
	v36 =	vmov s29;
	s28 =	simm.s32 $0x5;
	s29 =	simm.s32 $0x6  }
0x15c: {  	v39 =	vmov s28;
	[tilespmem:s26], [sflag:$0x1] =	stream.indirect.gather @!p0 [hbm4b:s4+s25], $0x40, s24, s25, $0xb8;
	[tilespmem:$0x12800] =	vst v63  }
0x15d: {  	s30 =	simm.s32 $0x4;
	s31 =	simm.s32 $0x7;
	v40 =	vmov s29;
	v35 =	vshrl.u32 v35, $0x3;
	v36 =	vshrl.u32 v36, $0x3;
	_ =	swait.ge [sflag:s14], $0x2000  }
0x15e: {  	v37 =	vmov s30;
	v38 =	vmov s31;
	v52 =	vshll.u32 v35, v1;
	s25 =	simm.s32 $0x0;
	[sflag:s14] =	ssyncset.done $0x0  }
0x15f: {  	v53 =	vshll.u32 v36, v1;
	s26 =	simm.s32 $0x1;
	v38 =	vshrl.u32 v38, $0x3;
	v33 =	vmov s25;
	[sflag:s14] =	ssyncadd.s32 $0xFFFFE000  }
0x160: {  	v34 =	vmov s26;
	v38 =	vshll.u32 v38, v1;
	v33 =	vshrl.u32 v33, $0x3;
	_ =	swait.ge [sflag:s18], $0x2000  }
0x161: {  	v34 =	vshrl.u32 v34, $0x3;
	v38 =	vbroadcast v38, $0x0;
	v33 =	vshll.u32 v33, v1;
	[sflag:s18] =	ssyncset.done $0x0  }
0x162: {  	v55 =	vshrl.u32 v39, $0x3;
	s24 =	simm.s32 $0xA5F0;
	v34 =	vshll.u32 v34, v1;
	v33 =	vbroadcast v33, $0x0;
	[sflag:s18] =	ssyncadd.s32 $0xFFFFE000  }
0x163: {  	v40 =	vshrl.u32 v40, $0x3;
	v45 =	vbroadcast v34, $0x0;
	v42 =	vadd.s32 v29, v38;
	v41 =	vld [tilespmem:s24+$0xFFFFFFD0]  }
0x164: {  	v37 =	vshrl.u32 v37, $0x3;
	v52 =	vbroadcast v52, $0x0;
	v44 =	vadd.s32 v0, v33;
	v43 =	vld [tilespmem:s24+$0xFFFFFE10]  }
0x165: {  	v35 =	vbroadcast v53, $0x0;
	v54 =	vshll.u32 v37, v1;
	v47 =	vadd.s32 v5, v45;
	v46 =	vld [tilespmem:s24+$0xFFFFFE50]  }
0x166: {  	v36 =	vshll.u32 v55, v1;
	v49 =	vadd.s32 v9, v52;
	v34 =	vbroadcast v54, $0x0;
	v48 =	vld [tilespmem:s24+$0xFFFFFE90]  }
0x167: {  	v56 =	vshll.u32 v40, v1;
	v37 =	vbroadcast v36, $0x0;
	v50 =	vadd.s32 v13, v35;
	v39 =	vld [tilespmem:s24+$0xFFFFFED0]  }
0x168: {  	v36 =	vbroadcast v56, $0x0;
	v53 =	vadd.s32 v17, v34;
	v51 =	vld [tilespmem:s24+$0xFFFFFF10];
	[tilespmem:v42+s15+$0x0] =	vst.idx.msk $0xffff, v41  }
0x169: {  	v60 =	vadd.s32 v21, v37;
	v59 =	vld [tilespmem:s24+$0xFFFFFF50];
	[tilespmem:v44+s15+$0x0] =	vst.idx.msk $0xffff, v43  }
0x16a: {  	v62 =	vadd.s32 v25, v36;
	v61 =	vld [tilespmem:s24+$0xFFFFFF90];
	[tilespmem:v47+s15+$0x0] =	vst.idx.msk $0xffff, v46  }
0x16b: {  	v58 =	vadd.s32 v30, v38;
	[tilespmem:v49+s15+$0x0] =	vst.idx.msk $0xffff, v48;
	v57 =	vld [tilespmem:s24+$0xFFFFFFE0]  }
0x16c: {  	v63 =	vadd.s32 v6, v45;
	[tilespmem:v50+s15+$0x0] =	vst.idx.msk $0xffff, v39;
	v47 =	vld [tilespmem:s24+$0xFFFFFE60]  }
0x16d: {  	v55 =	vadd.s32 v10, v52;
	[tilespmem:v53+s15+$0x0] =	vst.idx.msk $0xffff, v51;
	v54 =	vld [tilespmem:s24+$0xFFFFFEA0]  }
0x16e: {  	v56 =	vadd.s32 v14, v35;
	[tilespmem:v60+s15+$0x0] =	vst.idx.msk $0xffff, v59;
	v50 =	vld [tilespmem:s24+$0xFFFFFEE0]  }
0x16f: {  	[tilespmem:v62+s15+$0x0] =	vst.idx.msk $0xffff, v61;
	v46 =	vadd.s32 v22, v37;
	v44 =	vld [tilespmem:s24+$0xFFFFFF60]  }
0x170: {  	v59 =	vadd.s32 v18, v34;
	[tilespmem:v58+s15+$0x0] =	vst.idx.msk $0xffff, v57;
	v58 =	vld [tilespmem:s24+$0xFFFFFF20]  }
0x171: {  	v57 =	vadd.s32 v31, v38;
	[tilespmem:v63+s15+$0x0] =	vst.idx.msk $0xffff, v47;
	v40 =	vld [tilespmem:s24+$0xFFFFFFF0]  }
0x172: {  	v60 =	vadd.s32 v26, v36;
	[tilespmem:v55+s15+$0x0] =	vst.idx.msk $0xffff, v54;
	v63 =	vld [tilespmem:s24+$0xFFFFFFA0]  }
0x173: {  	v62 =	vadd.s32 v2, v33;
	v61 =	vld [tilespmem:s24+$0xFFFFFE20];
	[tilespmem:v56+s15+$0x0] =	vst.idx.msk $0xffff, v50  }
0x174: {  	v51 =	vadd.s32 v7, v45;
	[tilespmem:v46+s15+$0x0] =	vst.idx.msk $0xffff, v44;
	v50 =	vld [tilespmem:s24+$0xFFFFFE70]  }
0x175: {  	v56 =	vadd.s32 v11, v52;
	v55 =	vld [tilespmem:s24+$0xFFFFFEB0];
	[tilespmem:v59+s15+$0x0] =	vst.idx.msk $0xffff, v58  }
0x176: {  	v58 =	vadd.s32 v15, v35;
	[tilespmem:v57+s15+$0x0] =	vst.idx.msk $0xffff, v40;
	v57 =	vld [tilespmem:s24+$0xFFFFFEF0]  }
0x177: {  	[tilespmem:v60+s15+$0x0] =	vst.idx.msk $0xffff, v63;
	v60 =	vadd.s32 v19, v34;
	v59 =	vld [tilespmem:s24+$0xFFFFFF30]  }
0x178: {  	s31 =	simm.s32 $0x9;
	v38 =	vadd.s32 v32, v38;
	[tilespmem:v62+s15+$0x0] =	vst.idx.msk $0xffff, v61;
	v54 =	vld [tilespmem:s24+$0x0]  }
0x179: {  	s30 =	simm.s32 $0x8;
	v41 =	vadd.s32 v23, v37;
	v53 =	vmov s31;
	[tilespmem:v51+s15+$0x0] =	vst.idx.msk $0xffff, v50;
	v40 =	vld [tilespmem:s24+$0xFFFFFF70]  }
0x17a: {  	s28 =	simm.s32 $0xB;
	s29 =	simm.s32 $0xC;
	v43 =	vadd.s32 v27, v36;
	v48 =	vadd.s32 v3, v33;
	v63 =	vmov s30;
	v42 =	vld [tilespmem:s24+$0xFFFFFFB0];
	[tilespmem:v56+s15+$0x0] =	vst.idx.msk $0xffff, v55  }
0x17b: {  	s31 =	simm.s32 $0xE;
	v44 =	vmov s28;
	v47 =	vmov s29;
	v46 =	vld [tilespmem:s24+$0xFFFFFE30];
	v39 =	vshrl.u32 v63, $0x3;
	[tilespmem:v58+s15+$0x0] =	vst.idx.msk $0xffff, v57  }
0x17c: {  	s26 =	simm.s32 $0xA;
	s30 =	simm.s32 $0xD;
	v51 =	vadd.s32 v8, v45;
	v49 =	vld [tilespmem:s24+$0xFFFFFE80];
	v45 =	vshll.u32 v39, v1;
	v39 =	vmov s31;
	[tilespmem:v60+s15+$0x0] =	vst.idx.msk $0xffff, v59  }
0x17d: {  	s25 =	simm.s32 $0x10;
	v52 =	vadd.s32 v12, v52;
	v50 =	vld [tilespmem:s24+$0xFFFFFEC0];
	[tilespmem:v38+s15+$0x0] =	vst.idx.msk $0xffff, v54;
	v54 =	vmov s26;
	v38 =	vmov s30;
	s26 =	simm.s32 $0xF  }
.LBB2_11:
0x17e: {  	p1 =	slt.u32 s25, $0x78;
	v53 =	vshrl.u32 v53, $0x3;
	v55 =	vmov s26;
	v56 =	vld [tilespmem:s24+$0xFFFFFF00];
	v35 =	vadd.s32 v16, v35;
	[tilespmem:v41+s15+$0x0] =	vst.idx.msk $0xffff, v40  }
0x17f: {  	v40 =	vshrl.u32 v54, $0x3;
	v34 =	vadd.s32 v20, v34;
	v41 =	vshrl.u32 v55, $0x3;
	v54 =	vld [tilespmem:s24+$0xFFFFFF40];
	[tilespmem:v43+s15+$0x0] =	vst.idx.msk $0xffff, v42  }
0x180: {  	v37 =	vadd.s32 v24, v37;
	v42 =	vshrl.u32 v44, $0x3;
	v41 =	vshll.u32 v41, v1;
	[tilespmem:v48+s15+$0x0] =	vst.idx.msk $0xffff, v46;
	v43 =	vld [tilespmem:s24+$0xFFFFFF80]  }
0x181: {  	v36 =	vadd.s32 v28, v36;
	v44 =	vshrl.u32 v47, $0x3;
	v41 =	vbroadcast v41, $0x0;
	[tilespmem:v51+s15+$0x0] =	vst.idx.msk $0xffff, v49;
	v46 =	vld [tilespmem:s24+$0xFFFFFFC0]  }
0x182: {  	v47 =	vshll.u32 v53, v1;
	v49 =	vadd.s32 v4, v33;
	v33 =	vbroadcast v45, $0x0;
	v48 =	vld [tilespmem:s24+$0xFFFFFE40];
	[tilespmem:v52+s15+$0x0] =	vst.idx.msk $0xffff, v50;
	s24 =	sadd.s32 $0x200, s24  }
0x183: {  	v40 =	vshll.u32 v40, v1;
	v45 =	vbroadcast v47, $0x0;
	v47 =	vld [tilespmem:s24+$0xFFFFFFD0];
	v50 =	vadd.s32 v29, v41;
	[tilespmem:v35+s15+$0x0] =	vst.idx.msk $0xffff, v56  }
0x184: {  	v55 =	vbroadcast v40, $0x0;
	v52 =	vadd.s32 v0, v33;
	v35 =	vshll.u32 v42, v1;
	v51 =	vld [tilespmem:s24+$0xFFFFFE10];
	[tilespmem:v34+s15+$0x0] =	vst.idx.msk $0xffff, v54  }
0x185: {  	v42 =	vadd.s32 v5, v45;
	v35 =	vbroadcast v35, $0x0;
	v34 =	vshll.u32 v44, v1;
	v40 =	vld [tilespmem:s24+$0xFFFFFE50];
	[tilespmem:v37+s15+$0x0] =	vst.idx.msk $0xffff, v43  }
0x186: {  	v44 =	vadd.s32 v9, v55;
	v34 =	vbroadcast v34, $0x0;
	v37 =	vshrl.u32 v38, $0x3;
	v43 =	vld [tilespmem:s24+$0xFFFFFE90];
	[tilespmem:v36+s15+$0x0] =	vst.idx.msk $0xffff, v46  }
0x187: {  	v39 =	vshrl.u32 v39, $0x3;
	v46 =	vadd.s32 v13, v35;
	v36 =	vshll.u32 v37, v1;
	v38 =	vld [tilespmem:s24+$0xFFFFFED0];
	[tilespmem:v49+s15+$0x0] =	vst.idx.msk $0xffff, v48  }
0x188: {  	v49 =	vadd.s32 v17, v34;
	v37 =	vbroadcast v36, $0x0;
	v36 =	vshll.u32 v39, v1;
	v48 =	vld [tilespmem:s24+$0xFFFFFF10];
	[tilespmem:v50+s15+$0x0] =	vst.idx.msk $0xffff, v47  }
0x189: {  	v36 =	vbroadcast v36, $0x0;
	v47 =	vadd.s32 v30, v41;
	[tilespmem:v52+s15+$0x0] =	vst.idx.msk $0xffff, v51;
	v39 =	vld [tilespmem:s24+$0xFFFFFFE0]  }
0x18a: {  	[tilespmem:v42+s15+$0x0] =	vst.idx.msk $0xffff, v40;
	v40 =	vld [tilespmem:s24+$0xFFFFFF50];
	v42 =	vadd.s32 v21, v37  }
0x18b: {  	[tilespmem:v44+s15+$0x0] =	vst.idx.msk $0xffff, v43;
	v43 =	vld [tilespmem:s24+$0xFFFFFF90];
	v44 =	vadd.s32 v25, v36  }
0x18c: {  	v51 =	vadd.s32 v6, v45;
	v50 =	vld [tilespmem:s24+$0xFFFFFE60];
	[tilespmem:v46+s15+$0x0] =	vst.idx.msk $0xffff, v38  }
0x18d: {  	v46 =	vadd.s32 v10, v55;
	v38 =	vld [tilespmem:s24+$0xFFFFFEA0];
	[tilespmem:v49+s15+$0x0] =	vst.idx.msk $0xffff, v48  }
0x18e: {  	v49 =	vadd.s32 v14, v35;
	v48 =	vld [tilespmem:s24+$0xFFFFFEE0];
	[tilespmem:v47+s15+$0x0] =	vst.idx.msk $0xffff, v39  }
0x18f: {  	[tilespmem:v42+s15+$0x0] =	vst.idx.msk $0xffff, v40;
	v39 =	vld [tilespmem:s24+$0xFFFFFFF0];
	v40 =	vadd.s32 v31, v41  }
0x190: {  	v47 =	vadd.s32 v18, v34;
	v42 =	vld [tilespmem:s24+$0xFFFFFF20];
	[tilespmem:v44+s15+$0x0] =	vst.idx.msk $0xffff, v43  }
0x191: {  	v44 =	vadd.s32 v22, v37;
	[tilespmem:v51+s15+$0x0] =	vst.idx.msk $0xffff, v50;
	v43 =	vld [tilespmem:s24+$0xFFFFFF60]  }
0x192: {  	[tilespmem:v46+s15+$0x0] =	vst.idx.msk $0xffff, v38;
	v38 =	vld [tilespmem:s24+$0xFFFFFFA0];
	v46 =	vadd.s32 v26, v36  }
0x193: {  	v51 =	vadd.s32 v2, v33;
	v50 =	vld [tilespmem:s24+$0xFFFFFE20];
	[tilespmem:v49+s15+$0x0] =	vst.idx.msk $0xffff, v48  }
0x194: {  	v49 =	vadd.s32 v7, v45;
	v48 =	vld [tilespmem:s24+$0xFFFFFE70];
	[tilespmem:v40+s15+$0x0] =	vst.idx.msk $0xffff, v39  }
0x195: {  	[tilespmem:v47+s15+$0x0] =	vst.idx.msk $0xffff, v42;
	v39 =	vld [tilespmem:s24+$0x0];
	v47 =	vadd.s32 v32, v41  }
0x196: {  	v56 =	vadd.s32 v11, v55;
	v52 =	vld [tilespmem:s24+$0xFFFFFEB0];
	[tilespmem:v44+s15+$0x0] =	vst.idx.msk $0xffff, v43  }
0x197: {  	v58 =	vadd.s32 v15, v35;
	v57 =	vld [tilespmem:s24+$0xFFFFFEF0];
	[tilespmem:v46+s15+$0x0] =	vst.idx.msk $0xffff, v38  }
0x198: {  	v60 =	vadd.s32 v19, v34;
	[tilespmem:v51+s15+$0x0] =	vst.idx.msk $0xffff, v50;
	v59 =	vld [tilespmem:s24+$0xFFFFFF30]  }
.Ltmp6:
0x199: {  	s26 =	sadd.s32 $0x1, s25;
	v41 =	vadd.s32 v23, v37;
	v38 =	vmov s25;
	[tilespmem:v49+s15+$0x0] =	vst.idx.msk $0xffff, v48;
	v40 =	vld [tilespmem:s24+$0xFFFFFF70];
	(pc) =	sbr.rel @p1 .LBB2_11-.Ltmp6, $4  }
0x19a: {  	s28 =	sadd.s32 $0x3, s25;
	v53 =	vmov s26;
	s26 =	sadd.s32 $0x2, s25;
	v43 =	vadd.s32 v27, v36;
	v50 =	vshrl.u32 v38, $0x3;
	v42 =	vld [tilespmem:s24+$0xFFFFFFB0];
	[tilespmem:v47+s15+$0x0] =	vst.idx.msk $0xffff, v39  }
0x19b: {  	v54 =	vmov s26;
	s26 =	sadd.s32 $0x4, s25;
	v44 =	vmov s28;
	s28 =	sadd.s32 $0x5, s25;
	v48 =	vadd.s32 v3, v33;
	v46 =	vld [tilespmem:s24+$0xFFFFFE30];
	[tilespmem:v56+s15+$0x0] =	vst.idx.msk $0xffff, v52  }
0x19c: {  	v38 =	vmov s28;
	v51 =	vadd.s32 v8, v45;
	v47 =	vmov s26;
	s26 =	sadd.s32 $0x6, s25;
	v49 =	vld [tilespmem:s24+$0xFFFFFE80];
	[tilespmem:v58+s15+$0x0] =	vst.idx.msk $0xffff, v57  }
0x19d: {  	v45 =	vshll.u32 v50, v1;
	v39 =	vmov s26;
	s26 =	sadd.s32 $0x7, s25;
	s25 =	sadd.s32 $0x8, s25;
	v52 =	vadd.s32 v12, v55;
	v50 =	vld [tilespmem:s24+$0xFFFFFEC0];
	[tilespmem:v60+s15+$0x0] =	vst.idx.msk $0xffff, v59  }
0x19e: {  	_ =	sdelay $0x2  }
0x19f: {  	v53 =	vshrl.u32 v53, $0x3  }
0x1a0: {  	v55 =	vmov s26;
	v56 =	vld [tilespmem:s24+$0xFFFFFF00];
	v35 =	vadd.s32 v16, v35;
	[tilespmem:v41+s15+$0x0] =	vst.idx.msk $0xffff, v40;
	v57 =	vshrl.u32 v54, $0x3  }
0x1a1: {  	v59 =	vld [tilespmem:s24+$0xFFFFFF40];
	v34 =	vadd.s32 v20, v34;
	v60 =	vshrl.u32 v44, $0x3;
	v58 =	vshrl.u32 v55, $0x3;
	[tilespmem:v43+s15+$0x0] =	vst.idx.msk $0xffff, v42  }
0x1a2: {  	v37 =	vadd.s32 v24, v37;
	v62 =	vshrl.u32 v47, $0x3;
	v61 =	vld [tilespmem:s24+$0xFFFFFF80];
	v41 =	vshll.u32 v58, v1;
	[tilespmem:v48+s15+$0x0] =	vst.idx.msk $0xffff, v46  }
0x1a3: {  	v36 =	vadd.s32 v28, v36;
	v45 =	vbroadcast v45, $0x0;
	v63 =	vld [tilespmem:s24+$0xFFFFFFC0];
	v41 =	vbroadcast v41, $0x0;
	[tilespmem:v51+s15+$0x0] =	vst.idx.msk $0xffff, v49  }
0x1a4: {  	v33 =	vadd.s32 v4, v33;
	s31 =	sadd.s32 $0x200, s24;
	v38 =	vshrl.u32 v38, $0x3;
	v55 =	vshll.u32 v53, v1;
	v48 =	vld [tilespmem:s24+$0xFFFFFE40];
	[tilespmem:v52+s15+$0x0] =	vst.idx.msk $0xffff, v50  }
0x1a5: {  	v40 =	vshll.u32 v57, v1;
	v47 =	vbroadcast v55, $0x0;
	v49 =	vld [tilespmem:s31+$0xFFFFFFD0];
	v50 =	vadd.s32 v29, v41;
	[tilespmem:v35+s15+$0x0] =	vst.idx.msk $0xffff, v56  }
0x1a6: {  	v42 =	vshll.u32 v60, v1;
	v40 =	vbroadcast v40, $0x0;
	v35 =	vld [tilespmem:s31+$0xFFFFFE10];
	v56 =	vadd.s32 v0, v45;
	[tilespmem:v34+s15+$0x0] =	vst.idx.msk $0xffff, v59  }
0x1a7: {  	v57 =	vld [tilespmem:s31+$0xFFFFFE50];
	v44 =	vshll.u32 v62, v1;
	v42 =	vbroadcast v42, $0x0;
	v58 =	vadd.s32 v5, v47;
	[tilespmem:v37+s15+$0x0] =	vst.idx.msk $0xffff, v61  }
0x1a8: {  	v38 =	vshll.u32 v38, v1;
	v44 =	vbroadcast v44, $0x0;
	v60 =	vadd.s32 v9, v40;
	v59 =	vld [tilespmem:s31+$0xFFFFFE90];
	[tilespmem:v36+s15+$0x0] =	vst.idx.msk $0xffff, v63  }
0x1a9: {  	v38 =	vbroadcast v38, $0x0;
	v62 =	vadd.s32 v13, v42;
	v61 =	vld [tilespmem:s31+$0xFFFFFED0];
	[tilespmem:v33+s15+$0x0] =	vst.idx.msk $0xffff, v48  }
0x1aa: {  	v39 =	vshrl.u32 v39, $0x3;
	v63 =	vadd.s32 v17, v44;
	v33 =	vld [tilespmem:s31+$0xFFFFFF10];
	[tilespmem:v50+s15+$0x0] =	vst.idx.msk $0xffff, v49  }
0x1ab: {  	v39 =	vshll.u32 v39, v1;
	v34 =	vld [tilespmem:s31+$0xFFFFFF50];
	[tilespmem:v56+s15+$0x0] =	vst.idx.msk $0xffff, v35;
	v56 =	vadd.s32 v21, v38  }
0x1ac: {  	[tilespmem:v58+s15+$0x0] =	vst.idx.msk $0xffff, v57;
	v35 =	vbroadcast v39, $0x0;
	v49 =	vadd.s32 v30, v41;
	v39 =	vld [tilespmem:s31+$0xFFFFFFE0]  }
0x1ad: {  	[tilespmem:v60+s15+$0x0] =	vst.idx.msk $0xffff, v59;
	v59 =	vld [tilespmem:s31+$0xFFFFFE60];
	v60 =	vadd.s32 v6, v47  }
0x1ae: {  	v57 =	vld [tilespmem:s31+$0xFFFFFF90];
	[tilespmem:v62+s15+$0x0] =	vst.idx.msk $0xffff, v61;
	v58 =	vadd.s32 v25, v35  }
0x1af: {  	v61 =	vld [tilespmem:s31+$0xFFFFFEA0];
	v62 =	vadd.s32 v10, v40;
	[tilespmem:v63+s15+$0x0] =	vst.idx.msk $0xffff, v33  }
0x1b0: {  	v33 =	vld [tilespmem:s31+$0xFFFFFEE0];
	v63 =	vadd.s32 v14, v42;
	[tilespmem:v56+s15+$0x0] =	vst.idx.msk $0xffff, v34  }
0x1b1: {  	v56 =	vadd.s32 v18, v44;
	[tilespmem:v49+s15+$0x0] =	vst.idx.msk $0xffff, v39;
	v49 =	vld [tilespmem:s31+$0xFFFFFF20]  }
0x1b2: {  	[tilespmem:v60+s15+$0x0] =	vst.idx.msk $0xffff, v59;
	v39 =	vadd.s32 v31, v41;
	v34 =	vld [tilespmem:s31+$0xFFFFFFF0]  }
0x1b3: {  	[tilespmem:v58+s15+$0x0] =	vst.idx.msk $0xffff, v57;
	v57 =	vld [tilespmem:s31+$0xFFFFFF60];
	v58 =	vadd.s32 v22, v38  }
0x1b4: {  	[tilespmem:v62+s15+$0x0] =	vst.idx.msk $0xffff, v61;
	v61 =	vld [tilespmem:s31+$0xFFFFFE20];
	v62 =	vadd.s32 v2, v45  }
0x1b5: {  	v60 =	vadd.s32 v26, v35;
	v59 =	vld [tilespmem:s31+$0xFFFFFFA0];
	[tilespmem:v63+s15+$0x0] =	vst.idx.msk $0xffff, v33  }
0x1b6: {  	v55 =	vadd.s32 v11, v40;
	v54 =	vadd.s32 v32, v41;
	v41 =	vld [tilespmem:s31+$0xFFFFFEB0];
	[tilespmem:v56+s15+$0x0] =	vst.idx.msk $0xffff, v49  }
0x1b7: {  	v53 =	vadd.s32 v7, v47;
	v63 =	vld [tilespmem:s31+$0xFFFFFE70];
	[tilespmem:v39+s15+$0x0] =	vst.idx.msk $0xffff, v34  }
0x1b8: {  	v56 =	vld [tilespmem:s31+$0xFFFFFEF0];
	[tilespmem:v58+s15+$0x0] =	vst.idx.msk $0xffff, v57;
	v57 =	vadd.s32 v15, v42  }
0x1b9: {  	[tilespmem:v62+s15+$0x0] =	vst.idx.msk $0xffff, v61;
	v34 =	vld [tilespmem:s31+$0x0]  }
0x1ba: {  	v58 =	vld [tilespmem:s31+$0xFFFFFF30];
	[tilespmem:v60+s15+$0x0] =	vst.idx.msk $0xffff, v59;
	v59 =	vadd.s32 v19, v44  }
0x1bb: {  	v61 =	vadd.s32 v23, v38;
	[tilespmem:v55+s15+$0x0] =	vst.idx.msk $0xffff, v41;
	v60 =	vld [tilespmem:s31+$0xFFFFFF70]  }
0x1bc: {  	[tilespmem:v53+s15+$0x0] =	vst.idx.msk $0xffff, v63;
	v63 =	vadd.s32 v27, v35;
	v62 =	vld [tilespmem:s31+$0xFFFFFFB0]  }
0x1bd: {  	v47 =	vadd.s32 v8, v47;
	v55 =	vld [tilespmem:s31+$0xFFFFFE80];
	[tilespmem:v57+s15+$0x0] =	vst.idx.msk $0xffff, v56  }
0x1be: {  	v53 =	vld [tilespmem:s31+$0xFFFFFE30];
	[tilespmem:v54+s15+$0x0] =	vst.idx.msk $0xffff, v34;
	v54 =	vadd.s32 v3, v45  }
0x1bf: {  	v40 =	vadd.s32 v12, v40;
	v56 =	vld [tilespmem:s31+$0xFFFFFEC0];
	[tilespmem:v59+s15+$0x0] =	vst.idx.msk $0xffff, v58  }
0x1c0: {  	v42 =	vadd.s32 v16, v42;
	v57 =	vld [tilespmem:s31+$0xFFFFFF00];
	[tilespmem:v61+s15+$0x0] =	vst.idx.msk $0xffff, v60  }
0x1c1: {  	v59 =	vadd.s32 v20, v44;
	v58 =	vld [tilespmem:s31+$0xFFFFFF40];
	[tilespmem:v63+s15+$0x0] =	vst.idx.msk $0xffff, v62  }
0x1c2: {  	v38 =	vadd.s32 v24, v38;
	v60 =	vld [tilespmem:s31+$0xFFFFFF80];
	[tilespmem:v47+s15+$0x0] =	vst.idx.msk $0xffff, v55  }
0x1c3: {  	v35 =	vadd.s32 v28, v35;
	v61 =	vld [tilespmem:s31+$0xFFFFFFC0];
	[tilespmem:v54+s15+$0x0] =	vst.idx.msk $0xffff, v53  }
0x1c4: {  	s22 =	sadd.s32 s22, s6;
	v63 =	vadd.s32 v4, v45;
	[tilespmem:v40+s15+$0x0] =	vst.idx.msk $0xffff, v56;
	v62 =	vld [tilespmem:s31+$0xFFFFFE40]  }
0x1c5: {  	s22 =	sadd.s32 $0x2, s22;
	[tilespmem:v42+s15+$0x0] =	vst.idx.msk $0xffff, v57  }
0x1c6: {  	s25 =	sshll.u32 s22, $0x7;
	[tilespmem:v59+s15+$0x0] =	vst.idx.msk $0xffff, v58  }
0x1c7: {  	s22 =	sshll.u32 s22, $0xA;
	s24 =	sand.u32 $0x3F00, s25;
	[tilespmem:v38+s15+$0x0] =	vst.idx.msk $0xffff, v60  }
0x1c8: {  	s22 =	sand.u32 $0xFFE0000, s22;
	s24 =	sadd.s32 s2, s24;
	[tilespmem:v35+s15+$0x0] =	vst.idx.msk $0xffff, v61  }
0x1c9: {  	s26 =	simm.s32 $0xE400;
	s24 =	sadd.s32 s22, s24;
	[tilespmem:v63+s15+$0x0] =	vst.idx.msk $0xffff, v62  }
0x1ca: {  	[hbm4b:s24+s3] =	stream.linear.scatter [tilespmem:s26], [sflag:$0x2], $0x80, $0x38;
	[tilespmem:$0x12800] =	vst v63  }
0x1cb: {  	s29 =	simm.s32 $0xE488;
	s25 =	sadd.s32 $0x10, s24  }
0x1cc: {  	[hbm4b:s25+s3] =	stream.linear.scatter [tilespmem:s29], [sflag:$0x2], $0x80, $0x38;
	[tilespmem:$0x12800] =	vst v63  }
0x1cd: {  	s30 =	simm.s32 $0xE510;
	s22 =	simm.s32 $0x440;
	s31 =	sadd.s32 $0x20, s24  }
0x1ce: {  	[hbm4b:s31+s3] =	stream.linear.scatter [tilespmem:s30], [sflag:$0x2], $0x80, $0x38;
	[tilespmem:$0x12800] =	vst v63  }
0x1cf: {  	s28 =	sadd.s32 $0x70, s24;
	s26 =	simm.s32 $0xE598;
	s29 =	sadd.s32 $0x30, s24  }
0x1d0: {  	[hbm4b:s29+s3] =	stream.linear.scatter [tilespmem:s26], [sflag:$0x2], $0x80, $0x38;
	[tilespmem:$0x12800] =	vst v63  }
0x1d1: {  	s25 =	simm.s32 $0x2200;
	s30 =	simm.s32 $0xE620;
	s31 =	sadd.s32 $0x40, s24  }
0x1d2: {  	[hbm4b:s31+s3] =	stream.linear.scatter [tilespmem:s30], [sflag:$0x2], $0x80, $0x38;
	[tilespmem:$0x12800] =	vst v63  }
0x1d3: {  	s26 =	simm.s32 $0xE6A8;
	s29 =	sadd.s32 $0x50, s24;
	s30 =	simm.s32 $0xE730  }
0x1d4: {  	[hbm4b:s29+s3] =	stream.linear.scatter [tilespmem:s26], [sflag:$0x2], $0x80, $0x38;
	[tilespmem:$0x12800] =	vst v63  }
0x1d5: {  	s31 =	sadd.s32 $0x60, s24;
	s24 =	sadd.s32 $0x4000, s24;
	s26 =	simm.s32 $0xE7B8  }
0x1d6: {  	[hbm4b:s31+s3] =	stream.linear.scatter [tilespmem:s30], [sflag:$0x2], $0x80, $0x38;
	[tilespmem:$0x12800] =	vst v63  }
.LBB2_13:
0x1d7: {  	[hbm4b:s28+s3] =	stream.linear.scatter [tilespmem:s26], [sflag:$0x2], $0x80, $0x38;
	[tilespmem:$0x12800] =	vst v63  }
0x1d8: {  	s26 =	smov.u32 s22;
	s22 =	smov.u32 s25  }
0x1d9: {  	s29 =	sadd.s32 $0x1100, s25;
	s22 =	sshra.s32 s22, $0x2;
	s28 =	sadd.s32 $0xE400, s26  }
0x1da: {  	[hbm4b:s24+s3] =	stream.linear.scatter [tilespmem:s28], [sflag:$0x2], $0x80, $0x38;
	[tilespmem:$0x12800] =	vst v63  }
0x1db: {  	p1 =	sne.s32 s25, $0x7700;
	s25 =	sadd.s32 $0xE488, s26;
	s28 =	sadd.s32 $0x10, s24  }
0x1dc: {  	[hbm4b:s28+s3] =	stream.linear.scatter [tilespmem:s25], [sflag:$0x2], $0x80, $0x38;
	[tilespmem:$0x12800] =	vst v63  }
0x1dd: {  	s25 =	sadd.s32 $0xE510, s26;
	s28 =	sadd.s32 $0x20, s24  }
0x1de: {  	[hbm4b:s28+s3] =	stream.linear.scatter [tilespmem:s25], [sflag:$0x2], $0x80, $0x38;
	[tilespmem:$0x12800] =	vst v63  }
0x1df: {  	s25 =	sadd.s32 $0xE598, s26;
	s28 =	sadd.s32 $0x30, s24  }
0x1e0: {  	[hbm4b:s28+s3] =	stream.linear.scatter [tilespmem:s25], [sflag:$0x2], $0x80, $0x38;
	[tilespmem:$0x12800] =	vst v63  }
0x1e1: {  	s25 =	sadd.s32 $0xE620, s26;
	s28 =	sadd.s32 $0x40, s24  }
0x1e2: {  	[hbm4b:s28+s3] =	stream.linear.scatter [tilespmem:s25], [sflag:$0x2], $0x80, $0x38;
	[tilespmem:$0x12800] =	vst v63  }
.Ltmp7:
0x1e3: {  	s25 =	sadd.s32 $0xE6A8, s26;
	s28 =	sadd.s32 $0x50, s24;
	(pc) =	sbr.rel @p1 .LBB2_13-.Ltmp7, $4  }
0x1e4: {  	[hbm4b:s28+s3] =	stream.linear.scatter [tilespmem:s25], [sflag:$0x2], $0x80, $0x38;
	[tilespmem:$0x12800] =	vst v63  }
0x1e5: {  	s25 =	sadd.s32 $0xE730, s26;
	s28 =	sadd.s32 $0x60, s24;
	s26 =	sadd.s32 $0xE7B8, s26  }
0x1e6: {  	[hbm4b:s28+s3] =	stream.linear.scatter [tilespmem:s25], [sflag:$0x2], $0x80, $0x38;
	[tilespmem:$0x12800] =	vst v63  }
0x1e7: {  	s28 =	sadd.s32 $0x70, s24;
	s24 =	sadd.s32 $0x4000, s24;
	s25 =	smov.u32 s29  }
0x1e8: {  	[hbm4b:s28+s3] =	stream.linear.scatter [tilespmem:s26], [sflag:$0x2], $0x80, $0x38;
	[tilespmem:$0x12800] =	vst v63  }
0x1e9: {  	s25 =	sadd.s32 $0xE400, s22  }
0x1ea: {  	[hbm4b:s24+s3] =	stream.linear.scatter [tilespmem:s25], [sflag:$0x2], $0x80, $0x38;
	[tilespmem:$0x12800] =	vst v63  }
0x1eb: {  	s30 =	sadd.s32 $0xE488, s22;
	s31 =	sadd.s32 $0x10, s24  }
0x1ec: {  	[hbm4b:s31+s3] =	stream.linear.scatter [tilespmem:s30], [sflag:$0x2], $0x80, $0x38;
	[tilespmem:$0x12800] =	vst v63  }
0x1ed: {  	s28 =	sadd.s32 $0xE510, s22;
	s29 =	sadd.s32 $0x20, s24  }
0x1ee: {  	[hbm4b:s29+s3] =	stream.linear.scatter [tilespmem:s28], [sflag:$0x2], $0x80, $0x38;
	[tilespmem:$0x12800] =	vst v63  }
0x1ef: {  	s30 =	sadd.s32 $0xE598, s22;
	s31 =	sadd.s32 $0x30, s24  }
0x1f0: {  	[hbm4b:s31+s3] =	stream.linear.scatter [tilespmem:s30], [sflag:$0x2], $0x80, $0x38;
	[tilespmem:$0x12800] =	vst v63  }
0x1f1: {  	s28 =	sadd.s32 $0xE620, s22;
	s29 =	sadd.s32 $0x40, s24  }
0x1f2: {  	[hbm4b:s29+s3] =	stream.linear.scatter [tilespmem:s28], [sflag:$0x2], $0x80, $0x38;
	[tilespmem:$0x12800] =	vst v63  }
0x1f3: {  	s30 =	sadd.s32 $0xE6A8, s22;
	s31 =	sadd.s32 $0x50, s24  }
0x1f4: {  	[hbm4b:s31+s3] =	stream.linear.scatter [tilespmem:s30], [sflag:$0x2], $0x80, $0x38;
	[tilespmem:$0x12800] =	vst v63  }
0x1f5: {  	s26 =	simm.s32 $0x2;
	s28 =	sadd.s32 $0xE730, s22;
	s29 =	sadd.s32 $0x60, s24  }
0x1f6: {  	[hbm4b:s29+s3] =	stream.linear.scatter [tilespmem:s28], [sflag:$0x2], $0x80, $0x38;
	[tilespmem:$0x12800] =	vst v63  }
0x1f7: {  	s25 =	simm.s32 $0x1;
	s30 =	sadd.s32 $0xE7B8, s22;
	s31 =	sadd.s32 $0x70, s24  }
0x1f8: {  	v35 =	vmov s26;
	[hbm4b:s31+s3] =	stream.linear.scatter [tilespmem:s30], [sflag:$0x2], $0x80, $0x38;
	[tilespmem:$0x12800] =	vst v63  }
0x1f9: {  	v35 =	vshrl.u32 v35, $0x3;
	v34 =	vmov s25;
	s22 =	sadd.s32 @!p0 $0x280, s23;
	s23 =	simm.s32 @!p0 $0x80;
	s24 =	simm.s32 @!p0 $0x8400  }
0x1fa: {  	v52 =	vshll.u32 v35, v1;
	v34 =	vshrl.u32 v34, $0x3;
	[tilespmem:s24], [sflag:$0x1] =	stream.indirect.gather @!p0 [hbm4b:s4+s23], $0x40, s22, s23, $0xb8;
	[tilespmem:$0x12800] =	vst v63  }
0x1fb: {  	v52 =	vbroadcast v52, $0x0;
	v34 =	vshll.u32 v34, v1;
	s30 =	simm.s32 $0x7;
	_ =	swait.ge [sflag:s14], $0x2000  }
0x1fc: {  	v45 =	vbroadcast v34, $0x0;
	v38 =	vmov s30;
	s24 =	simm.s32 $0x0;
	[sflag:s14] =	ssyncset.done $0x0  }
0x1fd: {  	v49 =	vadd.s32 v9, v52;
	v38 =	vshrl.u32 v38, $0x3;
	v33 =	vmov s24;
	[sflag:s14] =	ssyncadd.s32 $0xFFFFE000  }
0x1fe: {  	v47 =	vadd.s32 v5, v45;
	s28 =	simm.s32 $0x3;
	v38 =	vshll.u32 v38, v1;
	v33 =	vshrl.u32 v33, $0x3;
	_ =	swait.ge [sflag:s18], $0x2000  }
0x1ff: {  	s29 =	simm.s32 $0x4;
	v36 =	vmov s28;
	v38 =	vbroadcast v38, $0x0;
	v33 =	vshll.u32 v33, v1;
	[sflag:s18] =	ssyncset.done $0x0  }
0x200: {  	v37 =	vmov s29;
	s31 =	simm.s32 $0x5;
	v36 =	vshrl.u32 v36, $0x3;
	s22 =	simm.s32 $0xC5F0;
	v33 =	vbroadcast v33, $0x0;
	[sflag:s18] =	ssyncadd.s32 $0xFFFFE000  }
0x201: {  	v37 =	vshrl.u32 v37, $0x3;
	v39 =	vmov s31;
	v42 =	vadd.s32 v29, v38;
	v41 =	vld [tilespmem:s22+$0xFFFFFFD0]  }
0x202: {  	v53 =	vshll.u32 v36, v1;
	v54 =	vshll.u32 v37, v1;
	s23 =	simm.s32 $0x6;
	v44 =	vadd.s32 v0, v33;
	v43 =	vld [tilespmem:s22+$0xFFFFFE10]  }
0x203: {  	v35 =	vbroadcast v53, $0x0;
	v55 =	vshrl.u32 v39, $0x3;
	v40 =	vmov s23;
	v46 =	vld [tilespmem:s22+$0xFFFFFE50]  }
0x204: {  	v34 =	vbroadcast v54, $0x0;
	v36 =	vshll.u32 v55, v1;
	v40 =	vshrl.u32 v40, $0x3;
	v48 =	vld [tilespmem:s22+$0xFFFFFE90]  }
0x205: {  	v50 =	vadd.s32 v13, v35;
	v37 =	vbroadcast v36, $0x0;
	v56 =	vshll.u32 v40, v1;
	v39 =	vld [tilespmem:s22+$0xFFFFFED0]  }
0x206: {  	v53 =	vadd.s32 v17, v34;
	v36 =	vbroadcast v56, $0x0;
	v51 =	vld [tilespmem:s22+$0xFFFFFF10];
	[tilespmem:v42+s17+$0x0] =	vst.idx.msk $0xffff, v41  }
0x207: {  	v60 =	vadd.s32 v21, v37;
	v59 =	vld [tilespmem:s22+$0xFFFFFF50];
	[tilespmem:v44+s17+$0x0] =	vst.idx.msk $0xffff, v43  }
0x208: {  	v62 =	vadd.s32 v25, v36;
	v61 =	vld [tilespmem:s22+$0xFFFFFF90];
	[tilespmem:v47+s17+$0x0] =	vst.idx.msk $0xffff, v46  }
0x209: {  	v58 =	vadd.s32 v30, v38;
	[tilespmem:v49+s17+$0x0] =	vst.idx.msk $0xffff, v48;
	v57 =	vld [tilespmem:s22+$0xFFFFFFE0]  }
0x20a: {  	v63 =	vadd.s32 v6, v45;
	[tilespmem:v50+s17+$0x0] =	vst.idx.msk $0xffff, v39;
	v47 =	vld [tilespmem:s22+$0xFFFFFE60]  }
0x20b: {  	v55 =	vadd.s32 v10, v52;
	[tilespmem:v53+s17+$0x0] =	vst.idx.msk $0xffff, v51;
	v54 =	vld [tilespmem:s22+$0xFFFFFEA0]  }
0x20c: {  	v56 =	vadd.s32 v14, v35;
	[tilespmem:v60+s17+$0x0] =	vst.idx.msk $0xffff, v59;
	v50 =	vld [tilespmem:s22+$0xFFFFFEE0]  }
0x20d: {  	[tilespmem:v62+s17+$0x0] =	vst.idx.msk $0xffff, v61;
	v46 =	vadd.s32 v22, v37;
	v44 =	vld [tilespmem:s22+$0xFFFFFF60]  }
0x20e: {  	v59 =	vadd.s32 v18, v34;
	[tilespmem:v58+s17+$0x0] =	vst.idx.msk $0xffff, v57;
	v58 =	vld [tilespmem:s22+$0xFFFFFF20]  }
0x20f: {  	v57 =	vadd.s32 v31, v38;
	[tilespmem:v63+s17+$0x0] =	vst.idx.msk $0xffff, v47;
	v40 =	vld [tilespmem:s22+$0xFFFFFFF0]  }
0x210: {  	v60 =	vadd.s32 v26, v36;
	[tilespmem:v55+s17+$0x0] =	vst.idx.msk $0xffff, v54;
	v63 =	vld [tilespmem:s22+$0xFFFFFFA0]  }
0x211: {  	v62 =	vadd.s32 v2, v33;
	v61 =	vld [tilespmem:s22+$0xFFFFFE20];
	[tilespmem:v56+s17+$0x0] =	vst.idx.msk $0xffff, v50  }
0x212: {  	v51 =	vadd.s32 v7, v45;
	[tilespmem:v46+s17+$0x0] =	vst.idx.msk $0xffff, v44;
	v50 =	vld [tilespmem:s22+$0xFFFFFE70]  }
0x213: {  	v56 =	vadd.s32 v11, v52;
	v55 =	vld [tilespmem:s22+$0xFFFFFEB0];
	[tilespmem:v59+s17+$0x0] =	vst.idx.msk $0xffff, v58  }
0x214: {  	v58 =	vadd.s32 v15, v35;
	[tilespmem:v57+s17+$0x0] =	vst.idx.msk $0xffff, v40;
	v57 =	vld [tilespmem:s22+$0xFFFFFEF0]  }
0x215: {  	[tilespmem:v60+s17+$0x0] =	vst.idx.msk $0xffff, v63;
	v60 =	vadd.s32 v19, v34;
	v59 =	vld [tilespmem:s22+$0xFFFFFF30]  }
0x216: {  	s25 =	simm.s32 $0x9;
	v38 =	vadd.s32 v32, v38;
	[tilespmem:v62+s17+$0x0] =	vst.idx.msk $0xffff, v61;
	v54 =	vld [tilespmem:s22+$0x0]  }
0x217: {  	s24 =	simm.s32 $0x8;
	v41 =	vadd.s32 v23, v37;
	v53 =	vmov s25;
	[tilespmem:v51+s17+$0x0] =	vst.idx.msk $0xffff, v50;
	v40 =	vld [tilespmem:s22+$0xFFFFFF70]  }
0x218: {  	s28 =	simm.s32 $0xB;
	s29 =	simm.s32 $0xC;
	v43 =	vadd.s32 v27, v36;
	v48 =	vadd.s32 v3, v33;
	v63 =	vmov s24;
	v42 =	vld [tilespmem:s22+$0xFFFFFFB0];
	[tilespmem:v56+s17+$0x0] =	vst.idx.msk $0xffff, v55  }
0x219: {  	s31 =	simm.s32 $0xE;
	v44 =	vmov s28;
	v47 =	vmov s29;
	v46 =	vld [tilespmem:s22+$0xFFFFFE30];
	v39 =	vshrl.u32 v63, $0x3;
	[tilespmem:v58+s17+$0x0] =	vst.idx.msk $0xffff, v57  }
0x21a: {  	s26 =	simm.s32 $0xA;
	s30 =	simm.s32 $0xD;
	v51 =	vadd.s32 v8, v45;
	v49 =	vld [tilespmem:s22+$0xFFFFFE80];
	v45 =	vshll.u32 v39, v1;
	v39 =	vmov s31;
	[tilespmem:v60+s17+$0x0] =	vst.idx.msk $0xffff, v59  }
0x21b: {  	s23 =	simm.s32 $0x10;
	v52 =	vadd.s32 v12, v52;
	s24 =	simm.s32 $0xF;
	v50 =	vld [tilespmem:s22+$0xFFFFFEC0];
	[tilespmem:v38+s17+$0x0] =	vst.idx.msk $0xffff, v54;
	v54 =	vmov s26;
	v38 =	vmov s30  }
.LBB2_15:
0x21c: {  	p1 =	slt.u32 s23, $0x78;
	v53 =	vshrl.u32 v53, $0x3;
	v55 =	vmov s24;
	v56 =	vld [tilespmem:s22+$0xFFFFFF00];
	v35 =	vadd.s32 v16, v35;
	[tilespmem:v41+s17+$0x0] =	vst.idx.msk $0xffff, v40  }
0x21d: {  	v40 =	vshrl.u32 v54, $0x3;
	v34 =	vadd.s32 v20, v34;
	v41 =	vshrl.u32 v55, $0x3;
	v54 =	vld [tilespmem:s22+$0xFFFFFF40];
	[tilespmem:v43+s17+$0x0] =	vst.idx.msk $0xffff, v42  }
0x21e: {  	v37 =	vadd.s32 v24, v37;
	v42 =	vshrl.u32 v44, $0x3;
	v41 =	vshll.u32 v41, v1;
	[tilespmem:v48+s17+$0x0] =	vst.idx.msk $0xffff, v46;
	v43 =	vld [tilespmem:s22+$0xFFFFFF80]  }
0x21f: {  	v36 =	vadd.s32 v28, v36;
	v44 =	vshrl.u32 v47, $0x3;
	v41 =	vbroadcast v41, $0x0;
	[tilespmem:v51+s17+$0x0] =	vst.idx.msk $0xffff, v49;
	v46 =	vld [tilespmem:s22+$0xFFFFFFC0]  }
0x220: {  	v47 =	vshll.u32 v53, v1;
	v49 =	vadd.s32 v4, v33;
	v33 =	vbroadcast v45, $0x0;
	v48 =	vld [tilespmem:s22+$0xFFFFFE40];
	[tilespmem:v52+s17+$0x0] =	vst.idx.msk $0xffff, v50;
	s22 =	sadd.s32 $0x200, s22  }
0x221: {  	v40 =	vshll.u32 v40, v1;
	v45 =	vbroadcast v47, $0x0;
	v47 =	vld [tilespmem:s22+$0xFFFFFFD0];
	v50 =	vadd.s32 v29, v41;
	[tilespmem:v35+s17+$0x0] =	vst.idx.msk $0xffff, v56  }
0x222: {  	v55 =	vbroadcast v40, $0x0;
	v52 =	vadd.s32 v0, v33;
	v35 =	vshll.u32 v42, v1;
	v51 =	vld [tilespmem:s22+$0xFFFFFE10];
	[tilespmem:v34+s17+$0x0] =	vst.idx.msk $0xffff, v54  }
0x223: {  	v42 =	vadd.s32 v5, v45;
	v35 =	vbroadcast v35, $0x0;
	v34 =	vshll.u32 v44, v1;
	v40 =	vld [tilespmem:s22+$0xFFFFFE50];
	[tilespmem:v37+s17+$0x0] =	vst.idx.msk $0xffff, v43  }
0x224: {  	v44 =	vadd.s32 v9, v55;
	v34 =	vbroadcast v34, $0x0;
	v37 =	vshrl.u32 v38, $0x3;
	v43 =	vld [tilespmem:s22+$0xFFFFFE90];
	[tilespmem:v36+s17+$0x0] =	vst.idx.msk $0xffff, v46  }
0x225: {  	v39 =	vshrl.u32 v39, $0x3;
	v46 =	vadd.s32 v13, v35;
	v36 =	vshll.u32 v37, v1;
	v38 =	vld [tilespmem:s22+$0xFFFFFED0];
	[tilespmem:v49+s17+$0x0] =	vst.idx.msk $0xffff, v48  }
0x226: {  	v49 =	vadd.s32 v17, v34;
	v37 =	vbroadcast v36, $0x0;
	v36 =	vshll.u32 v39, v1;
	v48 =	vld [tilespmem:s22+$0xFFFFFF10];
	[tilespmem:v50+s17+$0x0] =	vst.idx.msk $0xffff, v47  }
0x227: {  	v36 =	vbroadcast v36, $0x0;
	v47 =	vadd.s32 v30, v41;
	[tilespmem:v52+s17+$0x0] =	vst.idx.msk $0xffff, v51;
	v39 =	vld [tilespmem:s22+$0xFFFFFFE0]  }
0x228: {  	[tilespmem:v42+s17+$0x0] =	vst.idx.msk $0xffff, v40;
	v40 =	vld [tilespmem:s22+$0xFFFFFF50];
	v42 =	vadd.s32 v21, v37  }
0x229: {  	[tilespmem:v44+s17+$0x0] =	vst.idx.msk $0xffff, v43;
	v43 =	vld [tilespmem:s22+$0xFFFFFF90];
	v44 =	vadd.s32 v25, v36  }
0x22a: {  	v51 =	vadd.s32 v6, v45;
	v50 =	vld [tilespmem:s22+$0xFFFFFE60];
	[tilespmem:v46+s17+$0x0] =	vst.idx.msk $0xffff, v38  }
0x22b: {  	v46 =	vadd.s32 v10, v55;
	v38 =	vld [tilespmem:s22+$0xFFFFFEA0];
	[tilespmem:v49+s17+$0x0] =	vst.idx.msk $0xffff, v48  }
0x22c: {  	v49 =	vadd.s32 v14, v35;
	v48 =	vld [tilespmem:s22+$0xFFFFFEE0];
	[tilespmem:v47+s17+$0x0] =	vst.idx.msk $0xffff, v39  }
0x22d: {  	[tilespmem:v42+s17+$0x0] =	vst.idx.msk $0xffff, v40;
	v39 =	vld [tilespmem:s22+$0xFFFFFFF0];
	v40 =	vadd.s32 v31, v41  }
0x22e: {  	v47 =	vadd.s32 v18, v34;
	v42 =	vld [tilespmem:s22+$0xFFFFFF20];
	[tilespmem:v44+s17+$0x0] =	vst.idx.msk $0xffff, v43  }
0x22f: {  	v44 =	vadd.s32 v22, v37;
	[tilespmem:v51+s17+$0x0] =	vst.idx.msk $0xffff, v50;
	v43 =	vld [tilespmem:s22+$0xFFFFFF60]  }
0x230: {  	[tilespmem:v46+s17+$0x0] =	vst.idx.msk $0xffff, v38;
	v38 =	vld [tilespmem:s22+$0xFFFFFFA0];
	v46 =	vadd.s32 v26, v36  }
0x231: {  	v51 =	vadd.s32 v2, v33;
	v50 =	vld [tilespmem:s22+$0xFFFFFE20];
	[tilespmem:v49+s17+$0x0] =	vst.idx.msk $0xffff, v48  }
0x232: {  	v49 =	vadd.s32 v7, v45;
	v48 =	vld [tilespmem:s22+$0xFFFFFE70];
	[tilespmem:v40+s17+$0x0] =	vst.idx.msk $0xffff, v39  }
0x233: {  	[tilespmem:v47+s17+$0x0] =	vst.idx.msk $0xffff, v42;
	v39 =	vld [tilespmem:s22+$0x0];
	v47 =	vadd.s32 v32, v41  }
0x234: {  	v56 =	vadd.s32 v11, v55;
	v52 =	vld [tilespmem:s22+$0xFFFFFEB0];
	[tilespmem:v44+s17+$0x0] =	vst.idx.msk $0xffff, v43  }
0x235: {  	v58 =	vadd.s32 v15, v35;
	v57 =	vld [tilespmem:s22+$0xFFFFFEF0];
	[tilespmem:v46+s17+$0x0] =	vst.idx.msk $0xffff, v38  }
0x236: {  	v60 =	vadd.s32 v19, v34;
	[tilespmem:v51+s17+$0x0] =	vst.idx.msk $0xffff, v50;
	v59 =	vld [tilespmem:s22+$0xFFFFFF30]  }
.Ltmp8:
0x237: {  	s24 =	sadd.s32 $0x1, s23;
	v41 =	vadd.s32 v23, v37;
	v38 =	vmov s23;
	[tilespmem:v49+s17+$0x0] =	vst.idx.msk $0xffff, v48;
	v40 =	vld [tilespmem:s22+$0xFFFFFF70];
	(pc) =	sbr.rel @p1 .LBB2_15-.Ltmp8, $4  }
0x238: {  	s25 =	sadd.s32 $0x3, s23;
	v53 =	vmov s24;
	s24 =	sadd.s32 $0x2, s23;
	v43 =	vadd.s32 v27, v36;
	v50 =	vshrl.u32 v38, $0x3;
	v42 =	vld [tilespmem:s22+$0xFFFFFFB0];
	[tilespmem:v47+s17+$0x0] =	vst.idx.msk $0xffff, v39  }
0x239: {  	v54 =	vmov s24;
	s24 =	sadd.s32 $0x4, s23;
	v44 =	vmov s25;
	s25 =	sadd.s32 $0x5, s23;
	v48 =	vadd.s32 v3, v33;
	v46 =	vld [tilespmem:s22+$0xFFFFFE30];
	[tilespmem:v56+s17+$0x0] =	vst.idx.msk $0xffff, v52  }
0x23a: {  	v38 =	vmov s25;
	v51 =	vadd.s32 v8, v45;
	v47 =	vmov s24;
	s24 =	sadd.s32 $0x6, s23;
	v49 =	vld [tilespmem:s22+$0xFFFFFE80];
	[tilespmem:v58+s17+$0x0] =	vst.idx.msk $0xffff, v57  }
0x23b: {  	v45 =	vshll.u32 v50, v1;
	v39 =	vmov s24;
	s24 =	sadd.s32 $0x7, s23;
	s23 =	sadd.s32 $0x8, s23;
	v52 =	vadd.s32 v12, v55;
	v50 =	vld [tilespmem:s22+$0xFFFFFEC0];
	[tilespmem:v60+s17+$0x0] =	vst.idx.msk $0xffff, v59  }
0x23c: {  	_ =	sdelay $0x2  }
0x23d: {  	v53 =	vshrl.u32 v53, $0x3  }
0x23e: {  	v55 =	vmov s24;
	v56 =	vld [tilespmem:s22+$0xFFFFFF00];
	v35 =	vadd.s32 v16, v35;
	[tilespmem:v41+s17+$0x0] =	vst.idx.msk $0xffff, v40;
	v57 =	vshrl.u32 v54, $0x3  }
0x23f: {  	v59 =	vld [tilespmem:s22+$0xFFFFFF40];
	v34 =	vadd.s32 v20, v34;
	v60 =	vshrl.u32 v44, $0x3;
	v58 =	vshrl.u32 v55, $0x3;
	[tilespmem:v43+s17+$0x0] =	vst.idx.msk $0xffff, v42  }
0x240: {  	v37 =	vadd.s32 v24, v37;
	v62 =	vshrl.u32 v47, $0x3;
	v61 =	vld [tilespmem:s22+$0xFFFFFF80];
	v41 =	vshll.u32 v58, v1;
	[tilespmem:v48+s17+$0x0] =	vst.idx.msk $0xffff, v46  }
0x241: {  	v36 =	vadd.s32 v28, v36;
	v45 =	vbroadcast v45, $0x0;
	v63 =	vld [tilespmem:s22+$0xFFFFFFC0];
	v41 =	vbroadcast v41, $0x0;
	[tilespmem:v51+s17+$0x0] =	vst.idx.msk $0xffff, v49  }
0x242: {  	v33 =	vadd.s32 v4, v33;
	s25 =	sadd.s32 $0x200, s22;
	v38 =	vshrl.u32 v38, $0x3;
	v55 =	vshll.u32 v53, v1;
	v48 =	vld [tilespmem:s22+$0xFFFFFE40];
	[tilespmem:v52+s17+$0x0] =	vst.idx.msk $0xffff, v50  }
0x243: {  	v40 =	vshll.u32 v57, v1;
	v47 =	vbroadcast v55, $0x0;
	v49 =	vld [tilespmem:s25+$0xFFFFFFD0];
	v50 =	vadd.s32 v29, v41;
	[tilespmem:v35+s17+$0x0] =	vst.idx.msk $0xffff, v56  }
0x244: {  	v42 =	vshll.u32 v60, v1;
	v40 =	vbroadcast v40, $0x0;
	v35 =	vld [tilespmem:s25+$0xFFFFFE10];
	v56 =	vadd.s32 v0, v45;
	[tilespmem:v34+s17+$0x0] =	vst.idx.msk $0xffff, v59  }
0x245: {  	v57 =	vld [tilespmem:s25+$0xFFFFFE50];
	v44 =	vshll.u32 v62, v1;
	v42 =	vbroadcast v42, $0x0;
	v58 =	vadd.s32 v5, v47;
	[tilespmem:v37+s17+$0x0] =	vst.idx.msk $0xffff, v61  }
0x246: {  	v38 =	vshll.u32 v38, v1;
	v44 =	vbroadcast v44, $0x0;
	v60 =	vadd.s32 v9, v40;
	v59 =	vld [tilespmem:s25+$0xFFFFFE90];
	[tilespmem:v36+s17+$0x0] =	vst.idx.msk $0xffff, v63  }
0x247: {  	v38 =	vbroadcast v38, $0x0;
	v62 =	vadd.s32 v13, v42;
	v61 =	vld [tilespmem:s25+$0xFFFFFED0];
	[tilespmem:v33+s17+$0x0] =	vst.idx.msk $0xffff, v48  }
0x248: {  	v39 =	vshrl.u32 v39, $0x3;
	v63 =	vadd.s32 v17, v44;
	v33 =	vld [tilespmem:s25+$0xFFFFFF10];
	[tilespmem:v50+s17+$0x0] =	vst.idx.msk $0xffff, v49  }
0x249: {  	v39 =	vshll.u32 v39, v1;
	v34 =	vld [tilespmem:s25+$0xFFFFFF50];
	[tilespmem:v56+s17+$0x0] =	vst.idx.msk $0xffff, v35;
	v56 =	vadd.s32 v21, v38  }
0x24a: {  	[tilespmem:v58+s17+$0x0] =	vst.idx.msk $0xffff, v57;
	v35 =	vbroadcast v39, $0x0;
	v49 =	vadd.s32 v30, v41;
	v39 =	vld [tilespmem:s25+$0xFFFFFFE0]  }
0x24b: {  	[tilespmem:v60+s17+$0x0] =	vst.idx.msk $0xffff, v59;
	v59 =	vld [tilespmem:s25+$0xFFFFFE60];
	v60 =	vadd.s32 v6, v47  }
0x24c: {  	v57 =	vld [tilespmem:s25+$0xFFFFFF90];
	[tilespmem:v62+s17+$0x0] =	vst.idx.msk $0xffff, v61;
	v58 =	vadd.s32 v25, v35  }
0x24d: {  	v61 =	vld [tilespmem:s25+$0xFFFFFEA0];
	v62 =	vadd.s32 v10, v40;
	[tilespmem:v63+s17+$0x0] =	vst.idx.msk $0xffff, v33  }
0x24e: {  	v33 =	vld [tilespmem:s25+$0xFFFFFEE0];
	v63 =	vadd.s32 v14, v42;
	[tilespmem:v56+s17+$0x0] =	vst.idx.msk $0xffff, v34  }
0x24f: {  	v56 =	vadd.s32 v18, v44;
	[tilespmem:v49+s17+$0x0] =	vst.idx.msk $0xffff, v39;
	v49 =	vld [tilespmem:s25+$0xFFFFFF20]  }
0x250: {  	[tilespmem:v60+s17+$0x0] =	vst.idx.msk $0xffff, v59;
	v39 =	vadd.s32 v31, v41;
	v34 =	vld [tilespmem:s25+$0xFFFFFFF0]  }
0x251: {  	[tilespmem:v58+s17+$0x0] =	vst.idx.msk $0xffff, v57;
	v57 =	vld [tilespmem:s25+$0xFFFFFF60];
	v58 =	vadd.s32 v22, v38  }
0x252: {  	[tilespmem:v62+s17+$0x0] =	vst.idx.msk $0xffff, v61;
	v61 =	vld [tilespmem:s25+$0xFFFFFE20];
	v62 =	vadd.s32 v2, v45  }
0x253: {  	v60 =	vadd.s32 v26, v35;
	v59 =	vld [tilespmem:s25+$0xFFFFFFA0];
	[tilespmem:v63+s17+$0x0] =	vst.idx.msk $0xffff, v33  }
0x254: {  	v55 =	vadd.s32 v11, v40;
	v54 =	vadd.s32 v32, v41;
	v41 =	vld [tilespmem:s25+$0xFFFFFEB0];
	[tilespmem:v56+s17+$0x0] =	vst.idx.msk $0xffff, v49  }
0x255: {  	v53 =	vadd.s32 v7, v47;
	v63 =	vld [tilespmem:s25+$0xFFFFFE70];
	[tilespmem:v39+s17+$0x0] =	vst.idx.msk $0xffff, v34  }
0x256: {  	v56 =	vld [tilespmem:s25+$0xFFFFFEF0];
	[tilespmem:v58+s17+$0x0] =	vst.idx.msk $0xffff, v57;
	v57 =	vadd.s32 v15, v42  }
0x257: {  	[tilespmem:v62+s17+$0x0] =	vst.idx.msk $0xffff, v61;
	v34 =	vld [tilespmem:s25+$0x0]  }
0x258: {  	v58 =	vld [tilespmem:s25+$0xFFFFFF30];
	[tilespmem:v60+s17+$0x0] =	vst.idx.msk $0xffff, v59;
	v59 =	vadd.s32 v19, v44  }
0x259: {  	v61 =	vadd.s32 v23, v38;
	[tilespmem:v55+s17+$0x0] =	vst.idx.msk $0xffff, v41;
	v60 =	vld [tilespmem:s25+$0xFFFFFF70]  }
0x25a: {  	[tilespmem:v53+s17+$0x0] =	vst.idx.msk $0xffff, v63;
	v63 =	vadd.s32 v27, v35;
	v62 =	vld [tilespmem:s25+$0xFFFFFFB0]  }
0x25b: {  	v47 =	vadd.s32 v8, v47;
	v55 =	vld [tilespmem:s25+$0xFFFFFE80];
	[tilespmem:v57+s17+$0x0] =	vst.idx.msk $0xffff, v56  }
0x25c: {  	v53 =	vld [tilespmem:s25+$0xFFFFFE30];
	[tilespmem:v54+s17+$0x0] =	vst.idx.msk $0xffff, v34;
	v54 =	vadd.s32 v3, v45  }
0x25d: {  	v40 =	vadd.s32 v12, v40;
	v56 =	vld [tilespmem:s25+$0xFFFFFEC0];
	[tilespmem:v59+s17+$0x0] =	vst.idx.msk $0xffff, v58  }
0x25e: {  	v42 =	vadd.s32 v16, v42;
	v57 =	vld [tilespmem:s25+$0xFFFFFF00];
	[tilespmem:v61+s17+$0x0] =	vst.idx.msk $0xffff, v60  }
0x25f: {  	v59 =	vadd.s32 v20, v44;
	v58 =	vld [tilespmem:s25+$0xFFFFFF40];
	[tilespmem:v63+s17+$0x0] =	vst.idx.msk $0xffff, v62  }
0x260: {  	v38 =	vadd.s32 v24, v38;
	v60 =	vld [tilespmem:s25+$0xFFFFFF80];
	[tilespmem:v47+s17+$0x0] =	vst.idx.msk $0xffff, v55  }
0x261: {  	v35 =	vadd.s32 v28, v35;
	v61 =	vld [tilespmem:s25+$0xFFFFFFC0];
	[tilespmem:v54+s17+$0x0] =	vst.idx.msk $0xffff, v53  }
0x262: {  	v63 =	vadd.s32 v4, v45;
	[tilespmem:v40+s17+$0x0] =	vst.idx.msk $0xffff, v56;
	v62 =	vld [tilespmem:s25+$0xFFFFFE40]  }
0x263: {  	s21 =	sadd.s32 s6, s21;
	[tilespmem:v42+s17+$0x0] =	vst.idx.msk $0xffff, v57  }
0x264: {  	s26 =	sshll.u32 s21, $0x7;
	[tilespmem:v59+s17+$0x0] =	vst.idx.msk $0xffff, v58  }
0x265: {  	s21 =	sshll.u32 s21, $0xA;
	s22 =	sand.u32 $0x3F80, s26;
	[tilespmem:v38+s17+$0x0] =	vst.idx.msk $0xffff, v60  }
0x266: {  	s21 =	sand.u32 $0xFFE0000, s21;
	s22 =	sadd.s32 s2, s22;
	[tilespmem:v35+s17+$0x0] =	vst.idx.msk $0xffff, v61  }
0x267: {  	s28 =	simm.s32 $0x10600;
	s22 =	sadd.s32 s21, s22;
	[tilespmem:v63+s17+$0x0] =	vst.idx.msk $0xffff, v62  }
0x268: {  	[hbm4b:s22+s3] =	stream.linear.scatter [tilespmem:s28], [sflag:$0x2], $0x80, $0x38;
	[tilespmem:$0x12800] =	vst v63  }
0x269: {  	s29 =	simm.s32 $0x10688;
	s23 =	sadd.s32 $0x10, s22  }
0x26a: {  	[hbm4b:s23+s3] =	stream.linear.scatter [tilespmem:s29], [sflag:$0x2], $0x80, $0x38;
	[tilespmem:$0x12800] =	vst v63  }
0x26b: {  	s30 =	simm.s32 $0x10710;
	s21 =	simm.s32 $0x440;
	s31 =	sadd.s32 $0x20, s22  }
0x26c: {  	[hbm4b:s31+s3] =	stream.linear.scatter [tilespmem:s30], [sflag:$0x2], $0x80, $0x38;
	[tilespmem:$0x12800] =	vst v63  }
0x26d: {  	s24 =	sadd.s32 $0x30, s22;
	s26 =	sadd.s32 $0x40, s22;
	s23 =	simm.s32 $0x10798  }
0x26e: {  	[hbm4b:s24+s3] =	stream.linear.scatter [tilespmem:s23], [sflag:$0x2], $0x80, $0x38;
	[tilespmem:$0x12800] =	vst v63  }
0x26f: {  	s25 =	simm.s32 $0x10820;
	s28 =	simm.s32 $0x108A8;
	s29 =	sadd.s32 $0x50, s22  }
0x270: {  	[hbm4b:s26+s3] =	stream.linear.scatter [tilespmem:s25], [sflag:$0x2], $0x80, $0x38;
	[tilespmem:$0x12800] =	vst v63  }
0x271: {  	s30 =	simm.s32 $0x10930;
	s31 =	sadd.s32 $0x60, s22;
	s23 =	simm.s32 $0x2200  }
0x272: {  	[hbm4b:s29+s3] =	stream.linear.scatter [tilespmem:s28], [sflag:$0x2], $0x80, $0x38;
	[tilespmem:$0x12800] =	vst v63  }
0x273: {  	s24 =	simm.s32 $0x109B8;
	s25 =	sadd.s32 $0x70, s22;
	s22 =	sadd.s32 $0x4000, s22  }
0x274: {  	[hbm4b:s31+s3] =	stream.linear.scatter [tilespmem:s30], [sflag:$0x2], $0x80, $0x38;
	[tilespmem:$0x12800] =	vst v63  }
.LBB2_17:
0x275: {  	[hbm4b:s25+s3] =	stream.linear.scatter [tilespmem:s24], [sflag:$0x2], $0x80, $0x38;
	[tilespmem:$0x12800] =	vst v63  }
0x276: {  	s24 =	smov.u32 s21;
	s21 =	smov.u32 s23  }
0x277: {  	s26 =	sadd.s32 $0x1100, s23;
	s21 =	sshra.s32 s21, $0x2;
	s25 =	sadd.s32 $0x10600, s24  }
0x278: {  	[hbm4b:s22+s3] =	stream.linear.scatter [tilespmem:s25], [sflag:$0x2], $0x80, $0x38;
	[tilespmem:$0x12800] =	vst v63  }
0x279: {  	p1 =	sne.s32 s23, $0x7700;
	s23 =	sadd.s32 $0x10688, s24;
	s25 =	sadd.s32 $0x10, s22  }
0x27a: {  	[hbm4b:s25+s3] =	stream.linear.scatter [tilespmem:s23], [sflag:$0x2], $0x80, $0x38;
	[tilespmem:$0x12800] =	vst v63  }
0x27b: {  	s23 =	sadd.s32 $0x10710, s24;
	s25 =	sadd.s32 $0x20, s22  }
0x27c: {  	[hbm4b:s25+s3] =	stream.linear.scatter [tilespmem:s23], [sflag:$0x2], $0x80, $0x38;
	[tilespmem:$0x12800] =	vst v63  }
0x27d: {  	s23 =	sadd.s32 $0x10798, s24;
	s25 =	sadd.s32 $0x30, s22  }
0x27e: {  	[hbm4b:s25+s3] =	stream.linear.scatter [tilespmem:s23], [sflag:$0x2], $0x80, $0x38;
	[tilespmem:$0x12800] =	vst v63  }
0x27f: {  	s23 =	sadd.s32 $0x10820, s24;
	s25 =	sadd.s32 $0x40, s22  }
0x280: {  	[hbm4b:s25+s3] =	stream.linear.scatter [tilespmem:s23], [sflag:$0x2], $0x80, $0x38;
	[tilespmem:$0x12800] =	vst v63  }
.Ltmp9:
0x281: {  	s23 =	sadd.s32 $0x108A8, s24;
	s25 =	sadd.s32 $0x50, s22;
	(pc) =	sbr.rel @p1 .LBB2_17-.Ltmp9, $4  }
0x282: {  	[hbm4b:s25+s3] =	stream.linear.scatter [tilespmem:s23], [sflag:$0x2], $0x80, $0x38;
	[tilespmem:$0x12800] =	vst v63  }
0x283: {  	s23 =	sadd.s32 $0x10930, s24;
	s25 =	sadd.s32 $0x60, s22;
	s24 =	sadd.s32 $0x109B8, s24  }
0x284: {  	[hbm4b:s25+s3] =	stream.linear.scatter [tilespmem:s23], [sflag:$0x2], $0x80, $0x38;
	[tilespmem:$0x12800] =	vst v63  }
0x285: {  	s25 =	sadd.s32 $0x70, s22;
	s22 =	sadd.s32 $0x4000, s22;
	s23 =	smov.u32 s26  }
0x286: {  	[hbm4b:s25+s3] =	stream.linear.scatter [tilespmem:s24], [sflag:$0x2], $0x80, $0x38;
	[tilespmem:$0x12800] =	vst v63  }
0x287: {  	s23 =	sadd.s32 $0x10600, s21  }
0x288: {  	[hbm4b:s22+s3] =	stream.linear.scatter [tilespmem:s23], [sflag:$0x2], $0x80, $0x38;
	[tilespmem:$0x12800] =	vst v63  }
0x289: {  	s30 =	sadd.s32 $0x10688, s21;
	s31 =	sadd.s32 $0x10, s22  }
0x28a: {  	[hbm4b:s31+s3] =	stream.linear.scatter [tilespmem:s30], [sflag:$0x2], $0x80, $0x38;
	[tilespmem:$0x12800] =	vst v63  }
0x28b: {  	s25 =	sadd.s32 $0x10710, s21;
	s26 =	sadd.s32 $0x20, s22  }
0x28c: {  	[hbm4b:s26+s3] =	stream.linear.scatter [tilespmem:s25], [sflag:$0x2], $0x80, $0x38;
	[tilespmem:$0x12800] =	vst v63  }
0x28d: {  	s28 =	sadd.s32 $0x10798, s21;
	s29 =	sadd.s32 $0x30, s22  }
0x28e: {  	[hbm4b:s29+s3] =	stream.linear.scatter [tilespmem:s28], [sflag:$0x2], $0x80, $0x38;
	[tilespmem:$0x12800] =	vst v63  }
0x28f: {  	s30 =	sadd.s32 $0x10820, s21;
	s31 =	sadd.s32 $0x40, s22  }
0x290: {  	[hbm4b:s31+s3] =	stream.linear.scatter [tilespmem:s30], [sflag:$0x2], $0x80, $0x38;
	[tilespmem:$0x12800] =	vst v63  }
0x291: {  	s25 =	sadd.s32 $0x108A8, s21;
	s26 =	sadd.s32 $0x50, s22  }
0x292: {  	[hbm4b:s26+s3] =	stream.linear.scatter [tilespmem:s25], [sflag:$0x2], $0x80, $0x38;
	[tilespmem:$0x12800] =	vst v63  }
.Ltmp10:
0x293: {  	_ = 	snop;
	(pc) =	sbr.rel @p0 .LBB2_20-.Ltmp10, $4  }
0x294: {  	s28 =	sadd.s32 $0x10930, s21;
	s29 =	sadd.s32 $0x60, s22  }
0x295: {  	[hbm4b:s29+s3] =	stream.linear.scatter [tilespmem:s28], [sflag:$0x2], $0x80, $0x38;
	[tilespmem:$0x12800] =	vst v63  }
0x296: {  	s30 =	sadd.s32 $0x109B8, s21;
	s31 =	sadd.s32 $0x70, s22  }
0x297: {  	[hbm4b:s31+s3] =	stream.linear.scatter [tilespmem:s30], [sflag:$0x2], $0x80, $0x38;
	[tilespmem:$0x12800] =	vst v63  }
.Ltmp11:
0x298: {  	(pc) =	sbr.rel .LBB2_2-.Ltmp11, $4  }
0x299: {  	s21 =	sshll.u32 s20, $0x9  }
0x29a: {  	s21 =	sand.u32 $0x3FFFFE00, s21  }
0x29b: {  	s20 =	sadd.s32 $0x1, s20;
	s21 =	sadd.s32 $0x300, s21  }
0x29c: {  	[tilespmem:s13], [sflag:$0x1] =	stream.indirect.gather [hbm4b:s4+s9], $0x40, s21, s9, $0xb8;
	[tilespmem:$0x12800] =	vst v63  }
.LBB2_21:
0x29d: {  	_ =	sfence.sel $0x180000  }
0x29e: {  	[bflag:$0x0] =	sbarrier.arrive $0xFFFF  }
0x29f: {  	p0 =	sne.s32 s0, $0x0;
	_ =	strace $0x90000047  }
0x2a0: {  	s0 =	sadd.s32 @!p0 $0x100000, s1;
	[bflag:$0x2] =	sbarrier.arrive $0xFFFF  }
0x2a1: {  	[sflag:s0] =	ssyncadd.tile.s32 @!p0 $0x1;
	_ =	shalt  }
.Lfunc_end2:
_tile_overlayer_lowered:
.L_overlay_start_2:
0x2a2: {  	(tag) =	ssettag $0x2  }
0x2a3: {  	s0 =	rddreg [dreg:$0x0];
	s2 =	stileid.u32  }
0x2a4: {  	s1 =	rddreg [dreg:$0x1];
	p0 =	sne.s32 s2, $0x0  }
0x2a5: {  	s3 =	rddreg [dreg:$0x2];
	[bflag:$0x3] =	sbarrier.arrive $0xFFFF;
	s2 =	simm.s32 @!p0 $0x1C03  }
0x2a6: {  	[timem:s3], [sflag:s2] =	dma.local @!p0 [hbm:s0], s1  }
0x2a7: {  	s0 =	simm.s32 @!p0 $0x3  }
0x2a8: {  	_ =	swait.ge @!p0 [sflag:s0], s1  }
0x2a9: {  	s1 =	ssub.s32 @!p0 $0x0, s1;
	[sflag:s0] =	ssyncset.done @!p0 $0x0  }
0x2aa: {  	[sflag:s0] =	ssyncadd.s32 @!p0 s1  }
0x2ab: {  	[bflag:$0x3] =	sbarrier.arrive $0xFFFF  }
0x2ac: {  	_ =	shalt  }

</sc_bundles>
